<compile_context>
chip_gen: v7x
topology: tpu7x:2x2x1
jax: 0.10.2.dev20260603
libtpu: 0.0.44.dev20260713+nightly
codegen_flags: <defaults>
</compile_context>

<pallas_src>
import functools

import jax
import jax.numpy as jnp
from jax import lax
from jax.experimental import pallas as pl
from jax.experimental.pallas import tpu as pltpu
from jax.experimental.pallas import tpu_sc as plsc

N = 10000
D = 128
E = 320000
NC = 2
NS = 16
NW = NC * NS
C = 128
CHUNKS = 80
EPAD = NW * CHUNKS * C
ROWS = 10112
DUMP = ROWS - 1
RPT = ROWS // NS
SLABS = NW * CHUNKS
EPS = 1e-5

_mesh = plsc.VectorSubcoreMesh(core_axis_name="c", subcore_axis_name="s")


@functools.partial(
    pl.kernel,
    out_type=jax.ShapeDtypeStruct((NC * ROWS,), jnp.float32),
    mesh=_mesh,
    scratch_types=[
        pltpu.VMEM((CHUNKS,), jnp.int32),
        pltpu.VMEM((CHUNKS, C), jnp.int32),
        pltpu.VMEM((C,), jnp.float32),
        pltpu.VMEM((RPT,), jnp.float32),
        pltpu.SemaphoreType.DMA,
        pltpu.VMEM_SHARED((ROWS,), jnp.float32),
    ],
)
def _sc_hist(dst_hbm, degp_hbm, rowidx_v, idx_v, ones_v, str_v, sem, acc_sh):
    c = lax.axis_index("c")
    s = lax.axis_index("s")
    w = c * NS + s

    for g in range(C // 16):
        ones_v[pl.ds(g * 16, 16)] = jnp.full((16,), 1.0, jnp.float32)
    k = 0
    while k < RPT:
        k0 = min(k, RPT - 16)
        str_v[pl.ds(k0, 16)] = jnp.zeros((16,), jnp.float32)
        k += 16

    pltpu.sync_copy(str_v, acc_sh.at[pl.ds(s * RPT, RPT)])

    k = 0
    while k < CHUNKS:
        k0 = min(k, CHUNKS - 16)
        rowidx_v[pl.ds(k0, 16)] = (w * CHUNKS + k0
                                   + jax.lax.iota(jnp.int32, 16))
        k += 16
    pltpu.async_copy(dst_hbm.at[rowidx_v], idx_v, sem).wait()
    plsc.subcore_barrier()

    def step(j, carry):
        pltpu.sync_copy(ones_v, acc_sh.at[idx_v.at[j]], add=True)
        return carry

    lax.fori_loop(0, CHUNKS, step, 0)
    plsc.subcore_barrier()

    pltpu.sync_copy(acc_sh.at[pl.ds(s * RPT, RPT)], str_v)
    pltpu.sync_copy(str_v, degp_hbm.at[pl.ds(c * ROWS + s * RPT, RPT)])


def _tc1_body(x_ref, w1_ref, degp_ref, hs_ref, dinv_ref):
    deg = (degp_ref[0, :N] + degp_ref[1, :N] + 1.0).reshape(N, 1)
    dinv = lax.rsqrt(deg)
    dinv_ref[...] = dinv
    h = jnp.dot(x_ref[...], w1_ref[...], preferred_element_type=jnp.float32)
    hs_ref[...] = h * dinv


def _tc2_body(part_ref, hs1_ref, dinv_ref, g_ref, b1_ref, bt_ref, w2_ref,
              hs2_ref):
    dcol = dinv_ref[...]
    a = dcol * (part_ref[:N, :] + hs1_ref[...]) + b1_ref[...]
    mu = jnp.mean(a, axis=0, keepdims=True)
    var = jnp.mean(a * a, axis=0, keepdims=True) - mu * mu
    hbn = g_ref[...] * (a - mu) * lax.rsqrt(var + EPS) + bt_ref[...]
    hr = jnp.maximum(hbn, 0.0)
    h2 = jnp.dot(hr, w2_ref[...], preferred_element_type=jnp.float32)
    hs2_ref[...] = h2 * dcol


def _tc3_body(part_ref, hs2_ref, dinv_ref, b2_ref, out_ref):
    dcol = dinv_ref[...]
    out_ref[...] = dcol * (part_ref[:N, :] + hs2_ref[...]) + b2_ref[...]


_full = jax.ShapeDtypeStruct((N, D), jnp.float32)
_tc1 = pl.pallas_call(
    _tc1_body,
    out_shape=(_full, jax.ShapeDtypeStruct((N, 1), jnp.float32)),
)
_tc2 = pl.pallas_call(_tc2_body, out_shape=_full)
_tc3 = pl.pallas_call(_tc3_body, out_shape=_full)


@jax.jit
def kernel(x, edge_index, W1, b1, gamma, beta, W2, b2):
    src = edge_index[0]
    dst = edge_index[1]
    pad = EPAD - E
    srcf = jnp.concatenate([src, jnp.zeros((pad,), jnp.int32)])
    dstf = jnp.concatenate([dst, jnp.full((pad,), DUMP, jnp.int32)])
    drows = dstf.reshape(SLABS, C)

    degp = _sc_hist(drows).reshape(NC, ROWS)
    hs1, dinv = _tc1(x, W1, degp)

    p1 = jnp.zeros((ROWS, D), jnp.float32).at[dstf].add(hs1[srcf])
    hs2 = _tc2(p1, hs1, dinv, gamma.reshape(1, D), b1.reshape(1, D),
               beta.reshape(1, D), W2)
    p2 = jnp.zeros((ROWS, D), jnp.float32).at[dstf].add(hs2[srcf])
    return _tc3(p2, hs2, dinv, b2.reshape(1, D))

# --- scband reference (transcript-rebuilt; emitter-appended) ---
"""Pipeline reference for scband-gcnencoder-51230369906741 (READ-ONLY COPY).

The authoritative reference and input builder live on the scoring server;
editing this copy changes nothing except your own understanding.
"""

import jax, jax.numpy as jnp
import numpy as np

N = 10000
E = 320000
D_IN = 128
HID = 128
OUT = 128
EPS = 1e-5


def setup_inputs(seed: int = 0) -> dict:
    key = jax.random.key(seed)
    ks = jax.random.split(key, 8)
    x = jax.random.normal(ks[0], (N, D_IN), dtype=jnp.float32)
    edge_index = jax.random.randint(ks[1], (2, E), 0, N, dtype=jnp.int32)
    W1 = jax.random.normal(ks[2], (D_IN, HID), dtype=jnp.float32) * (1.0 / np.sqrt(D_IN))
    b1 = jnp.zeros((HID,), dtype=jnp.float32)
    gamma = jnp.ones((HID,), dtype=jnp.float32)
    beta = jnp.zeros((HID,), dtype=jnp.float32)
    W2 = jax.random.normal(ks[3], (HID, OUT), dtype=jnp.float32) * (1.0 / np.sqrt(HID))
    b2 = jnp.zeros((OUT,), dtype=jnp.float32)
    return {"x": x, "edge_index": edge_index, "W1": W1, "b1": b1,
            "gamma": gamma, "beta": beta, "W2": W2, "b2": b2}


def _gcn_conv(x, W, b, src, dst, n):
    # PyG GCNConv: linear transform, then symmetric-normalized mean aggregation
    # with self-loops already appended to (src, dst).
    h = x @ W
    ones = jnp.ones(src.shape[0], dtype=h.dtype)
    deg = jnp.zeros((n,), dtype=h.dtype).at[dst].add(ones)
    dinv = jax.lax.rsqrt(deg)  # deg >= 1 due to self-loops
    norm = dinv[src] * dinv[dst]
    msg = h[src] * norm[:, None]
    out = jnp.zeros_like(h).at[dst].add(msg)
    return out + b


def reference(x, edge_index, W1, b1, gamma, beta, W2, b2):
    loop = jnp.arange(N, dtype=edge_index.dtype)
    src = jnp.concatenate([edge_index[0], loop])
    dst = jnp.concatenate([edge_index[1], loop])
    # conv1
    h = _gcn_conv(x, W1, b1, src, dst, N)
    # BatchNorm1d (training mode: batch statistics, biased variance)
    mean = jnp.mean(h, axis=0)
    var = jnp.var(h, axis=0)
    h = gamma * (h - mean) / jnp.sqrt(var + EPS) + beta
    # relu
    h = jax.nn.relu(h)
    # conv2
    out = _gcn_conv(h, W2, b2, src, dst, N)
    return out

if __name__ == "__main__":
    import jax
    _d = setup_inputs()
    print(jax.jit(kernel)(*tuple(_d.values())))

</pallas_src>

<mosaic_0001>
#map = affine_map<(d0, d1) -> (0, 0)>
#map1 = affine_map<(d0, d1) -> (0)>
module attributes {stable_mosaic.version = 14 : i64} {
  func.func @_sc_hist(%arg0: i32, %arg1: i32, %arg2: memref<2560x128xi32, #tpu.memory_space<hbm>>, %arg3: memref<20224xf32, #tpu.memory_space<hbm>>, %arg4: memref<80xi32, #tpu.memory_space<vmem>>, %arg5: memref<80x128xi32, #tpu.memory_space<vmem>>, %arg6: memref<128xf32, #tpu.memory_space<vmem>>, %arg7: memref<632xf32, #tpu.memory_space<vmem>>, %arg8: memref<!tpu.dma_semaphore, #tpu.memory_space<semaphore_mem>>, %arg9: memref<10112xf32, #tpu.memory_space<vmem_shared>>) attributes {dimension_semantics = [#tpu.dimension_semantics<core_parallel>, #tpu.dimension_semantics<subcore_parallel>], iteration_bounds = array<i64: 2, 16>, scalar_prefetch = 0 : i64, scratch_operands = 6 : i64, tpu.core_type = #tpu.core_type<sc_vector_subcore>, window_params = [{transform_indices = #map}, {transform_indices = #map1}]} {
    %mul3A = arith.constant 16 : i32
    %mul3A_0 = arith.muli %arg0, %mul3A : i32
    %add3A = arith.addi %mul3A_0, %arg1 : i32
    %broadcast_in_dim3A = arith.constant 1.000000e+00 : f32
    %broadcast_in_dim3A_1 = vector.broadcast %broadcast_in_dim3A : f32 to vector<16xf32>
    %swap3A = arith.constant 0 : index
    %swap3A_2 = tpu.vector_load %arg6[%swap3A] {strides = array<i32>} : memref<128xf32, #tpu.memory_space<vmem>>, vector<16xf32>,
    %swap3A_3 = vector.shape_cast %swap3A_2 : vector<16xf32> to vector<16xf32>
    %swap3A_4 = vector.shape_cast %broadcast_in_dim3A_1 : vector<16xf32> to vector<16xf32>
    tpu.vector_store %arg6[%swap3A], %swap3A_4 {strides = array<i32>} : memref<128xf32, #tpu.memory_space<vmem>>, vector<16xf32>,
    %broadcast_in_dim3A_5 = arith.constant 1.000000e+00 : f32
    %broadcast_in_dim3A_6 = vector.broadcast %broadcast_in_dim3A_5 : f32 to vector<16xf32>
    %swap3A_7 = arith.constant 16 : index
    %swap3A_8 = tpu.vector_load %arg6[%swap3A_7] {strides = array<i32>} : memref<128xf32, #tpu.memory_space<vmem>>, vector<16xf32>,
    %swap3A_9 = vector.shape_cast %swap3A_8 : vector<16xf32> to vector<16xf32>
    %swap3A_10 = vector.shape_cast %broadcast_in_dim3A_6 : vector<16xf32> to vector<16xf32>
    tpu.vector_store %arg6[%swap3A_7], %swap3A_10 {strides = array<i32>} : memref<128xf32, #tpu.memory_space<vmem>>, vector<16xf32>,
    %broadcast_in_dim3A_11 = arith.constant 1.000000e+00 : f32
    %broadcast_in_dim3A_12 = vector.broadcast %broadcast_in_dim3A_11 : f32 to vector<16xf32>
    %swap3A_13 = arith.constant 32 : index
    %swap3A_14 = tpu.vector_load %arg6[%swap3A_13] {strides = array<i32>} : memref<128xf32, #tpu.memory_space<vmem>>, vector<16xf32>,
    %swap3A_15 = vector.shape_cast %swap3A_14 : vector<16xf32> to vector<16xf32>
    %swap3A_16 = vector.shape_cast %broadcast_in_dim3A_12 : vector<16xf32> to vector<16xf32>
    tpu.vector_store %arg6[%swap3A_13], %swap3A_16 {strides = array<i32>} : memref<128xf32, #tpu.memory_space<vmem>>, vector<16xf32>,
    %broadcast_in_dim3A_17 = arith.constant 1.000000e+00 : f32
    %broadcast_in_dim3A_18 = vector.broadcast %broadcast_in_dim3A_17 : f32 to vector<16xf32>
    %swap3A_19 = arith.constant 48 : index
    %swap3A_20 = tpu.vector_load %arg6[%swap3A_19] {strides = array<i32>} : memref<128xf32, #tpu.memory_space<vmem>>, vector<16xf32>,
    %swap3A_21 = vector.shape_cast %swap3A_20 : vector<16xf32> to vector<16xf32>
    %swap3A_22 = vector.shape_cast %broadcast_in_dim3A_18 : vector<16xf32> to vector<16xf32>
    tpu.vector_store %arg6[%swap3A_19], %swap3A_22 {strides = array<i32>} : memref<128xf32, #tpu.memory_space<vmem>>, vector<16xf32>,
    %broadcast_in_dim3A_23 = arith.constant 1.000000e+00 : f32
    %broadcast_in_dim3A_24 = vector.broadcast %broadcast_in_dim3A_23 : f32 to vector<16xf32>
    %swap3A_25 = arith.constant 64 : index
    %swap3A_26 = tpu.vector_load %arg6[%swap3A_25] {strides = array<i32>} : memref<128xf32, #tpu.memory_space<vmem>>, vector<16xf32>,
    %swap3A_27 = vector.shape_cast %swap3A_26 : vector<16xf32> to vector<16xf32>
    %swap3A_28 = vector.shape_cast %broadcast_in_dim3A_24 : vector<16xf32> to vector<16xf32>
    tpu.vector_store %arg6[%swap3A_25], %swap3A_28 {strides = array<i32>} : memref<128xf32, #tpu.memory_space<vmem>>, vector<16xf32>,
    %broadcast_in_dim3A_29 = arith.constant 1.000000e+00 : f32
    %broadcast_in_dim3A_30 = vector.broadcast %broadcast_in_dim3A_29 : f32 to vector<16xf32>
    %swap3A_31 = arith.constant 80 : index
    %swap3A_32 = tpu.vector_load %arg6[%swap3A_31] {strides = array<i32>} : memref<128xf32, #tpu.memory_space<vmem>>, vector<16xf32>,
    %swap3A_33 = vector.shape_cast %swap3A_32 : vector<16xf32> to vector<16xf32>
    %swap3A_34 = vector.shape_cast %broadcast_in_dim3A_30 : vector<16xf32> to vector<16xf32>
    tpu.vector_store %arg6[%swap3A_31], %swap3A_34 {strides = array<i32>} : memref<128xf32, #tpu.memory_space<vmem>>, vector<16xf32>,
    %broadcast_in_dim3A_35 = arith.constant 1.000000e+00 : f32
    %broadcast_in_dim3A_36 = vector.broadcast %broadcast_in_dim3A_35 : f32 to vector<16xf32>
    %swap3A_37 = arith.constant 96 : index
    %swap3A_38 = tpu.vector_load %arg6[%swap3A_37] {strides = array<i32>} : memref<128xf32, #tpu.memory_space<vmem>>, vector<16xf32>,
    %swap3A_39 = vector.shape_cast %swap3A_38 : vector<16xf32> to vector<16xf32>
    %swap3A_40 = vector.shape_cast %broadcast_in_dim3A_36 : vector<16xf32> to vector<16xf32>
    tpu.vector_store %arg6[%swap3A_37], %swap3A_40 {strides = array<i32>} : memref<128xf32, #tpu.memory_space<vmem>>, vector<16xf32>,
    %broadcast_in_dim3A_41 = arith.constant 1.000000e+00 : f32
    %broadcast_in_dim3A_42 = vector.broadcast %broadcast_in_dim3A_41 : f32 to vector<16xf32>
    %swap3A_43 = arith.constant 112 : index
    %swap3A_44 = tpu.vector_load %arg6[%swap3A_43] {strides = array<i32>} : memref<128xf32, #tpu.memory_space<vmem>>, vector<16xf32>,
    %swap3A_45 = vector.shape_cast %swap3A_44 : vector<16xf32> to vector<16xf32>
    %swap3A_46 = vector.shape_cast %broadcast_in_dim3A_42 : vector<16xf32> to vector<16xf32>
    tpu.vector_store %arg6[%swap3A_43], %swap3A_46 {strides = array<i32>} : memref<128xf32, #tpu.memory_space<vmem>>, vector<16xf32>,
    %broadcast_in_dim3A_47 = arith.constant 0.000000e+00 : f32
    %broadcast_in_dim3A_48 = vector.broadcast %broadcast_in_dim3A_47 : f32 to vector<16xf32>
    %swap3A_49 = arith.constant 0 : index
    %swap3A_50 = tpu.vector_load %arg7[%swap3A_49] {strides = array<i32>} : memref<632xf32, #tpu.memory_space<vmem>>, vector<16xf32>,
    %swap3A_51 = vector.shape_cast %swap3A_50 : vector<16xf32> to vector<16xf32>
    %swap3A_52 = vector.shape_cast %broadcast_in_dim3A_48 : vector<16xf32> to vector<16xf32>
    tpu.vector_store %arg7[%swap3A_49], %swap3A_52 {strides = array<i32>} : memref<632xf32, #tpu.memory_space<vmem>>, vector<16xf32>,
    %broadcast_in_dim3A_53 = arith.constant 0.000000e+00 : f32
    %broadcast_in_dim3A_54 = vector.broadcast %broadcast_in_dim3A_53 : f32 to vector<16xf32>
    %swap3A_55 = arith.constant 16 : index
    %swap3A_56 = tpu.vector_load %arg7[%swap3A_55] {strides = array<i32>} : memref<632xf32, #tpu.memory_space<vmem>>, vector<16xf32>,
    %swap3A_57 = vector.shape_cast %swap3A_56 : vector<16xf32> to vector<16xf32>
    %swap3A_58 = vector.shape_cast %broadcast_in_dim3A_54 : vector<16xf32> to vector<16xf32>
    tpu.vector_store %arg7[%swap3A_55], %swap3A_58 {strides = array<i32>} : memref<632xf32, #tpu.memory_space<vmem>>, vector<16xf32>,
    %broadcast_in_dim3A_59 = arith.constant 0.000000e+00 : f32
    %broadcast_in_dim3A_60 = vector.broadcast %broadcast_in_dim3A_59 : f32 to vector<16xf32>
    %swap3A_61 = arith.constant 32 : index
    %swap3A_62 = tpu.vector_load %arg7[%swap3A_61] {strides = array<i32>} : memref<632xf32, #tpu.memory_space<vmem>>, vector<16xf32>,
    %swap3A_63 = vector.shape_cast %swap3A_62 : vector<16xf32> to vector<16xf32>
    %swap3A_64 = vector.shape_cast %broadcast_in_dim3A_60 : vector<16xf32> to vector<16xf32>
    tpu.vector_store %arg7[%swap3A_61], %swap3A_64 {strides = array<i32>} : memref<632xf32, #tpu.memory_space<vmem>>, vector<16xf32>,
    %broadcast_in_dim3A_65 = arith.constant 0.000000e+00 : f32
    %broadcast_in_dim3A_66 = vector.broadcast %broadcast_in_dim3A_65 : f32 to vector<16xf32>
    %swap3A_67 = arith.constant 48 : index
    %swap3A_68 = tpu.vector_load %arg7[%swap3A_67] {strides = array<i32>} : memref<632xf32, #tpu.memory_space<vmem>>, vector<16xf32>,
    %swap3A_69 = vector.shape_cast %swap3A_68 : vector<16xf32> to vector<16xf32>
    %swap3A_70 = vector.shape_cast %broadcast_in_dim3A_66 : vector<16xf32> to vector<16xf32>
    tpu.vector_store %arg7[%swap3A_67], %swap3A_70 {strides = array<i32>} : memref<632xf32, #tpu.memory_space<vmem>>, vector<16xf32>,
    %broadcast_in_dim3A_71 = arith.constant 0.000000e+00 : f32
    %broadcast_in_dim3A_72 = vector.broadcast %broadcast_in_dim3A_71 : f32 to vector<16xf32>
    %swap3A_73 = arith.constant 64 : index
    %swap3A_74 = tpu.vector_load %arg7[%swap3A_73] {strides = array<i32>} : memref<632xf32, #tpu.memory_space<vmem>>, vector<16xf32>,
    %swap3A_75 = vector.shape_cast %swap3A_74 : vector<16xf32> to vector<16xf32>
    %swap3A_76 = vector.shape_cast %broadcast_in_dim3A_72 : vector<16xf32> to vector<16xf32>
    tpu.vector_store %arg7[%swap3A_73], %swap3A_76 {strides = array<i32>} : memref<632xf32, #tpu.memory_space<vmem>>, vector<16xf32>,
    %broadcast_in_dim3A_77 = arith.constant 0.000000e+00 : f32
    %broadcast_in_dim3A_78 = vector.broadcast %broadcast_in_dim3A_77 : f32 to vector<16xf32>
    %swap3A_79 = arith.constant 80 : index
    %swap3A_80 = tpu.vector_load %arg7[%swap3A_79] {strides = array<i32>} : memref<632xf32, #tpu.memory_space<vmem>>, vector<16xf32>,
    %swap3A_81 = vector.shape_cast %swap3A_80 : vector<16xf32> to vector<16xf32>
    %swap3A_82 = vector.shape_cast %broadcast_in_dim3A_78 : vector<16xf32> to vector<16xf32>
    tpu.vector_store %arg7[%swap3A_79], %swap3A_82 {strides = array<i32>} : memref<632xf32, #tpu.memory_space<vmem>>, vector<16xf32>,
    %broadcast_in_dim3A_83 = arith.constant 0.000000e+00 : f32
    %broadcast_in_dim3A_84 = vector.broadcast %broadcast_in_dim3A_83 : f32 to vector<16xf32>
    %swap3A_85 = arith.constant 96 : index
    %swap3A_86 = tpu.vector_load %arg7[%swap3A_85] {strides = array<i32>} : memref<632xf32, #tpu.memory_space<vmem>>, vector<16xf32>,
    %swap3A_87 = vector.shape_cast %swap3A_86 : vector<16xf32> to vector<16xf32>
    %swap3A_88 = vector.shape_cast %broadcast_in_dim3A_84 : vector<16xf32> to vector<16xf32>
    tpu.vector_store %arg7[%swap3A_85], %swap3A_88 {strides = array<i32>} : memref<632xf32, #tpu.memory_space<vmem>>, vector<16xf32>,
    %broadcast_in_dim3A_89 = arith.constant 0.000000e+00 : f32
    %broadcast_in_dim3A_90 = vector.broadcast %broadcast_in_dim3A_89 : f32 to vector<16xf32>
    %swap3A_91 = arith.constant 112 : index
    %swap3A_92 = tpu.vector_load %arg7[%swap3A_91] {strides = array<i32>} : memref<632xf32, #tpu.memory_space<vmem>>, vector<16xf32>,
    %swap3A_93 = vector.shape_cast %swap3A_92 : vector<16xf32> to vector<16xf32>
    %swap3A_94 = vector.shape_cast %broadcast_in_dim3A_90 : vector<16xf32> to vector<16xf32>
    tpu.vector_store %arg7[%swap3A_91], %swap3A_94 {strides = array<i32>} : memref<632xf32, #tpu.memory_space<vmem>>, vector<16xf32>,
    %broadcast_in_dim3A_95 = arith.constant 0.000000e+00 : f32
    %broadcast_in_dim3A_96 = vector.broadcast %broadcast_in_dim3A_95 : f32 to vector<16xf32>
    %swap3A_97 = arith.constant 128 : index
    %swap3A_98 = tpu.vector_load %arg7[%swap3A_97] {strides = array<i32>} : memref<632xf32, #tpu.memory_space<vmem>>, vector<16xf32>,
    %swap3A_99 = vector.shape_cast %swap3A_98 : vector<16xf32> to vector<16xf32>
    %swap3A_100 = vector.shape_cast %broadcast_in_dim3A_96 : vector<16xf32> to vector<16xf32>
    tpu.vector_store %arg7[%swap3A_97], %swap3A_100 {strides = array<i32>} : memref<632xf32, #tpu.memory_space<vmem>>, vector<16xf32>,
    %broadcast_in_dim3A_101 = arith.constant 0.000000e+00 : f32
    %broadcast_in_dim3A_102 = vector.broadcast %broadcast_in_dim3A_101 : f32 to vector<16xf32>
    %swap3A_103 = arith.constant 144 : index
    %swap3A_104 = tpu.vector_load %arg7[%swap3A_103] {strides = array<i32>} : memref<632xf32, #tpu.memory_space<vmem>>, vector<16xf32>,
    %swap3A_105 = vector.shape_cast %swap3A_104 : vector<16xf32> to vector<16xf32>
    %swap3A_106 = vector.shape_cast %broadcast_in_dim3A_102 : vector<16xf32> to vector<16xf32>
    tpu.vector_store %arg7[%swap3A_103], %swap3A_106 {strides = array<i32>} : memref<632xf32, #tpu.memory_space<vmem>>, vector<16xf32>,
    %broadcast_in_dim3A_107 = arith.constant 0.000000e+00 : f32
    %broadcast_in_dim3A_108 = vector.broadcast %broadcast_in_dim3A_107 : f32 to vector<16xf32>
    %swap3A_109 = arith.constant 160 : index
    %swap3A_110 = tpu.vector_load %arg7[%swap3A_109] {strides = array<i32>} : memref<632xf32, #tpu.memory_space<vmem>>, vector<16xf32>,
    %swap3A_111 = vector.shape_cast %swap3A_110 : vector<16xf32> to vector<16xf32>
    %swap3A_112 = vector.shape_cast %broadcast_in_dim3A_108 : vector<16xf32> to vector<16xf32>
    tpu.vector_store %arg7[%swap3A_109], %swap3A_112 {strides = array<i32>} : memref<632xf32, #tpu.memory_space<vmem>>, vector<16xf32>,
    %broadcast_in_dim3A_113 = arith.constant 0.000000e+00 : f32
    %broadcast_in_dim3A_114 = vector.broadcast %broadcast_in_dim3A_113 : f32 to vector<16xf32>
    %swap3A_115 = arith.constant 176 : index
    %swap3A_116 = tpu.vector_load %arg7[%swap3A_115] {strides = array<i32>} : memref<632xf32, #tpu.memory_space<vmem>>, vector<16xf32>,
    %swap3A_117 = vector.shape_cast %swap3A_116 : vector<16xf32> to vector<16xf32>
    %swap3A_118 = vector.shape_cast %broadcast_in_dim3A_114 : vector<16xf32> to vector<16xf32>
    tpu.vector_store %arg7[%swap3A_115], %swap3A_118 {strides = array<i32>} : memref<632xf32, #tpu.memory_space<vmem>>, vector<16xf32>,
    %broadcast_in_dim3A_119 = arith.constant 0.000000e+00 : f32
    %broadcast_in_dim3A_120 = vector.broadcast %broadcast_in_dim3A_119 : f32 to vector<16xf32>
    %swap3A_121 = arith.constant 192 : index
    %swap3A_122 = tpu.vector_load %arg7[%swap3A_121] {strides = array<i32>} : memref<632xf32, #tpu.memory_space<vmem>>, vector<16xf32>,
    %swap3A_123 = vector.shape_cast %swap3A_122 : vector<16xf32> to vector<16xf32>
    %swap3A_124 = vector.shape_cast %broadcast_in_dim3A_120 : vector<16xf32> to vector<16xf32>
    tpu.vector_store %arg7[%swap3A_121], %swap3A_124 {strides = array<i32>} : memref<632xf32, #tpu.memory_space<vmem>>, vector<16xf32>,
    %broadcast_in_dim3A_125 = arith.constant 0.000000e+00 : f32
    %broadcast_in_dim3A_126 = vector.broadcast %broadcast_in_dim3A_125 : f32 to vector<16xf32>
    %swap3A_127 = arith.constant 208 : index
    %swap3A_128 = tpu.vector_load %arg7[%swap3A_127] {strides = array<i32>} : memref<632xf32, #tpu.memory_space<vmem>>, vector<16xf32>,
    %swap3A_129 = vector.shape_cast %swap3A_128 : vector<16xf32> to vector<16xf32>
    %swap3A_130 = vector.shape_cast %broadcast_in_dim3A_126 : vector<16xf32> to vector<16xf32>
    tpu.vector_store %arg7[%swap3A_127], %swap3A_130 {strides = array<i32>} : memref<632xf32, #tpu.memory_space<vmem>>, vector<16xf32>,
    %broadcast_in_dim3A_131 = arith.constant 0.000000e+00 : f32
    %broadcast_in_dim3A_132 = vector.broadcast %broadcast_in_dim3A_131 : f32 to vector<16xf32>
    %swap3A_133 = arith.constant 224 : index
    %swap3A_134 = tpu.vector_load %arg7[%swap3A_133] {strides = array<i32>} : memref<632xf32, #tpu.memory_space<vmem>>, vector<16xf32>,
    %swap3A_135 = vector.shape_cast %swap3A_134 : vector<16xf32> to vector<16xf32>
    %swap3A_136 = vector.shape_cast %broadcast_in_dim3A_132 : vector<16xf32> to vector<16xf32>
    tpu.vector_store %arg7[%swap3A_133], %swap3A_136 {strides = array<i32>} : memref<632xf32, #tpu.memory_space<vmem>>, vector<16xf32>,
    %broadcast_in_dim3A_137 = arith.constant 0.000000e+00 : f32
    %broadcast_in_dim3A_138 = vector.broadcast %broadcast_in_dim3A_137 : f32 to vector<16xf32>
    %swap3A_139 = arith.constant 240 : index
    %swap3A_140 = tpu.vector_load %arg7[%swap3A_139] {strides = array<i32>} : memref<632xf32, #tpu.memory_space<vmem>>, vector<16xf32>,
    %swap3A_141 = vector.shape_cast %swap3A_140 : vector<16xf32> to vector<16xf32>
    %swap3A_142 = vector.shape_cast %broadcast_in_dim3A_138 : vector<16xf32> to vector<16xf32>
    tpu.vector_store %arg7[%swap3A_139], %swap3A_142 {strides = array<i32>} : memref<632xf32, #tpu.memory_space<vmem>>, vector<16xf32>,
    %broadcast_in_dim3A_143 = arith.constant 0.000000e+00 : f32
    %broadcast_in_dim3A_144 = vector.broadcast %broadcast_in_dim3A_143 : f32 to vector<16xf32>
    %swap3A_145 = arith.constant 256 : index
    %swap3A_146 = tpu.vector_load %arg7[%swap3A_145] {strides = array<i32>} : memref<632xf32, #tpu.memory_space<vmem>>, vector<16xf32>,
    %swap3A_147 = vector.shape_cast %swap3A_146 : vector<16xf32> to vector<16xf32>
    %swap3A_148 = vector.shape_cast %broadcast_in_dim3A_144 : vector<16xf32> to vector<16xf32>
    tpu.vector_store %arg7[%swap3A_145], %swap3A_148 {strides = array<i32>} : memref<632xf32, #tpu.memory_space<vmem>>, vector<16xf32>,
    %broadcast_in_dim3A_149 = arith.constant 0.000000e+00 : f32
    %broadcast_in_dim3A_150 = vector.broadcast %broadcast_in_dim3A_149 : f32 to vector<16xf32>
    %swap3A_151 = arith.constant 272 : index
    %swap3A_152 = tpu.vector_load %arg7[%swap3A_151] {strides = array<i32>} : memref<632xf32, #tpu.memory_space<vmem>>, vector<16xf32>,
    %swap3A_153 = vector.shape_cast %swap3A_152 : vector<16xf32> to vector<16xf32>
    %swap3A_154 = vector.shape_cast %broadcast_in_dim3A_150 : vector<16xf32> to vector<16xf32>
    tpu.vector_store %arg7[%swap3A_151], %swap3A_154 {strides = array<i32>} : memref<632xf32, #tpu.memory_space<vmem>>, vector<16xf32>,
    %broadcast_in_dim3A_155 = arith.constant 0.000000e+00 : f32
    %broadcast_in_dim3A_156 = vector.broadcast %broadcast_in_dim3A_155 : f32 to vector<16xf32>
    %swap3A_157 = arith.constant 288 : index
    %swap3A_158 = tpu.vector_load %arg7[%swap3A_157] {strides = array<i32>} : memref<632xf32, #tpu.memory_space<vmem>>, vector<16xf32>,
    %swap3A_159 = vector.shape_cast %swap3A_158 : vector<16xf32> to vector<16xf32>
    %swap3A_160 = vector.shape_cast %broadcast_in_dim3A_156 : vector<16xf32> to vector<16xf32>
    tpu.vector_store %arg7[%swap3A_157], %swap3A_160 {strides = array<i32>} : memref<632xf32, #tpu.memory_space<vmem>>, vector<16xf32>,
    %broadcast_in_dim3A_161 = arith.constant 0.000000e+00 : f32
    %broadcast_in_dim3A_162 = vector.broadcast %broadcast_in_dim3A_161 : f32 to vector<16xf32>
    %swap3A_163 = arith.constant 304 : index
    %swap3A_164 = tpu.vector_load %arg7[%swap3A_163] {strides = array<i32>} : memref<632xf32, #tpu.memory_space<vmem>>, vector<16xf32>,
    %swap3A_165 = vector.shape_cast %swap3A_164 : vector<16xf32> to vector<16xf32>
    %swap3A_166 = vector.shape_cast %broadcast_in_dim3A_162 : vector<16xf32> to vector<16xf32>
    tpu.vector_store %arg7[%swap3A_163], %swap3A_166 {strides = array<i32>} : memref<632xf32, #tpu.memory_space<vmem>>, vector<16xf32>,
    %broadcast_in_dim3A_167 = arith.constant 0.000000e+00 : f32
    %broadcast_in_dim3A_168 = vector.broadcast %broadcast_in_dim3A_167 : f32 to vector<16xf32>
    %swap3A_169 = arith.constant 320 : index
    %swap3A_170 = tpu.vector_load %arg7[%swap3A_169] {strides = array<i32>} : memref<632xf32, #tpu.memory_space<vmem>>, vector<16xf32>,
    %swap3A_171 = vector.shape_cast %swap3A_170 : vector<16xf32> to vector<16xf32>
    %swap3A_172 = vector.shape_cast %broadcast_in_dim3A_168 : vector<16xf32> to vector<16xf32>
    tpu.vector_store %arg7[%swap3A_169], %swap3A_172 {strides = array<i32>} : memref<632xf32, #tpu.memory_space<vmem>>, vector<16xf32>,
    %broadcast_in_dim3A_173 = arith.constant 0.000000e+00 : f32
    %broadcast_in_dim3A_174 = vector.broadcast %broadcast_in_dim3A_173 : f32 to vector<16xf32>
    %swap3A_175 = arith.constant 336 : index
    %swap3A_176 = tpu.vector_load %arg7[%swap3A_175] {strides = array<i32>} : memref<632xf32, #tpu.memory_space<vmem>>, vector<16xf32>,
    %swap3A_177 = vector.shape_cast %swap3A_176 : vector<16xf32> to vector<16xf32>
    %swap3A_178 = vector.shape_cast %broadcast_in_dim3A_174 : vector<16xf32> to vector<16xf32>
    tpu.vector_store %arg7[%swap3A_175], %swap3A_178 {strides = array<i32>} : memref<632xf32, #tpu.memory_space<vmem>>, vector<16xf32>,
    %broadcast_in_dim3A_179 = arith.constant 0.000000e+00 : f32
    %broadcast_in_dim3A_180 = vector.broadcast %broadcast_in_dim3A_179 : f32 to vector<16xf32>
    %swap3A_181 = arith.constant 352 : index
    %swap3A_182 = tpu.vector_load %arg7[%swap3A_181] {strides = array<i32>} : memref<632xf32, #tpu.memory_space<vmem>>, vector<16xf32>,
    %swap3A_183 = vector.shape_cast %swap3A_182 : vector<16xf32> to vector<16xf32>
    %swap3A_184 = vector.shape_cast %broadcast_in_dim3A_180 : vector<16xf32> to vector<16xf32>
    tpu.vector_store %arg7[%swap3A_181], %swap3A_184 {strides = array<i32>} : memref<632xf32, #tpu.memory_space<vmem>>, vector<16xf32>,
    %broadcast_in_dim3A_185 = arith.constant 0.000000e+00 : f32
    %broadcast_in_dim3A_186 = vector.broadcast %broadcast_in_dim3A_185 : f32 to vector<16xf32>
    %swap3A_187 = arith.constant 368 : index
    %swap3A_188 = tpu.vector_load %arg7[%swap3A_187] {strides = array<i32>} : memref<632xf32, #tpu.memory_space<vmem>>, vector<16xf32>,
    %swap3A_189 = vector.shape_cast %swap3A_188 : vector<16xf32> to vector<16xf32>
    %swap3A_190 = vector.shape_cast %broadcast_in_dim3A_186 : vector<16xf32> to vector<16xf32>
    tpu.vector_store %arg7[%swap3A_187], %swap3A_190 {strides = array<i32>} : memref<632xf32, #tpu.memory_space<vmem>>, vector<16xf32>,
    %broadcast_in_dim3A_191 = arith.constant 0.000000e+00 : f32
    %broadcast_in_dim3A_192 = vector.broadcast %broadcast_in_dim3A_191 : f32 to vector<16xf32>
    %swap3A_193 = arith.constant 384 : index
    %swap3A_194 = tpu.vector_load %arg7[%swap3A_193] {strides = array<i32>} : memref<632xf32, #tpu.memory_space<vmem>>, vector<16xf32>,
    %swap3A_195 = vector.shape_cast %swap3A_194 : vector<16xf32> to vector<16xf32>
    %swap3A_196 = vector.shape_cast %broadcast_in_dim3A_192 : vector<16xf32> to vector<16xf32>
    tpu.vector_store %arg7[%swap3A_193], %swap3A_196 {strides = array<i32>} : memref<632xf32, #tpu.memory_space<vmem>>, vector<16xf32>,
    %broadcast_in_dim3A_197 = arith.constant 0.000000e+00 : f32
    %broadcast_in_dim3A_198 = vector.broadcast %broadcast_in_dim3A_197 : f32 to vector<16xf32>
    %swap3A_199 = arith.constant 400 : index
    %swap3A_200 = tpu.vector_load %arg7[%swap3A_199] {strides = array<i32>} : memref<632xf32, #tpu.memory_space<vmem>>, vector<16xf32>,
    %swap3A_201 = vector.shape_cast %swap3A_200 : vector<16xf32> to vector<16xf32>
    %swap3A_202 = vector.shape_cast %broadcast_in_dim3A_198 : vector<16xf32> to vector<16xf32>
    tpu.vector_store %arg7[%swap3A_199], %swap3A_202 {strides = array<i32>} : memref<632xf32, #tpu.memory_space<vmem>>, vector<16xf32>,
    %broadcast_in_dim3A_203 = arith.constant 0.000000e+00 : f32
    %broadcast_in_dim3A_204 = vector.broadcast %broadcast_in_dim3A_203 : f32 to vector<16xf32>
    %swap3A_205 = arith.constant 416 : index
    %swap3A_206 = tpu.vector_load %arg7[%swap3A_205] {strides = array<i32>} : memref<632xf32, #tpu.memory_space<vmem>>, vector<16xf32>,
    %swap3A_207 = vector.shape_cast %swap3A_206 : vector<16xf32> to vector<16xf32>
    %swap3A_208 = vector.shape_cast %broadcast_in_dim3A_204 : vector<16xf32> to vector<16xf32>
    tpu.vector_store %arg7[%swap3A_205], %swap3A_208 {strides = array<i32>} : memref<632xf32, #tpu.memory_space<vmem>>, vector<16xf32>,
    %broadcast_in_dim3A_209 = arith.constant 0.000000e+00 : f32
    %broadcast_in_dim3A_210 = vector.broadcast %broadcast_in_dim3A_209 : f32 to vector<16xf32>
    %swap3A_211 = arith.constant 432 : index
    %swap3A_212 = tpu.vector_load %arg7[%swap3A_211] {strides = array<i32>} : memref<632xf32, #tpu.memory_space<vmem>>, vector<16xf32>,
    %swap3A_213 = vector.shape_cast %swap3A_212 : vector<16xf32> to vector<16xf32>
    %swap3A_214 = vector.shape_cast %broadcast_in_dim3A_210 : vector<16xf32> to vector<16xf32>
    tpu.vector_store %arg7[%swap3A_211], %swap3A_214 {strides = array<i32>} : memref<632xf32, #tpu.memory_space<vmem>>, vector<16xf32>,
    %broadcast_in_dim3A_215 = arith.constant 0.000000e+00 : f32
    %broadcast_in_dim3A_216 = vector.broadcast %broadcast_in_dim3A_215 : f32 to vector<16xf32>
    %swap3A_217 = arith.constant 448 : index
    %swap3A_218 = tpu.vector_load %arg7[%swap3A_217] {strides = array<i32>} : memref<632xf32, #tpu.memory_space<vmem>>, vector<16xf32>,
    %swap3A_219 = vector.shape_cast %swap3A_218 : vector<16xf32> to vector<16xf32>
    %swap3A_220 = vector.shape_cast %broadcast_in_dim3A_216 : vector<16xf32> to vector<16xf32>
    tpu.vector_store %arg7[%swap3A_217], %swap3A_220 {strides = array<i32>} : memref<632xf32, #tpu.memory_space<vmem>>, vector<16xf32>,
    %broadcast_in_dim3A_221 = arith.constant 0.000000e+00 : f32
    %broadcast_in_dim3A_222 = vector.broadcast %broadcast_in_dim3A_221 : f32 to vector<16xf32>
    %swap3A_223 = arith.constant 464 : index
    %swap3A_224 = tpu.vector_load %arg7[%swap3A_223] {strides = array<i32>} : memref<632xf32, #tpu.memory_space<vmem>>, vector<16xf32>,
    %swap3A_225 = vector.shape_cast %swap3A_224 : vector<16xf32> to vector<16xf32>
    %swap3A_226 = vector.shape_cast %broadcast_in_dim3A_222 : vector<16xf32> to vector<16xf32>
    tpu.vector_store %arg7[%swap3A_223], %swap3A_226 {strides = array<i32>} : memref<632xf32, #tpu.memory_space<vmem>>, vector<16xf32>,
    %broadcast_in_dim3A_227 = arith.constant 0.000000e+00 : f32
    %broadcast_in_dim3A_228 = vector.broadcast %broadcast_in_dim3A_227 : f32 to vector<16xf32>
    %swap3A_229 = arith.constant 480 : index
    %swap3A_230 = tpu.vector_load %arg7[%swap3A_229] {strides = array<i32>} : memref<632xf32, #tpu.memory_space<vmem>>, vector<16xf32>,
    %swap3A_231 = vector.shape_cast %swap3A_230 : vector<16xf32> to vector<16xf32>
    %swap3A_232 = vector.shape_cast %broadcast_in_dim3A_228 : vector<16xf32> to vector<16xf32>
    tpu.vector_store %arg7[%swap3A_229], %swap3A_232 {strides = array<i32>} : memref<632xf32, #tpu.memory_space<vmem>>, vector<16xf32>,
    %broadcast_in_dim3A_233 = arith.constant 0.000000e+00 : f32
    %broadcast_in_dim3A_234 = vector.broadcast %broadcast_in_dim3A_233 : f32 to vector<16xf32>
    %swap3A_235 = arith.constant 496 : index
    %swap3A_236 = tpu.vector_load %arg7[%swap3A_235] {strides = array<i32>} : memref<632xf32, #tpu.memory_space<vmem>>, vector<16xf32>,
    %swap3A_237 = vector.shape_cast %swap3A_236 : vector<16xf32> to vector<16xf32>
    %swap3A_238 = vector.shape_cast %broadcast_in_dim3A_234 : vector<16xf32> to vector<16xf32>
    tpu.vector_store %arg7[%swap3A_235], %swap3A_238 {strides = array<i32>} : memref<632xf32, #tpu.memory_space<vmem>>, vector<16xf32>,
    %broadcast_in_dim3A_239 = arith.constant 0.000000e+00 : f32
    %broadcast_in_dim3A_240 = vector.broadcast %broadcast_in_dim3A_239 : f32 to vector<16xf32>
    %swap3A_241 = arith.constant 512 : index
    %swap3A_242 = tpu.vector_load %arg7[%swap3A_241] {strides = array<i32>} : memref<632xf32, #tpu.memory_space<vmem>>, vector<16xf32>,
    %swap3A_243 = vector.shape_cast %swap3A_242 : vector<16xf32> to vector<16xf32>
    %swap3A_244 = vector.shape_cast %broadcast_in_dim3A_240 : vector<16xf32> to vector<16xf32>
    tpu.vector_store %arg7[%swap3A_241], %swap3A_244 {strides = array<i32>} : memref<632xf32, #tpu.memory_space<vmem>>, vector<16xf32>,
    %broadcast_in_dim3A_245 = arith.constant 0.000000e+00 : f32
    %broadcast_in_dim3A_246 = vector.broadcast %broadcast_in_dim3A_245 : f32 to vector<16xf32>
    %swap3A_247 = arith.constant 528 : index
    %swap3A_248 = tpu.vector_load %arg7[%swap3A_247] {strides = array<i32>} : memref<632xf32, #tpu.memory_space<vmem>>, vector<16xf32>,
    %swap3A_249 = vector.shape_cast %swap3A_248 : vector<16xf32> to vector<16xf32>
    %swap3A_250 = vector.shape_cast %broadcast_in_dim3A_246 : vector<16xf32> to vector<16xf32>
    tpu.vector_store %arg7[%swap3A_247], %swap3A_250 {strides = array<i32>} : memref<632xf32, #tpu.memory_space<vmem>>, vector<16xf32>,
    %broadcast_in_dim3A_251 = arith.constant 0.000000e+00 : f32
    %broadcast_in_dim3A_252 = vector.broadcast %broadcast_in_dim3A_251 : f32 to vector<16xf32>
    %swap3A_253 = arith.constant 544 : index
    %swap3A_254 = tpu.vector_load %arg7[%swap3A_253] {strides = array<i32>} : memref<632xf32, #tpu.memory_space<vmem>>, vector<16xf32>,
    %swap3A_255 = vector.shape_cast %swap3A_254 : vector<16xf32> to vector<16xf32>
    %swap3A_256 = vector.shape_cast %broadcast_in_dim3A_252 : vector<16xf32> to vector<16xf32>
    tpu.vector_store %arg7[%swap3A_253], %swap3A_256 {strides = array<i32>} : memref<632xf32, #tpu.memory_space<vmem>>, vector<16xf32>,
    %broadcast_in_dim3A_257 = arith.constant 0.000000e+00 : f32
    %broadcast_in_dim3A_258 = vector.broadcast %broadcast_in_dim3A_257 : f32 to vector<16xf32>
    %swap3A_259 = arith.constant 560 : index
    %swap3A_260 = tpu.vector_load %arg7[%swap3A_259] {strides = array<i32>} : memref<632xf32, #tpu.memory_space<vmem>>, vector<16xf32>,
    %swap3A_261 = vector.shape_cast %swap3A_260 : vector<16xf32> to vector<16xf32>
    %swap3A_262 = vector.shape_cast %broadcast_in_dim3A_258 : vector<16xf32> to vector<16xf32>
    tpu.vector_store %arg7[%swap3A_259], %swap3A_262 {strides = array<i32>} : memref<632xf32, #tpu.memory_space<vmem>>, vector<16xf32>,
    %broadcast_in_dim3A_263 = arith.constant 0.000000e+00 : f32
    %broadcast_in_dim3A_264 = vector.broadcast %broadcast_in_dim3A_263 : f32 to vector<16xf32>
    %swap3A_265 = arith.constant 576 : index
    %swap3A_266 = tpu.vector_load %arg7[%swap3A_265] {strides = array<i32>} : memref<632xf32, #tpu.memory_space<vmem>>, vector<16xf32>,
    %swap3A_267 = vector.shape_cast %swap3A_266 : vector<16xf32> to vector<16xf32>
    %swap3A_268 = vector.shape_cast %broadcast_in_dim3A_264 : vector<16xf32> to vector<16xf32>
    tpu.vector_store %arg7[%swap3A_265], %swap3A_268 {strides = array<i32>} : memref<632xf32, #tpu.memory_space<vmem>>, vector<16xf32>,
    %broadcast_in_dim3A_269 = arith.constant 0.000000e+00 : f32
    %broadcast_in_dim3A_270 = vector.broadcast %broadcast_in_dim3A_269 : f32 to vector<16xf32>
    %swap3A_271 = arith.constant 592 : index
    %swap3A_272 = tpu.vector_load %arg7[%swap3A_271] {strides = array<i32>} : memref<632xf32, #tpu.memory_space<vmem>>, vector<16xf32>,
    %swap3A_273 = vector.shape_cast %swap3A_272 : vector<16xf32> to vector<16xf32>
    %swap3A_274 = vector.shape_cast %broadcast_in_dim3A_270 : vector<16xf32> to vector<16xf32>
    tpu.vector_store %arg7[%swap3A_271], %swap3A_274 {strides = array<i32>} : memref<632xf32, #tpu.memory_space<vmem>>, vector<16xf32>,
    %broadcast_in_dim3A_275 = arith.constant 0.000000e+00 : f32
    %broadcast_in_dim3A_276 = vector.broadcast %broadcast_in_dim3A_275 : f32 to vector<16xf32>
    %swap3A_277 = arith.constant 608 : index
    %swap3A_278 = tpu.vector_load %arg7[%swap3A_277] {strides = array<i32>} : memref<632xf32, #tpu.memory_space<vmem>>, vector<16xf32>,
    %swap3A_279 = vector.shape_cast %swap3A_278 : vector<16xf32> to vector<16xf32>
    %swap3A_280 = vector.shape_cast %broadcast_in_dim3A_276 : vector<16xf32> to vector<16xf32>
    tpu.vector_store %arg7[%swap3A_277], %swap3A_280 {strides = array<i32>} : memref<632xf32, #tpu.memory_space<vmem>>, vector<16xf32>,
    %broadcast_in_dim3A_281 = arith.constant 0.000000e+00 : f32
    %broadcast_in_dim3A_282 = vector.broadcast %broadcast_in_dim3A_281 : f32 to vector<16xf32>
    %swap3A_283 = arith.constant 616 : index
    %swap3A_284 = tpu.vector_load %arg7[%swap3A_283] {strides = array<i32>} : memref<632xf32, #tpu.memory_space<vmem>>, vector<16xf32>,
    %swap3A_285 = vector.shape_cast %swap3A_284 : vector<16xf32> to vector<16xf32>
    %swap3A_286 = vector.shape_cast %broadcast_in_dim3A_282 : vector<16xf32> to vector<16xf32>
    tpu.vector_store %arg7[%swap3A_283], %swap3A_286 {strides = array<i32>} : memref<632xf32, #tpu.memory_space<vmem>>, vector<16xf32>,
    %mul3A_287 = arith.constant 632 : i32
    %mul3A_288 = arith.muli %arg1, %mul3A_287 : i32
    "tpu.region"() ({
      %run_scoped3A = tpu.sem_alloc : memref<!tpu.dma_semaphore, #tpu.memory_space<semaphore_mem>>
      %dma_start3A_360 = tpu.memref_slice %arg9[%mul3A_288] : memref<10112xf32, #tpu.memory_space<vmem_shared>> -> memref<632xf32, #tpu.memory_space<vmem_shared>>
      %dma_start3A_361 = tpu.memref_slice %arg9[%mul3A_288] : memref<10112xf32, #tpu.memory_space<vmem_shared>> -> memref<632xf32, #tpu.memory_space<vmem_shared>>
      tpu.enqueue_dma source(%arg7 : memref<632xf32, #tpu.memory_space<vmem>>) target(%dma_start3A_361 : memref<632xf32, #tpu.memory_space<vmem_shared>>) target_semaphore(%run_scoped3A : memref<!tpu.dma_semaphore, #tpu.memory_space<semaphore_mem>>)
      %dma_wait3A_362 = tpu.memref_slice %arg9[%mul3A_288] : memref<10112xf32, #tpu.memory_space<vmem_shared>> -> memref<632xf32, #tpu.memory_space<vmem_shared>>
      %dma_wait3A_363 = tpu.memref_slice %arg9[%mul3A_288] : memref<10112xf32, #tpu.memory_space<vmem_shared>> -> memref<632xf32, #tpu.memory_space<vmem_shared>>
      tpu.wait_dma2 semaphore(%run_scoped3A : memref<!tpu.dma_semaphore, #tpu.memory_space<semaphore_mem>>) src(%arg7 : memref<632xf32, #tpu.memory_space<vmem>>) dst(%dma_wait3A_363 : memref<632xf32, #tpu.memory_space<vmem_shared>>)
      tpu.yield
    }) : () -> ()
    %mul3A_289 = arith.constant 80 : i32
    %mul3A_290 = arith.muli %add3A, %mul3A_289 : i32
    %add3A_291 = arith.constant 0 : i32
    %add3A_292 = arith.addi %mul3A_290, %add3A_291 : i32
    %iota3A = tpu.iota {dimensions = array<i32: 0>} : vector<16xi32>
    %add3A_293 = vector.broadcast %add3A_292 : i32 to vector<16xi32>
    %add3A_294 = arith.addi %add3A_293, %iota3A : vector<16xi32>
    %swap3A_295 = arith.constant 0 : index
    %swap3A_296 = tpu.vector_load %arg4[%swap3A_295] {strides = array<i32>} : memref<80xi32, #tpu.memory_space<vmem>>, vector<16xi32>,
    %swap3A_297 = vector.shape_cast %swap3A_296 : vector<16xi32> to vector<16xi32>
    %swap3A_298 = vector.shape_cast %add3A_294 : vector<16xi32> to vector<16xi32>
    tpu.vector_store %arg4[%swap3A_295], %swap3A_298 {strides = array<i32>} : memref<80xi32, #tpu.memory_space<vmem>>, vector<16xi32>,
    %mul3A_299 = arith.constant 80 : i32
    %mul3A_300 = arith.muli %add3A, %mul3A_299 : i32
    %add3A_301 = arith.constant 16 : i32
    %add3A_302 = arith.addi %mul3A_300, %add3A_301 : i32
    %iota3A_303 = tpu.iota {dimensions = array<i32: 0>} : vector<16xi32>
    %add3A_304 = vector.broadcast %add3A_302 : i32 to vector<16xi32>
    %add3A_305 = arith.addi %add3A_304, %iota3A_303 : vector<16xi32>
    %swap3A_306 = arith.constant 16 : index
    %swap3A_307 = tpu.vector_load %arg4[%swap3A_306] {strides = array<i32>} : memref<80xi32, #tpu.memory_space<vmem>>, vector<16xi32>,
    %swap3A_308 = vector.shape_cast %swap3A_307 : vector<16xi32> to vector<16xi32>
    %swap3A_309 = vector.shape_cast %add3A_305 : vector<16xi32> to vector<16xi32>
    tpu.vector_store %arg4[%swap3A_306], %swap3A_309 {strides = array<i32>} : memref<80xi32, #tpu.memory_space<vmem>>, vector<16xi32>,
    %mul3A_310 = arith.constant 80 : i32
    %mul3A_311 = arith.muli %add3A, %mul3A_310 : i32
    %add3A_312 = arith.constant 32 : i32
    %add3A_313 = arith.addi %mul3A_311, %add3A_312 : i32
    %iota3A_314 = tpu.iota {dimensions = array<i32: 0>} : vector<16xi32>
    %add3A_315 = vector.broadcast %add3A_313 : i32 to vector<16xi32>
    %add3A_316 = arith.addi %add3A_315, %iota3A_314 : vector<16xi32>
    %swap3A_317 = arith.constant 32 : index
    %swap3A_318 = tpu.vector_load %arg4[%swap3A_317] {strides = array<i32>} : memref<80xi32, #tpu.memory_space<vmem>>, vector<16xi32>,
    %swap3A_319 = vector.shape_cast %swap3A_318 : vector<16xi32> to vector<16xi32>
    %swap3A_320 = vector.shape_cast %add3A_316 : vector<16xi32> to vector<16xi32>
    tpu.vector_store %arg4[%swap3A_317], %swap3A_320 {strides = array<i32>} : memref<80xi32, #tpu.memory_space<vmem>>, vector<16xi32>,
    %mul3A_321 = arith.constant 80 : i32
    %mul3A_322 = arith.muli %add3A, %mul3A_321 : i32
    %add3A_323 = arith.constant 48 : i32
    %add3A_324 = arith.addi %mul3A_322, %add3A_323 : i32
    %iota3A_325 = tpu.iota {dimensions = array<i32: 0>} : vector<16xi32>
    %add3A_326 = vector.broadcast %add3A_324 : i32 to vector<16xi32>
    %add3A_327 = arith.addi %add3A_326, %iota3A_325 : vector<16xi32>
    %swap3A_328 = arith.constant 48 : index
    %swap3A_329 = tpu.vector_load %arg4[%swap3A_328] {strides = array<i32>} : memref<80xi32, #tpu.memory_space<vmem>>, vector<16xi32>,
    %swap3A_330 = vector.shape_cast %swap3A_329 : vector<16xi32> to vector<16xi32>
    %swap3A_331 = vector.shape_cast %add3A_327 : vector<16xi32> to vector<16xi32>
    tpu.vector_store %arg4[%swap3A_328], %swap3A_331 {strides = array<i32>} : memref<80xi32, #tpu.memory_space<vmem>>, vector<16xi32>,
    %mul3A_332 = arith.constant 80 : i32
    %mul3A_333 = arith.muli %add3A, %mul3A_332 : i32
    %add3A_334 = arith.constant 64 : i32
    %add3A_335 = arith.addi %mul3A_333, %add3A_334 : i32
    %iota3A_336 = tpu.iota {dimensions = array<i32: 0>} : vector<16xi32>
    %add3A_337 = vector.broadcast %add3A_335 : i32 to vector<16xi32>
    %add3A_338 = arith.addi %add3A_337, %iota3A_336 : vector<16xi32>
    %swap3A_339 = arith.constant 64 : index
    %swap3A_340 = tpu.vector_load %arg4[%swap3A_339] {strides = array<i32>} : memref<80xi32, #tpu.memory_space<vmem>>, vector<16xi32>,
    %swap3A_341 = vector.shape_cast %swap3A_340 : vector<16xi32> to vector<16xi32>
    %swap3A_342 = vector.shape_cast %add3A_338 : vector<16xi32> to vector<16xi32>
    tpu.vector_store %arg4[%swap3A_339], %swap3A_342 {strides = array<i32>} : memref<80xi32, #tpu.memory_space<vmem>>, vector<16xi32>,
    %dma_start3A = arith.constant 0 : i32
    %dma_start3A_343 = arith.constant 0 : i32
    %dma_start3A_344 = tpu.memref_slice %arg2[%dma_start3A, %dma_start3A_343] : memref<2560x128xi32, #tpu.memory_space<hbm>> -> memref<2560x128xi32, #tpu.memory_space<hbm>>
    tpu.enqueue_indirect_dma source(%dma_start3A_344 : memref<2560x128xi32, #tpu.memory_space<hbm>>) target(%arg5 : memref<80x128xi32, #tpu.memory_space<vmem>>) offsets(%arg4 : memref<80xi32, #tpu.memory_space<vmem>>) semaphore(%arg8 : memref<!tpu.dma_semaphore, #tpu.memory_space<semaphore_mem>>)
    %dma_wait3A = arith.constant 0 : i32
    %dma_wait3A_345 = arith.constant 0 : i32
    %dma_wait3A_346 = tpu.memref_slice %arg2[%dma_wait3A, %dma_wait3A_345] : memref<2560x128xi32, #tpu.memory_space<hbm>> -> memref<2560x128xi32, #tpu.memory_space<hbm>>
    tpu.wait_indirect_dma semaphore(%arg8 : memref<!tpu.dma_semaphore, #tpu.memory_space<semaphore_mem>>) src(%dma_wait3A_346 : memref<2560x128xi32, #tpu.memory_space<hbm>>) dst(%arg5 : memref<80x128xi32, #tpu.memory_space<vmem>>)
    %barrier3A = arith.constant 0 : index
    tpu.barrier barrier_id(%barrier3A)
    %scan3A = arith.constant 0 : i32
    %scan3A_347 = arith.constant 0 : i32
    %scan3A_348 = arith.constant 80 : i32
    %scan3A_349 = arith.addi %scan3A_347, %scan3A_348 : i32
    %scan3A_350 = arith.constant 1 : i32
    scf.for %scan3A_360 = %scan3A_347 to %scan3A_349 step %scan3A_350  : i32 {
      "tpu.region"() ({
        %run_scoped3A = tpu.sem_alloc : memref<!tpu.dma_semaphore, #tpu.memory_space<semaphore_mem>>
        %dma_start3A_361 = arith.constant 0 : i32
        %dma_start3A_362 = tpu.memref_slice %arg5[%scan3A_360, %dma_start3A_361] : memref<80x128xi32, #tpu.memory_space<vmem>> -> memref<1x128xi32, #tpu.memory_space<vmem>>
        %dma_start3A_363 = tpu.memref_squeeze %dma_start3A_362 : memref<1x128xi32, #tpu.memory_space<vmem>> -> memref<128xi32, #tpu.memory_space<vmem>>
        %dma_start3A_364 = arith.constant 0 : i32
        %dma_start3A_365 = tpu.memref_slice %arg9[%dma_start3A_364] : memref<10112xf32, #tpu.memory_space<vmem_shared>> -> memref<10112xf32, #tpu.memory_space<vmem_shared>>
        tpu.enqueue_indirect_dma source(%arg6 : memref<128xf32, #tpu.memory_space<vmem>>) target(%dma_start3A_365 : memref<10112xf32, #tpu.memory_space<vmem_shared>>) offsets(%dma_start3A_363 : memref<128xi32, #tpu.memory_space<vmem>>) semaphore(%run_scoped3A : memref<!tpu.dma_semaphore, #tpu.memory_space<semaphore_mem>>) {add = true}
        %dma_wait3A_366 = arith.constant 0 : i32
        %dma_wait3A_367 = tpu.memref_slice %arg5[%scan3A_360, %dma_wait3A_366] : memref<80x128xi32, #tpu.memory_space<vmem>> -> memref<1x128xi32, #tpu.memory_space<vmem>>
        %dma_wait3A_368 = tpu.memref_squeeze %dma_wait3A_367 : memref<1x128xi32, #tpu.memory_space<vmem>> -> memref<128xi32, #tpu.memory_space<vmem>>
        %dma_wait3A_369 = arith.constant 0 : i32
        %dma_wait3A_370 = tpu.memref_slice %arg9[%dma_wait3A_369] : memref<10112xf32, #tpu.memory_space<vmem_shared>> -> memref<10112xf32, #tpu.memory_space<vmem_shared>>
        tpu.wait_indirect_dma semaphore(%run_scoped3A : memref<!tpu.dma_semaphore, #tpu.memory_space<semaphore_mem>>) src(%arg6 : memref<128xf32, #tpu.memory_space<vmem>>) dst(%dma_wait3A_370 : memref<10112xf32, #tpu.memory_space<vmem_shared>>)
        tpu.yield
      }) : () -> ()
    }
    %scan3A_351 = arith.constant 80 : i32
    %barrier3A_352 = arith.constant 0 : index
    tpu.barrier barrier_id(%barrier3A_352)
    %mul3A_353 = arith.constant 632 : i32
    %mul3A_354 = arith.muli %arg1, %mul3A_353 : i32
    "tpu.region"() ({
      %run_scoped3A = tpu.sem_alloc : memref<!tpu.dma_semaphore, #tpu.memory_space<semaphore_mem>>
      %dma_start3A_360 = tpu.memref_slice %arg9[%mul3A_354] : memref<10112xf32, #tpu.memory_space<vmem_shared>> -> memref<632xf32, #tpu.memory_space<vmem_shared>>
      %dma_start3A_361 = tpu.memref_slice %arg9[%mul3A_354] : memref<10112xf32, #tpu.memory_space<vmem_shared>> -> memref<632xf32, #tpu.memory_space<vmem_shared>>
      tpu.enqueue_dma source(%dma_start3A_361 : memref<632xf32, #tpu.memory_space<vmem_shared>>) target(%arg7 : memref<632xf32, #tpu.memory_space<vmem>>) target_semaphore(%run_scoped3A : memref<!tpu.dma_semaphore, #tpu.memory_space<semaphore_mem>>)
      %dma_wait3A_362 = tpu.memref_slice %arg9[%mul3A_354] : memref<10112xf32, #tpu.memory_space<vmem_shared>> -> memref<632xf32, #tpu.memory_space<vmem_shared>>
      %dma_wait3A_363 = tpu.memref_slice %arg9[%mul3A_354] : memref<10112xf32, #tpu.memory_space<vmem_shared>> -> memref<632xf32, #tpu.memory_space<vmem_shared>>
      tpu.wait_dma2 semaphore(%run_scoped3A : memref<!tpu.dma_semaphore, #tpu.memory_space<semaphore_mem>>) src(%dma_wait3A_363 : memref<632xf32, #tpu.memory_space<vmem_shared>>) dst(%arg7 : memref<632xf32, #tpu.memory_space<vmem>>)
      tpu.yield
    }) : () -> ()
    %mul3A_355 = arith.constant 10112 : i32
    %mul3A_356 = arith.muli %arg0, %mul3A_355 : i32
    %mul3A_357 = arith.constant 632 : i32
    %mul3A_358 = arith.muli %arg1, %mul3A_357 : i32
    %add3A_359 = arith.addi %mul3A_356, %mul3A_358 : i32
    "tpu.region"() ({
      %run_scoped3A = tpu.sem_alloc : memref<!tpu.dma_semaphore, #tpu.memory_space<semaphore_mem>>
      %dma_start3A_360 = tpu.memref_slice %arg3[%add3A_359] : memref<20224xf32, #tpu.memory_space<hbm>> -> memref<632xf32, #tpu.memory_space<hbm>>
      %dma_start3A_361 = tpu.memref_slice %arg3[%add3A_359] : memref<20224xf32, #tpu.memory_space<hbm>> -> memref<632xf32, #tpu.memory_space<hbm>>
      tpu.enqueue_dma source(%arg7 : memref<632xf32, #tpu.memory_space<vmem>>) target(%dma_start3A_361 : memref<632xf32, #tpu.memory_space<hbm>>) target_semaphore(%run_scoped3A : memref<!tpu.dma_semaphore, #tpu.memory_space<semaphore_mem>>)
      %dma_wait3A_362 = tpu.memref_slice %arg3[%add3A_359] : memref<20224xf32, #tpu.memory_space<hbm>> -> memref<632xf32, #tpu.memory_space<hbm>>
      %dma_wait3A_363 = tpu.memref_slice %arg3[%add3A_359] : memref<20224xf32, #tpu.memory_space<hbm>> -> memref<632xf32, #tpu.memory_space<hbm>>
      tpu.wait_dma2 semaphore(%run_scoped3A : memref<!tpu.dma_semaphore, #tpu.memory_space<semaphore_mem>>) src(%arg7 : memref<632xf32, #tpu.memory_space<vmem>>) dst(%dma_wait3A_363 : memref<632xf32, #tpu.memory_space<hbm>>)
      tpu.yield
    }) : () -> ()
    return
  }
}

module attributes {stable_mosaic.version = 14 : i64} {
  func.func @_tc1_body(%arg0: memref<10000x128xf32, #tpu.memory_space<vmem>>, %arg1: memref<128x128xf32, #tpu.memory_space<vmem>>, %arg2: memref<2x10112xf32, #tpu.memory_space<vmem>>, %arg3: memref<10000x128xf32, #tpu.memory_space<vmem>>, %arg4: memref<10000x1xf32, #tpu.memory_space<vmem>>) attributes {dimension_semantics = [], scalar_prefetch = 0 : i64, scratch_operands = 0 : i64, tpu.core_type = #tpu.core_type<tc>} {
    %get3A = arith.constant 0 : index
    %get3A_0 = arith.constant 0 : index
    %get3A_1 = vector.load %arg2[%get3A, %get3A_0] : memref<2x10112xf32, #tpu.memory_space<vmem>>, vector<1x10000xf32>
    %get3A_2 = vector.shape_cast %get3A_1 : vector<1x10000xf32> to vector<10000xf32>
    %get3A_3 = arith.constant 1 : index
    %get3A_4 = arith.constant 0 : index
    %get3A_5 = vector.load %arg2[%get3A_3, %get3A_4] : memref<2x10112xf32, #tpu.memory_space<vmem>>, vector<1x10000xf32>
    %get3A_6 = vector.shape_cast %get3A_5 : vector<1x10000xf32> to vector<10000xf32>
    %add3A = arith.addf %get3A_2, %get3A_6 : vector<10000xf32>
    %add3A_7 = arith.constant 1.000000e+00 : f32
    %add3A_8 = vector.broadcast %add3A_7 : f32 to vector<10000xf32>
    %add3A_9 = arith.addf %add3A, %add3A_8 : vector<10000xf32>
    %reshape3A = vector.shape_cast %add3A_9 : vector<10000xf32> to vector<10000x1xf32>
    %rsqrt3A = math.rsqrt %reshape3A : vector<10000x1xf32>
    %swap3A = arith.constant 0 : index
    %swap3A_10 = arith.constant 0 : index
    %swap3A_11 = vector.load %arg4[%swap3A, %swap3A_10] : memref<10000x1xf32, #tpu.memory_space<vmem>>, vector<10000x1xf32>
    tpu.vector_store %arg4[%swap3A, %swap3A_10], %rsqrt3A {strides = array<i32>} : memref<10000x1xf32, #tpu.memory_space<vmem>>, vector<10000x1xf32>,
    %get3A_12 = arith.constant 0 : index
    %get3A_13 = arith.constant 0 : index
    %get3A_14 = vector.load %arg0[%get3A_12, %get3A_13] : memref<10000x128xf32, #tpu.memory_space<vmem>>, vector<10000x128xf32>
    %get3A_15 = arith.constant 0 : index
    %get3A_16 = arith.constant 0 : index
    %get3A_17 = vector.load %arg1[%get3A_15, %get3A_16] : memref<128x128xf32, #tpu.memory_space<vmem>>, vector<128x128xf32>
    %dot_general3A = arith.constant dense<0.000000e+00> : vector<10000x128xf32>
    %dot_general3A_18 = tpu.matmul %get3A_14, %get3A_17, %dot_general3A {dimension_numbers = #tpu.dot_dimension_numbers<[1], [0], [0], [1], [0, 0, 1, 1], [], []>, transpose_lhs_hint = false} : vector<10000x128xf32>, vector<128x128xf32>, vector<10000x128xf32> -> vector<10000x128xf32>
    %mul3A = vector.broadcast %rsqrt3A : vector<10000x1xf32> to vector<10000x128xf32>
    %mul3A_19 = arith.mulf %dot_general3A_18, %mul3A : vector<10000x128xf32>
    %swap3A_20 = arith.constant 0 : index
    %swap3A_21 = arith.constant 0 : index
    %swap3A_22 = vector.load %arg3[%swap3A_20, %swap3A_21] : memref<10000x128xf32, #tpu.memory_space<vmem>>, vector<10000x128xf32>
    tpu.vector_store %arg3[%swap3A_20, %swap3A_21], %mul3A_19 {strides = array<i32>} : memref<10000x128xf32, #tpu.memory_space<vmem>>, vector<10000x128xf32>,
    return
  }
}

module attributes {stable_mosaic.version = 14 : i64} {
  func.func @_tc2_body(%arg0: memref<10112x128xf32, #tpu.memory_space<vmem>>, %arg1: memref<10000x128xf32, #tpu.memory_space<vmem>>, %arg2: memref<10000x1xf32, #tpu.memory_space<vmem>>, %arg3: memref<1x128xf32, #tpu.memory_space<vmem>>, %arg4: memref<1x128xf32, #tpu.memory_space<vmem>>, %arg5: memref<1x128xf32, #tpu.memory_space<vmem>>, %arg6: memref<128x128xf32, #tpu.memory_space<vmem>>, %arg7: memref<10000x128xf32, #tpu.memory_space<vmem>>) attributes {dimension_semantics = [], scalar_prefetch = 0 : i64, scratch_operands = 0 : i64, tpu.core_type = #tpu.core_type<tc>} {
    %get3A = arith.constant 0 : index
    %get3A_0 = arith.constant 0 : index
    %get3A_1 = vector.load %arg2[%get3A, %get3A_0] : memref<10000x1xf32, #tpu.memory_space<vmem>>, vector<10000x1xf32>
    %get3A_2 = arith.constant 0 : index
    %get3A_3 = arith.constant 0 : index
    %get3A_4 = vector.load %arg0[%get3A_2, %get3A_3] : memref<10112x128xf32, #tpu.memory_space<vmem>>, vector<10000x128xf32>
    %get3A_5 = arith.constant 0 : index
    %get3A_6 = arith.constant 0 : index
    %get3A_7 = vector.load %arg1[%get3A_5, %get3A_6] : memref<10000x128xf32, #tpu.memory_space<vmem>>, vector<10000x128xf32>
    %add3A = arith.addf %get3A_4, %get3A_7 : vector<10000x128xf32>
    %mul3A = vector.broadcast %get3A_1 : vector<10000x1xf32> to vector<10000x128xf32>
    %mul3A_8 = arith.mulf %mul3A, %add3A : vector<10000x128xf32>
    %get3A_9 = arith.constant 0 : index
    %get3A_10 = arith.constant 0 : index
    %get3A_11 = vector.load %arg4[%get3A_9, %get3A_10] : memref<1x128xf32, #tpu.memory_space<vmem>>, vector<1x128xf32>
    %add3A_12 = vector.broadcast %get3A_11 : vector<1x128xf32> to vector<10000x128xf32>
    %add3A_13 = arith.addf %mul3A_8, %add3A_12 : vector<10000x128xf32>
    %reduce_sum3A = arith.constant dense<0.000000e+00> : vector<128xf32>
    %reduce_sum3A_14 = vector.multi_reduction <add>, %add3A_13, %reduce_sum3A [0] : vector<10000x128xf32> to vector<128xf32>
    %broadcast_in_dim3A = vector.shape_cast %reduce_sum3A_14 : vector<128xf32> to vector<1x128xf32>
    %div3A = arith.constant 1.000000e+04 : f32
    %div3A_15 = vector.broadcast %div3A : f32 to vector<1x128xf32>
    %div3A_16 = arith.divf %broadcast_in_dim3A, %div3A_15 : vector<1x128xf32>
    %mul3A_17 = arith.mulf %add3A_13, %add3A_13 : vector<10000x128xf32>
    %reduce_sum3A_18 = arith.constant dense<0.000000e+00> : vector<128xf32>
    %reduce_sum3A_19 = vector.multi_reduction <add>, %mul3A_17, %reduce_sum3A_18 [0] : vector<10000x128xf32> to vector<128xf32>
    %broadcast_in_dim3A_20 = vector.shape_cast %reduce_sum3A_19 : vector<128xf32> to vector<1x128xf32>
    %div3A_21 = arith.constant 1.000000e+04 : f32
    %div3A_22 = vector.broadcast %div3A_21 : f32 to vector<1x128xf32>
    %div3A_23 = arith.divf %broadcast_in_dim3A_20, %div3A_22 : vector<1x128xf32>
    %mul3A_24 = arith.mulf %div3A_16, %div3A_16 : vector<1x128xf32>
    %sub3A = arith.subf %div3A_23, %mul3A_24 : vector<1x128xf32>
    %get3A_25 = arith.constant 0 : index
    %get3A_26 = arith.constant 0 : index
    %get3A_27 = vector.load %arg3[%get3A_25, %get3A_26] : memref<1x128xf32, #tpu.memory_space<vmem>>, vector<1x128xf32>
    %sub3A_28 = vector.broadcast %div3A_16 : vector<1x128xf32> to vector<10000x128xf32>
    %sub3A_29 = arith.subf %add3A_13, %sub3A_28 : vector<10000x128xf32>
    %mul3A_30 = vector.broadcast %get3A_27 : vector<1x128xf32> to vector<10000x128xf32>
    %mul3A_31 = arith.mulf %mul3A_30, %sub3A_29 : vector<10000x128xf32>
    %add3A_32 = arith.constant 9.99999974E-6 : f32
    %add3A_33 = vector.broadcast %add3A_32 : f32 to vector<1x128xf32>
    %add3A_34 = arith.addf %sub3A, %add3A_33 : vector<1x128xf32>
    %rsqrt3A = math.rsqrt %add3A_34 : vector<1x128xf32>
    %mul3A_35 = vector.broadcast %rsqrt3A : vector<1x128xf32> to vector<10000x128xf32>
    %mul3A_36 = arith.mulf %mul3A_31, %mul3A_35 : vector<10000x128xf32>
    %get3A_37 = arith.constant 0 : index
    %get3A_38 = arith.constant 0 : index
    %get3A_39 = vector.load %arg5[%get3A_37, %get3A_38] : memref<1x128xf32, #tpu.memory_space<vmem>>, vector<1x128xf32>
    %add3A_40 = vector.broadcast %get3A_39 : vector<1x128xf32> to vector<10000x128xf32>
    %add3A_41 = arith.addf %mul3A_36, %add3A_40 : vector<10000x128xf32>
    %max3A = arith.constant 0.000000e+00 : f32
    %max3A_42 = vector.broadcast %max3A : f32 to vector<10000x128xf32>
    %max3A_43 = arith.maximumf %add3A_41, %max3A_42 : vector<10000x128xf32>
    %get3A_44 = arith.constant 0 : index
    %get3A_45 = arith.constant 0 : index
    %get3A_46 = vector.load %arg6[%get3A_44, %get3A_45] : memref<128x128xf32, #tpu.memory_space<vmem>>, vector<128x128xf32>
    %dot_general3A = arith.constant dense<0.000000e+00> : vector<10000x128xf32>
    %dot_general3A_47 = tpu.matmul %max3A_43, %get3A_46, %dot_general3A {dimension_numbers = #tpu.dot_dimension_numbers<[1], [0], [0], [1], [0, 0, 1, 1], [], []>, transpose_lhs_hint = false} : vector<10000x128xf32>, vector<128x128xf32>, vector<10000x128xf32> -> vector<10000x128xf32>
    %mul3A_48 = vector.broadcast %get3A_1 : vector<10000x1xf32> to vector<10000x128xf32>
    %mul3A_49 = arith.mulf %dot_general3A_47, %mul3A_48 : vector<10000x128xf32>
    %swap3A = arith.constant 0 : index
    %swap3A_50 = arith.constant 0 : index
    %swap3A_51 = vector.load %arg7[%swap3A, %swap3A_50] : memref<10000x128xf32, #tpu.memory_space<vmem>>, vector<10000x128xf32>
    tpu.vector_store %arg7[%swap3A, %swap3A_50], %mul3A_49 {strides = array<i32>} : memref<10000x128xf32, #tpu.memory_space<vmem>>, vector<10000x128xf32>,
    return
  }
}

module attributes {stable_mosaic.version = 14 : i64} {
  func.func @_tc3_body(%arg0: memref<10112x128xf32, #tpu.memory_space<vmem>>, %arg1: memref<10000x128xf32, #tpu.memory_space<vmem>>, %arg2: memref<10000x1xf32, #tpu.memory_space<vmem>>, %arg3: memref<1x128xf32, #tpu.memory_space<vmem>>, %arg4: memref<10000x128xf32, #tpu.memory_space<vmem>>) attributes {dimension_semantics = [], scalar_prefetch = 0 : i64, scratch_operands = 0 : i64, tpu.core_type = #tpu.core_type<tc>} {
    %get3A = arith.constant 0 : index
    %get3A_0 = arith.constant 0 : index
    %get3A_1 = vector.load %arg2[%get3A, %get3A_0] : memref<10000x1xf32, #tpu.memory_space<vmem>>, vector<10000x1xf32>
    %get3A_2 = arith.constant 0 : index
    %get3A_3 = arith.constant 0 : index
    %get3A_4 = vector.load %arg0[%get3A_2, %get3A_3] : memref<10112x128xf32, #tpu.memory_space<vmem>>, vector<10000x128xf32>
    %get3A_5 = arith.constant 0 : index
    %get3A_6 = arith.constant 0 : index
    %get3A_7 = vector.load %arg1[%get3A_5, %get3A_6] : memref<10000x128xf32, #tpu.memory_space<vmem>>, vector<10000x128xf32>
    %add3A = arith.addf %get3A_4, %get3A_7 : vector<10000x128xf32>
    %mul3A = vector.broadcast %get3A_1 : vector<10000x1xf32> to vector<10000x128xf32>
    %mul3A_8 = arith.mulf %mul3A, %add3A : vector<10000x128xf32>
    %get3A_9 = arith.constant 0 : index
    %get3A_10 = arith.constant 0 : index
    %get3A_11 = vector.load %arg3[%get3A_9, %get3A_10] : memref<1x128xf32, #tpu.memory_space<vmem>>, vector<1x128xf32>
    %add3A_12 = vector.broadcast %get3A_11 : vector<1x128xf32> to vector<10000x128xf32>
    %add3A_13 = arith.addf %mul3A_8, %add3A_12 : vector<10000x128xf32>
    %swap3A = arith.constant 0 : index
    %swap3A_14 = arith.constant 0 : index
    %swap3A_15 = vector.load %arg4[%swap3A, %swap3A_14] : memref<10000x128xf32, #tpu.memory_space<vmem>>, vector<10000x128xf32>
    tpu.vector_store %arg4[%swap3A, %swap3A_14], %add3A_13 {strides = array<i32>} : memref<10000x128xf32, #tpu.memory_space<vmem>>, vector<10000x128xf32>,
    return
  }
}

</mosaic_0001>

<sc_bundles>
// kernel: kernel.6.cloned.1.call-start
scs
__scs_entry_jumppad:
0x0: {  	(pc) =	sbr.rel $0x88, $3  }
0x1: {  	(tag) =	ssettag $0x0;
	lr =	simm.s32 $0x1  }
0x2: {  	[smem:$0x3F99] =	sst lr;
	_ =	strace $0xD0000000  }
0x3: {  	_ = 	snop  }
0x4: {  	_ = 	snop  }
0x5: {  	_ = 	snop  }
0x6: {  	_ = 	snop  }
0x7: {  	_ = 	snop  }
__scs_overlays_trampoline_lowered:
0x8: {  	[smem:$0x3FA8] =	sst s0  }
0x9: {  	[smem:$0x3FA9] =	sst s1  }
0xa: {  	[smem:$0x3FAA] =	sst s2  }
0xb: {  	[smem:$0x3FAB] =	sst s3  }
0xc: {  	[smem:$0x3FAC] =	sst s4  }
0xd: {  	[smem:$0x3FAD] =	sst s5  }
0xe: {  	[smem:$0x3FAE] =	sst s6  }
0xf: {  	[smem:$0x3FAF] =	sst s7  }
0x10: {  	[smem:$0x3FB0] =	sst s8  }
0x11: {  	[smem:$0x3FB1] =	sst s9;
	s0 =	simm.s32 @!p0 $0x0  }
0x12: {  	s1 =	sld [smem:$0x3F97];
	s0 =	simm.s32 @p0 $0x1  }
0x13: {  	[smem:$0x3FB2] =	sst s0;
	s0 =	simm.s32 @!p1 $0x0  }
0x14: {  	s2 =	sld [smem:$0x3F96];
	s0 =	simm.s32 @p1 $0x1  }
0x15: {  	[smem:$0x3FB3] =	sst s0;
	s0 =	simm.s32 @!p2 $0x0  }
0x16: {  	s3 =	sld [smem:$0x3FDB];
	s0 =	simm.s32 @p2 $0x1  }
0x17: {  	s4 =	simm.s32 $0x1BF5;
	[smem:$0x3FB5] =	sst s0  }
0x18: {  	s0 =	sld [smem:$0x3F98];
	_ =	swait.ge [sflag:s4], $0x0  }
0x19: {  	s7 =	sld [smem:$0x3F99]  }
0x1a: {  	s8 =	sadd.s32 $0xFFFFE003, lr  }
0x1b: {  	s9 =	sadd.s32 $0xFFFFFEF7, lr;
	s5 =	simm.s32 $0xFFFFFFFF;
	p2 =	slt.u32 s8, $0xFFFFF086  }
0x1c: {  	p1 =	slt.u32 s9, $0xF7A;
	s5 =	simm.s32 @!p2 $0x0  }
0x1d: {  	s5 =	simm.s32 @p1 $0x1;
	p0 =	seq.s32 s7, s2  }
0x1e: {  	s7 =	smul.u32 @!p0 $0xF7A, s2;
	p2 =	seq.s32 @!p0 s5, $0x0  }
0x1f: {  	s9 =	smul.u32 $0xF7A, s1;
	s8 =	simm.s32 @!p0 $0x1BF5;
	p2 =	por !p2, p0  }
0x20: {  	[sflag:s8] =	ssyncset.s32 @!p0 $0xFFFFF086;
	s6 =	sadd.s32 @!p0 s3, s7;
	s7 =	simm.s32 @!p0 $0x108  }
0x21: {  	s3 =	sadd.s32 s3, s9;
	s6 =	sadd.s32 @!p0 $0x88, s6;
	s7 =	simm.s32 @p2 $0x1082  }
0x22: {  	[simem:s7], [sflag:s8] =	dma.local @!p0 [hbm:s6], $0xF7A  }
0x23: {  	s9 =	sor.u32 $0xD0000000, s2;
	s6 =	simm.s32 $0x108;
	_ =	swait.ge @!p0 [sflag:s8], $0x0  }
0x24: {  	s3 =	sadd.s32 $0x88, s3;
	s6 =	simm.s32 @!p1 $0x1082;
	[sflag:s4] =	ssyncset.s32 $0xFFFFF086  }
0x25: {  	[simem:s6], [sflag:s4] =	dma.local [hbm:s3], $0xF7A  }
0x26: {  	[smem:$0x3F99] =	sst s1;
	(tag) =	ssettag s2;
	_ =	strace s9  }
0x27: {  	s1 =	sld [smem:$0x3FA9]  }
0x28: {  	s2 =	sld [smem:$0x3FAA]  }
0x29: {  	s4 =	sld [smem:$0x3FAC]  }
0x2a: {  	p0 =	seq.s32 s5, $0x0;
	s5 =	sld [smem:$0x3FAD]  }
0x2b: {  	s6 =	sld [smem:$0x3FAE]  }
0x2c: {  	s7 =	sld [smem:$0x3FAF]  }
0x2d: {  	s3 =	simm.s32 $0x108;
	s8 =	sld [smem:$0x3FB0]  }
0x2e: {  	s3 =	simm.s32 @!p0 $0x1082;
	s9 =	sld [smem:$0x3FB1]  }
0x2f: {  	lr =	sadd.s32 s0, s3;
	s0 =	sld [smem:$0x3FA8]  }
0x30: {  	s3 =	sld [smem:$0x3FAB]  }
0x31: {  	[smem:$0x3FB4] =	sst s10  }
0x32: {  	s10 =	sld [smem:$0x3FB2];
	_ =	sdelay $0x3  }
0x33: {  	p0 =	seq.s32 s10, $0x1;
	s10 =	sld [smem:$0x3FB4];
	_ =	sdelay $0x3  }
0x34: {  	[smem:$0x3FB4] =	sst s10  }
0x35: {  	s10 =	sld [smem:$0x3FB3];
	_ =	sdelay $0x3  }
0x36: {  	p1 =	seq.s32 s10, $0x1;
	s10 =	sld [smem:$0x3FB4];
	_ =	sdelay $0x3  }
0x37: {  	[smem:$0x3FB4] =	sst s10  }
0x38: {  	s10 =	sld [smem:$0x3FB5]  }
0x39: {  	_ = 	snop;
	(pc) =	sbr.ind lr, $3  }
0x3a: {  	_ = 	snop  }
0x3b: {  	_ = 	snop  }
0x3c: {  	p2 =	seq.s32 s10, $0x1;
	s10 =	sld [smem:$0x3FB4]  }
0x3d: {  	_ =	shalt  }
0x3e: {  	_ =	shalt  }
0x3f: {  	_ =	shalt  }
0x40: {  	_ =	shalt  }
0x41: {  	_ =	shalt  }
0x42: {  	_ =	shalt  }
0x43: {  	_ =	shalt  }
0x44: {  	_ =	shalt  }
0x45: {  	_ =	shalt  }
0x46: {  	_ =	shalt  }
0x47: {  	_ =	shalt  }
0x48: {  	_ =	shalt  }
0x49: {  	_ =	shalt  }
0x4a: {  	_ =	shalt  }
0x4b: {  	_ =	shalt  }
0x4c: {  	_ =	shalt  }
0x4d: {  	_ =	shalt  }
0x4e: {  	_ =	shalt  }
0x4f: {  	_ =	shalt  }
0x50: {  	_ =	shalt  }
0x51: {  	_ =	shalt  }
0x52: {  	_ =	shalt  }
0x53: {  	_ =	shalt  }
0x54: {  	_ =	shalt  }
0x55: {  	_ =	shalt  }
0x56: {  	_ =	shalt  }
0x57: {  	_ =	shalt  }
0x58: {  	_ =	shalt  }
0x59: {  	_ =	shalt  }
0x5a: {  	_ =	shalt  }
0x5b: {  	_ =	shalt  }
0x5c: {  	_ =	shalt  }
0x5d: {  	_ =	shalt  }
0x5e: {  	_ =	shalt  }
0x5f: {  	_ =	shalt  }
0x60: {  	_ =	shalt  }
0x61: {  	_ =	shalt  }
0x62: {  	_ =	shalt  }
0x63: {  	_ =	shalt  }
0x64: {  	_ =	shalt  }
0x65: {  	_ =	shalt  }
0x66: {  	_ =	shalt  }
0x67: {  	_ =	shalt  }
0x68: {  	_ =	shalt  }
0x69: {  	_ =	shalt  }
0x6a: {  	_ =	shalt  }
0x6b: {  	_ =	shalt  }
0x6c: {  	_ =	shalt  }
0x6d: {  	_ =	shalt  }
0x6e: {  	_ =	shalt  }
0x6f: {  	_ =	shalt  }
0x70: {  	_ =	shalt  }
0x71: {  	_ =	shalt  }
0x72: {  	_ =	shalt  }
0x73: {  	_ =	shalt  }
0x74: {  	_ =	shalt  }
0x75: {  	_ =	shalt  }
0x76: {  	_ =	shalt  }
0x77: {  	_ =	shalt  }
0x78: {  	_ =	shalt  }
0x79: {  	_ =	shalt  }
0x7a: {  	_ =	shalt  }
0x7b: {  	_ =	shalt  }
0x7c: {  	_ =	shalt  }
0x7d: {  	_ =	shalt  }
0x7e: {  	_ =	shalt  }
0x7f: {  	_ =	shalt  }
0x80: {  	_ =	shalt  }
0x81: {  	_ =	shalt  }
0x82: {  	_ =	shalt  }
0x83: {  	_ =	shalt  }
0x84: {  	_ =	shalt  }
0x85: {  	_ =	shalt  }
0x86: {  	_ =	shalt  }
0x87: {  	_ =	shalt  }
.Lfunc_end0:
.L_simem_size_0:
called_computation.2_lowered:
.L_overlay_start_0:
0x88: {  	s2 =	sld [smem:$0x3FD9]  }
0x89: {  	s3 =	sld [smem:$0x3FFE];
	_ =	sdelay $0x1  }
0x8a: {  	s1 =	srdreg.scid  }
0x8b: {  	s0 =	sand.u32 $0x1, s1  }
0x8c: {  	s17 =	sshll.u32 s0, $0xA;
	s2 =	sadd.s32 s3, s2  }
0x8d: {  	s2 =	sadd.s32 s2, s17  }
0x8e: {  	[smem:$0x3FC0] =	sst s2  }
0x8f: {  	_ = 	snop  }
0x90: {  	s2 =	sld [smem:$0x3FD0];
	(tm) =	ssettm $0x1  }
0x91: {  	s18 =	sld [smem:$0x3FFB];
	_ =	sdelay $0x3  }
0x92: {  	_ =	strace s18  }
0x93: {  	s3 =	sld [smem:$0x3FFC];
	_ =	sdelay $0x3  }
0x94: {  	_ =	strace s3  }
0x95: {  	s3 =	sld [smem:$0x3FFD];
	_ =	sdelay $0x3  }
0x96: {  	_ =	strace s3  }
0x97: {  	_ =	strace $0x8FFFFFFF  }
0x98: {  	s19 =	sld [smem:$0x3FDB];
	_ =	sdelay $0x1  }
0x99: {  	s4 =	simm.s32 $_scs_section_size  }
0x9a: {  	s5 =	simm.s32 $_size__tile_overlayer_lowered;
	s6 =	simm.s32 $_tile_overlayer_lowered  }
0x9b: {  	s22 =	simm.s32 $0x1BFF;
	s21 =	sshll.u32 s6, $0x1;
	s3 =	sadd.s32 s4, s19  }
0x9c: {  	s7 =	simm.s32 $0x0;
	s20 =	sshll.u32 s5, $0x1;
	s5 =	sadd.s32 s21, s3  }
0x9d: {  	[timem:s7], [sflag:s22] =	dma.local [hbm:s5], s20  }
0x9e: {  	_ =	swait.ge [sflag:s22], s20  }
0x9f: {  	s4 =	ssub.s32 $0x0, s20;
	[sflag:s22] =	ssyncset.done $0x0  }
0xa0: {  	[sflag:s22] =	ssyncadd.s32 s4;
	_ =	sdelay $0x1  }
0xa1: {  	s23 =	simm.s32 $0x1B8B  }
0xa2: {  	_ =	swait.ge [sflag:s23], $0x1  }
0xa3: {  	[sflag:s23] =	ssyncset.done $0x0  }
0xa4: {  	s25 =	simm.s32 $0x1B8E;
	s24 =	sld [smem:$0x3FFE];
	[sflag:s23] =	ssyncadd.s32 $0xFFFFFFFF  }
0xa5: {  	s26 =	simm.s32 $execute0_lowered;
	[smem:$0x3FD2] =	sst s25  }
0xa6: {  	s5 =	sshll.u32 s26, $0x1;
	_ =	strace $0x80000046;
	[dreg:$0x1] =	wrdreg $0xFFFFFFFF  }
0xa7: {  	s28 =	simm.s32 $_size_execute0_lowered;
	s3 =	sadd.s32 s3, s5;
	[dreg:$0x0] =	wrdreg $0x0  }
0xa8: {  	s5 =	sshll.u32 s28, $0x1;
	[dreg:$0x2] =	wrdreg s3  }
0xa9: {  	[dreg:$0x3] =	wrdreg s5  }
0xaa: {  	[dreg:$0x4] =	wrdreg $0xC0  }
0xab: {  	_ =	task [dreg:s7], $0x5FFFF  }
0xac: {  	[dreg:$0x1] =	wrdreg $0xFFFFFFFF  }
0xad: {  	[dreg:$0x0] =	wrdreg $0x60  }
0xae: {  	[dreg:$0x2] =	wrdreg s2  }
0xaf: {  	[dreg:$0x3] =	wrdreg s24  }
0xb0: {  	[dreg:$0x4] =	wrdreg $0x2B800  }
0xb1: {  	[dreg:$0x5] =	wrdreg $0x9  }
0xb2: {  	_ =	task.clear_ibuf [dreg:s7], $0x6FFFF;
	_ =	strace $0x90000046  }
0xb3: {  	s29 =	simm.s32 $0x9;
	_ =	strace $0x80000048  }
0xb4: {  	_ =	swait.ge [sflag:s29], $0x1  }
0xb5: {  	[sflag:s29] =	ssyncadd.s32 $0xFFFFFFFF  }
0xb6: {  	_ =	strace $0x90000048  }
0xb7: {  	_ =	sfence  }
0xb8: {  	s30 =	sld [smem:$0x0];
	_ =	sdelay $0x2  }
0xb9: {  	s31 =	sshll.u32 s1, $0xD;
	s1 =	sshrl.u32 s1, $0x2  }
0xba: {  	s3 =	sand.u32 $0x4000, s31;
	s1 =	sadd.s32 s1, s30  }
0xbb: {  	s0 =	sor.u32 s3, s0;
	s1 =	sshll.u32 s1, $0x11  }
0xbc: {  	s0 =	sor.u32 s1, s0  }
0xbd: {  	s0 =	sadd.s32 $0x8F2B, s0  }
0xbe: {  	[sflag:s0] =	ssyncadd.remote.s32 $0x1  }
0xbf: {  	_ =	sfence.sel $0xFFFF  }
0xc0: {  	[dreg:$0x0] =	wrdreg $0xFFFFFFFF;
	(pc) =	sbr.abs _section_cstart, $3  }
0xc1: {  	[dreg:$0x1] =	wrdreg $0xFFFFFFFF  }
0xc2: {  	_ =	task.clear_ibuf [dreg:s7], $0x2FFFF;
	_ =	strace $0x9FFFFFFF  }
0xc3: {  	(tm) =	ssettm $0x7FFFFFFF  }
tec
execute0_lowered:
.L_overlay_start_1:
0x0: {  	(tag) =	ssettag $0x1  }
0x1: {  	s1 =	rddreg [dreg:$0x0]  }
0x2: {  	s2 =	srdreg.scid;
	s5 =	rddreg [dreg:$0x1]  }
0x3: {  	s0 =	stileid.u32;
	s3 =	rddreg [dreg:$0x2]  }
0x4: {  	s4 =	simm.s32 $0x0;
	s6 =	sand.u32 $0x1, s2;
	s7 =	smul.u32 $0x278, s0  }
0x5: {  	s2 =	rddreg [dreg:$0x3];
	s8 =	smul.u32 $0x2780, s6;
	s9 =	sshll.u32 s6, $0x4  }
0x6: {  	[smem:$0x7FF] =	sst s4;
	s6 =	ssub.s32 $0x2, s6;
	s9 =	sor.u32 s0, s9  }
0x7: {  	s31 =	sshrl.u32 s6, $0x1;
	s8 =	sadd.s32 s7, s8;
	s9 =	smul.u32 $0x50, s9  }
0x8: {  	_ =	strace $0x80000047;
	s10 =	ssub.s32 s6, s31;
	s8 =	sshrl.u32 s8, $0x3  }
0x9: {  	s8 =	sadd.s32 s8, s5;
	s5 =	sadd.s32 s7, s3;
	s11 =	sadd.s32 $0x10, s9  }
0xa: {  	v4 =	vlaneseq.u32;
	s12 =	sadd.s32 $0x20, s9;
	s13 =	sadd.s32 $0x30, s9;
	s14 =	sadd.s32 $0x40, s9  }
0xb: {  	v0 =	vor.u32 s9, v4;
	s7 =	smax.u32 s10, $0x1;
	s9 =	simm.s32 $0x2;
	s10 =	simm.s32 $0x50  }
0xc: {  	v5 =	vimm.f32 $1.000000000e+00;
	v6 =	vimm.f32 $0.0e+00;
	s6 =	sadd.s32 $0xB800, s8;
	s8 =	simm.s32 $0x2900;
	v1 =	vor.u32 s11, v4;
	s11 =	simm.s32 $0x80  }
0xd: {  	v2 =	vor.u32 s12, v4;
	v3 =	vor.u32 s13, v4;
	v4 =	vor.u32 s14, v4;
	s12 =	simm.s32 $0x1;
	s13 =	simm.s32 $0x2880;
	s14 =	simm.s32 $0x0  }
.LBB2_1:
0xe: {  	[tilespmem:$0x2880] =	vst v5  }
0xf: {  	[tilespmem:$0x2890] =	vst v5  }
0x10: {  	[tilespmem:$0x28A0] =	vst v5  }
0x11: {  	[tilespmem:$0x28B0] =	vst v5  }
0x12: {  	[tilespmem:$0x28C0] =	vst v5  }
0x13: {  	[tilespmem:$0x28D0] =	vst v5  }
0x14: {  	[tilespmem:$0x28E0] =	vst v5  }
0x15: {  	[tilespmem:$0x28F0] =	vst v5  }
0x16: {  	[tilespmem:$0x2900] =	vst v6  }
0x17: {  	[tilespmem:$0x2910] =	vst v6  }
0x18: {  	[tilespmem:$0x2920] =	vst v6  }
0x19: {  	[tilespmem:$0x2930] =	vst v6  }
0x1a: {  	[tilespmem:$0x2940] =	vst v6  }
0x1b: {  	[tilespmem:$0x2950] =	vst v6  }
0x1c: {  	[tilespmem:$0x2960] =	vst v6  }
0x1d: {  	[tilespmem:$0x2970] =	vst v6  }
0x1e: {  	[tilespmem:$0x2980] =	vst v6  }
0x1f: {  	[tilespmem:$0x2990] =	vst v6  }
0x20: {  	[tilespmem:$0x29A0] =	vst v6  }
0x21: {  	[tilespmem:$0x29B0] =	vst v6  }
0x22: {  	[tilespmem:$0x29C0] =	vst v6  }
0x23: {  	[tilespmem:$0x29D0] =	vst v6  }
0x24: {  	[tilespmem:$0x29E0] =	vst v6  }
0x25: {  	[tilespmem:$0x29F0] =	vst v6  }
0x26: {  	[tilespmem:$0x2A00] =	vst v6  }
0x27: {  	[tilespmem:$0x2A10] =	vst v6  }
0x28: {  	[tilespmem:$0x2A20] =	vst v6  }
0x29: {  	[tilespmem:$0x2A30] =	vst v6  }
0x2a: {  	[tilespmem:$0x2A40] =	vst v6  }
0x2b: {  	[tilespmem:$0x2A50] =	vst v6  }
0x2c: {  	[tilespmem:$0x2A60] =	vst v6  }
0x2d: {  	[tilespmem:$0x2A70] =	vst v6  }
0x2e: {  	[tilespmem:$0x2A80] =	vst v6  }
0x2f: {  	[tilespmem:$0x2A90] =	vst v6  }
0x30: {  	[tilespmem:$0x2AA0] =	vst v6  }
0x31: {  	[tilespmem:$0x2AB0] =	vst v6  }
0x32: {  	[tilespmem:$0x2AC0] =	vst v6  }
0x33: {  	[tilespmem:$0x2AD0] =	vst v6  }
0x34: {  	[tilespmem:$0x2AE0] =	vst v6  }
0x35: {  	[tilespmem:$0x2AF0] =	vst v6  }
0x36: {  	[tilespmem:$0x2B00] =	vst v6  }
0x37: {  	[tilespmem:$0x2B10] =	vst v6  }
0x38: {  	[tilespmem:$0x2B20] =	vst v6  }
0x39: {  	[tilespmem:$0x2B30] =	vst v6  }
0x3a: {  	[tilespmem:$0x2B40] =	vst v6  }
0x3b: {  	[tilespmem:$0x2B50] =	vst v6  }
0x3c: {  	[tilespmem:$0x2B60] =	vst v6  }
0x3d: {  	[tilespmem:$0x2B68] =	vst v6  }
0x3e: {  	[spmem:s5] =	stream.linear.scatter [tilespmem:s8], [sflag:$0x2], $0x278, $0x38;
	[tilespmem:$0x2DF8] =	vst v63  }
0x3f: {  	_ =	swait.ge [sflag:s9], $0x278  }
0x40: {  	[sflag:s9] =	ssyncset.done $0x0  }
0x41: {  	[sflag:s9] =	ssyncadd.s32 $0xFFFFFD88  }
0x42: {  	[tilespmem:$0x0] =	vst v0  }
0x43: {  	[tilespmem:$0x10] =	vst v1  }
0x44: {  	[tilespmem:$0x20] =	vst v2  }
0x45: {  	[tilespmem:$0x30] =	vst v3  }
0x46: {  	[tilespmem:$0x40] =	vst v4  }
0x47: {  	[tilespmem:s11], [sflag:$0x1] =	stream.indirect.gather [hbm4b:s1+s10], $0x80, s4, s10, $0xb8;
	[tilespmem:$0x2DF8] =	vst v63  }
0x48: {  	_ =	swait.ge [sflag:s12], $0x2800  }
0x49: {  	[sflag:s12] =	ssyncset.done $0x0  }
0x4a: {  	[sflag:s12] =	ssyncadd.s32 $0xFFFFD800  }
0x4b: {  	s15 =	simm.s32 $0x80;
	[bflag:$0x0] =	sbarrier.arrive $0xFFFF  }
0x4c: {  	[spmem:s3] =	stream.indirect.scatter.add.f32 [tilespmem:s13], [sflag:$0x2], $0x1, s15, s11, $0xb8;
	[tilespmem:$0x2DF8] =	vst v63  }
0x4d: {  	s15 =	simm.s32 $0x200;
	_ =	swait.ge [sflag:s9], $0x80  }
.LBB2_2:
0x4e: {  	s16 =	sshra.s32 s15, $0x2;
	[sflag:s9] =	ssyncset.done $0x0;
	p0 =	sne.s32 s15, $0x9E00  }
.Ltmp0:
0x4f: {  	s16 =	sadd.s32 $0x80, s16;
	[sflag:s9] =	ssyncadd.s32 $0xFFFFFF80;
	(pc) =	sbr.rel @p0 .LBB2_2-.Ltmp0, $3  }
0x50: {  	[spmem:s3] =	stream.indirect.scatter.add.f32 [tilespmem:s13], [sflag:$0x2], $0x1, s16, s11, $0xb8;
	[tilespmem:$0x2DF8] =	vst v63  }
0x51: {  	s15 =	sadd.s32 $0x200, s15;
	_ =	sdelay $0x1  }
0x52: {  	_ =	swait.ge [sflag:s9], $0x80  }
0x53: {  	[sflag:s9] =	ssyncset.done $0x0  }
0x54: {  	[sflag:s9] =	ssyncadd.s32 $0xFFFFFF80  }
0x55: {  	[bflag:$0x0] =	sbarrier.arrive $0xFFFF  }
0x56: {  	[tilespmem:s8], [sflag:$0x2] =	stream.linear.gather [spmem:s5], $0x278, $0x38;
	[tilespmem:$0x2DF8] =	vst v63  }
0x57: {  	s14 =	sadd.s32 $0x1, s14;
	_ =	swait.ge [sflag:s9], $0x278  }
0x58: {  	p0 =	sne.s32 s14, s7;
	[sflag:s9] =	ssyncset.done $0x0  }
.Ltmp1:
0x59: {  	[sflag:s9] =	ssyncadd.s32 $0xFFFFFD88;
	(pc) =	sbr.rel @p0 .LBB2_1-.Ltmp1, $4  }
0x5a: {  	[hbm4b:s6+s4] =	stream.linear.scatter [tilespmem:s8], [sflag:$0x2], $0x278, $0x38;
	[tilespmem:$0x2DF8] =	vst v63  }
0x5b: {  	_ =	swait.ge [sflag:s9], $0x278  }
0x5c: {  	[sflag:s9] =	ssyncset.done $0x0  }
0x5d: {  	[sflag:s9] =	ssyncadd.s32 $0xFFFFFD88  }
0x5e: {  	_ =	sfence.sel $0x180000  }
0x5f: {  	[bflag:$0x0] =	sbarrier.arrive $0xFFFF  }
0x60: {  	p0 =	sne.s32 s0, $0x0;
	_ =	strace $0x90000047  }
0x61: {  	s0 =	sadd.s32 @!p0 $0x100000, s2;
	[bflag:$0x2] =	sbarrier.arrive $0xFFFF  }
0x62: {  	[sflag:s0] =	ssyncadd.tile.s32 @!p0 $0x1;
	_ =	shalt  }
.Lfunc_end2:
_tile_overlayer_lowered:
.L_overlay_start_2:
0x63: {  	(tag) =	ssettag $0x2  }
0x64: {  	s0 =	rddreg [dreg:$0x0];
	s2 =	stileid.u32  }
0x65: {  	s1 =	rddreg [dreg:$0x1];
	p0 =	sne.s32 s2, $0x0  }
0x66: {  	s3 =	rddreg [dreg:$0x2];
	[bflag:$0x3] =	sbarrier.arrive $0xFFFF;
	s2 =	simm.s32 @!p0 $0x1C02  }
0x67: {  	[timem:s3], [sflag:s2] =	dma.local @!p0 [hbm:s0], s1  }
0x68: {  	s0 =	simm.s32 @!p0 $0x2  }
0x69: {  	_ =	swait.ge @!p0 [sflag:s0], s1  }
0x6a: {  	s1 =	ssub.s32 @!p0 $0x0, s1;
	[sflag:s0] =	ssyncset.done @!p0 $0x0  }
0x6b: {  	[sflag:s0] =	ssyncadd.s32 @!p0 s1  }
0x6c: {  	[bflag:$0x3] =	sbarrier.arrive $0xFFFF  }
0x6d: {  	_ =	shalt  }

// kernel: scatter_offload_async_start.1
scs
__scs_entry_jumppad:
0x0: {  	(pc) =	sbr.rel $0x88, $3  }
0x1: {  	(tag) =	ssettag $0x0;
	lr =	simm.s32 $0x1  }
0x2: {  	[smem:$0x3F99] =	sst lr;
	_ =	strace $0xD0000000  }
0x3: {  	_ = 	snop  }
0x4: {  	_ = 	snop  }
0x5: {  	_ = 	snop  }
0x6: {  	_ = 	snop  }
0x7: {  	_ = 	snop  }
__scs_overlays_trampoline_lowered:
0x8: {  	[smem:$0x3FA8] =	sst s0  }
0x9: {  	[smem:$0x3FA9] =	sst s1  }
0xa: {  	[smem:$0x3FAA] =	sst s2  }
0xb: {  	[smem:$0x3FAB] =	sst s3  }
0xc: {  	[smem:$0x3FAC] =	sst s4  }
0xd: {  	[smem:$0x3FAD] =	sst s5  }
0xe: {  	[smem:$0x3FAE] =	sst s6  }
0xf: {  	[smem:$0x3FAF] =	sst s7  }
0x10: {  	[smem:$0x3FB0] =	sst s8  }
0x11: {  	[smem:$0x3FB1] =	sst s9;
	s0 =	simm.s32 @!p0 $0x0  }
0x12: {  	s1 =	sld [smem:$0x3F97];
	s0 =	simm.s32 @p0 $0x1  }
0x13: {  	[smem:$0x3FB2] =	sst s0;
	s0 =	simm.s32 @!p1 $0x0  }
0x14: {  	s2 =	sld [smem:$0x3F96];
	s0 =	simm.s32 @p1 $0x1  }
0x15: {  	[smem:$0x3FB3] =	sst s0;
	s0 =	simm.s32 @!p2 $0x0  }
0x16: {  	s3 =	sld [smem:$0x3FDB];
	s0 =	simm.s32 @p2 $0x1  }
0x17: {  	s4 =	simm.s32 $0x1BF5;
	[smem:$0x3FB5] =	sst s0  }
0x18: {  	s0 =	sld [smem:$0x3F98];
	_ =	swait.ge [sflag:s4], $0x0  }
0x19: {  	s7 =	sld [smem:$0x3F99]  }
0x1a: {  	s8 =	sadd.s32 $0xFFFFE003, lr  }
0x1b: {  	s9 =	sadd.s32 $0xFFFFFEF7, lr;
	s5 =	simm.s32 $0xFFFFFFFF;
	p2 =	slt.u32 s8, $0xFFFFF086  }
0x1c: {  	p1 =	slt.u32 s9, $0xF7A;
	s5 =	simm.s32 @!p2 $0x0  }
0x1d: {  	s5 =	simm.s32 @p1 $0x1;
	p0 =	seq.s32 s7, s2  }
0x1e: {  	s7 =	smul.u32 @!p0 $0xF7A, s2;
	p2 =	seq.s32 @!p0 s5, $0x0  }
0x1f: {  	s9 =	smul.u32 $0xF7A, s1;
	s8 =	simm.s32 @!p0 $0x1BF5;
	p2 =	por !p2, p0  }
0x20: {  	[sflag:s8] =	ssyncset.s32 @!p0 $0xFFFFF086;
	s6 =	sadd.s32 @!p0 s3, s7;
	s7 =	simm.s32 @!p0 $0x108  }
0x21: {  	s3 =	sadd.s32 s3, s9;
	s6 =	sadd.s32 @!p0 $0x88, s6;
	s7 =	simm.s32 @p2 $0x1082  }
0x22: {  	[simem:s7], [sflag:s8] =	dma.local @!p0 [hbm:s6], $0xF7A  }
0x23: {  	s9 =	sor.u32 $0xD0000000, s2;
	s6 =	simm.s32 $0x108;
	_ =	swait.ge @!p0 [sflag:s8], $0x0  }
0x24: {  	s3 =	sadd.s32 $0x88, s3;
	s6 =	simm.s32 @!p1 $0x1082;
	[sflag:s4] =	ssyncset.s32 $0xFFFFF086  }
0x25: {  	[simem:s6], [sflag:s4] =	dma.local [hbm:s3], $0xF7A  }
0x26: {  	[smem:$0x3F99] =	sst s1;
	(tag) =	ssettag s2;
	_ =	strace s9  }
0x27: {  	s1 =	sld [smem:$0x3FA9]  }
0x28: {  	s2 =	sld [smem:$0x3FAA]  }
0x29: {  	s4 =	sld [smem:$0x3FAC]  }
0x2a: {  	p0 =	seq.s32 s5, $0x0;
	s5 =	sld [smem:$0x3FAD]  }
0x2b: {  	s6 =	sld [smem:$0x3FAE]  }
0x2c: {  	s7 =	sld [smem:$0x3FAF]  }
0x2d: {  	s3 =	simm.s32 $0x108;
	s8 =	sld [smem:$0x3FB0]  }
0x2e: {  	s3 =	simm.s32 @!p0 $0x1082;
	s9 =	sld [smem:$0x3FB1]  }
0x2f: {  	lr =	sadd.s32 s0, s3;
	s0 =	sld [smem:$0x3FA8]  }
0x30: {  	s3 =	sld [smem:$0x3FAB]  }
0x31: {  	[smem:$0x3FB4] =	sst s10  }
0x32: {  	s10 =	sld [smem:$0x3FB2];
	_ =	sdelay $0x3  }
0x33: {  	p0 =	seq.s32 s10, $0x1;
	s10 =	sld [smem:$0x3FB4];
	_ =	sdelay $0x3  }
0x34: {  	[smem:$0x3FB4] =	sst s10  }
0x35: {  	s10 =	sld [smem:$0x3FB3];
	_ =	sdelay $0x3  }
0x36: {  	p1 =	seq.s32 s10, $0x1;
	s10 =	sld [smem:$0x3FB4];
	_ =	sdelay $0x3  }
0x37: {  	[smem:$0x3FB4] =	sst s10  }
0x38: {  	s10 =	sld [smem:$0x3FB5]  }
0x39: {  	_ = 	snop;
	(pc) =	sbr.ind lr, $3  }
0x3a: {  	_ = 	snop  }
0x3b: {  	_ = 	snop  }
0x3c: {  	p2 =	seq.s32 s10, $0x1;
	s10 =	sld [smem:$0x3FB4]  }
0x3d: {  	_ =	shalt  }
0x3e: {  	_ =	shalt  }
0x3f: {  	_ =	shalt  }
0x40: {  	_ =	shalt  }
0x41: {  	_ =	shalt  }
0x42: {  	_ =	shalt  }
0x43: {  	_ =	shalt  }
0x44: {  	_ =	shalt  }
0x45: {  	_ =	shalt  }
0x46: {  	_ =	shalt  }
0x47: {  	_ =	shalt  }
0x48: {  	_ =	shalt  }
0x49: {  	_ =	shalt  }
0x4a: {  	_ =	shalt  }
0x4b: {  	_ =	shalt  }
0x4c: {  	_ =	shalt  }
0x4d: {  	_ =	shalt  }
0x4e: {  	_ =	shalt  }
0x4f: {  	_ =	shalt  }
0x50: {  	_ =	shalt  }
0x51: {  	_ =	shalt  }
0x52: {  	_ =	shalt  }
0x53: {  	_ =	shalt  }
0x54: {  	_ =	shalt  }
0x55: {  	_ =	shalt  }
0x56: {  	_ =	shalt  }
0x57: {  	_ =	shalt  }
0x58: {  	_ =	shalt  }
0x59: {  	_ =	shalt  }
0x5a: {  	_ =	shalt  }
0x5b: {  	_ =	shalt  }
0x5c: {  	_ =	shalt  }
0x5d: {  	_ =	shalt  }
0x5e: {  	_ =	shalt  }
0x5f: {  	_ =	shalt  }
0x60: {  	_ =	shalt  }
0x61: {  	_ =	shalt  }
0x62: {  	_ =	shalt  }
0x63: {  	_ =	shalt  }
0x64: {  	_ =	shalt  }
0x65: {  	_ =	shalt  }
0x66: {  	_ =	shalt  }
0x67: {  	_ =	shalt  }
0x68: {  	_ =	shalt  }
0x69: {  	_ =	shalt  }
0x6a: {  	_ =	shalt  }
0x6b: {  	_ =	shalt  }
0x6c: {  	_ =	shalt  }
0x6d: {  	_ =	shalt  }
0x6e: {  	_ =	shalt  }
0x6f: {  	_ =	shalt  }
0x70: {  	_ =	shalt  }
0x71: {  	_ =	shalt  }
0x72: {  	_ =	shalt  }
0x73: {  	_ =	shalt  }
0x74: {  	_ =	shalt  }
0x75: {  	_ =	shalt  }
0x76: {  	_ =	shalt  }
0x77: {  	_ =	shalt  }
0x78: {  	_ =	shalt  }
0x79: {  	_ =	shalt  }
0x7a: {  	_ =	shalt  }
0x7b: {  	_ =	shalt  }
0x7c: {  	_ =	shalt  }
0x7d: {  	_ =	shalt  }
0x7e: {  	_ =	shalt  }
0x7f: {  	_ =	shalt  }
0x80: {  	_ =	shalt  }
0x81: {  	_ =	shalt  }
0x82: {  	_ =	shalt  }
0x83: {  	_ =	shalt  }
0x84: {  	_ =	shalt  }
0x85: {  	_ =	shalt  }
0x86: {  	_ =	shalt  }
0x87: {  	_ =	shalt  }
.Lfunc_end0:
.L_simem_size_0:
called_computation.1_lowered:
.L_overlay_start_0:
0x88: {  	s2 =	sld [smem:$0x3FD9]  }
0x89: {  	s3 =	sld [smem:$0x3FFE];
	_ =	sdelay $0x1  }
0x8a: {  	s1 =	srdreg.scid  }
0x8b: {  	s0 =	sand.u32 $0x1, s1  }
0x8c: {  	s15 =	sshll.u32 s0, $0xA;
	s2 =	sadd.s32 s3, s2  }
0x8d: {  	s2 =	sadd.s32 s2, s15  }
0x8e: {  	[smem:$0x3FC0] =	sst s2  }
0x8f: {  	_ = 	snop  }
0x90: {  	(tm) =	ssettm $0x1  }
0x91: {  	s16 =	sld [smem:$0x3FFB];
	_ =	sdelay $0x3  }
0x92: {  	_ =	strace s16  }
0x93: {  	s2 =	sld [smem:$0x3FFC];
	_ =	sdelay $0x3  }
0x94: {  	_ =	strace s2  }
0x95: {  	s2 =	sld [smem:$0x3FFD];
	_ =	sdelay $0x3  }
0x96: {  	_ =	strace s2  }
0x97: {  	_ =	strace $0x8FFFFFFF  }
0x98: {  	s17 =	sld [smem:$0x3FDB];
	_ =	sdelay $0x1  }
0x99: {  	s18 =	simm.s32 $_scs_section_size  }
0x9a: {  	s4 =	simm.s32 $_size__tile_overlayer_lowered;
	s5 =	simm.s32 $_tile_overlayer_lowered  }
0x9b: {  	s21 =	simm.s32 $0x1BFF;
	s20 =	sshll.u32 s5, $0x1;
	s2 =	sadd.s32 s18, s17  }
0x9c: {  	s6 =	simm.s32 $0x0;
	s19 =	sshll.u32 s4, $0x1;
	s4 =	sadd.s32 s20, s2  }
0x9d: {  	[timem:s6], [sflag:s21] =	dma.local [hbm:s4], s19  }
0x9e: {  	_ =	swait.ge [sflag:s21], s19  }
0x9f: {  	s3 =	ssub.s32 $0x0, s19;
	[sflag:s21] =	ssyncset.done $0x0  }
0xa0: {  	[sflag:s21] =	ssyncadd.s32 s3;
	_ =	sdelay $0x1  }
0xa1: {  	s22 =	simm.s32 $0x1B8B  }
0xa2: {  	_ =	swait.ge [sflag:s22], $0x1  }
0xa3: {  	[sflag:s22] =	ssyncset.done $0x0  }
0xa4: {  	s23 =	sld [smem:$0x3FFE];
	[sflag:s22] =	ssyncadd.s32 $0xFFFFFFFF  }
0xa5: {  	s25 =	simm.s32 $0x1B8E;
	s24 =	sld [smem:$0x0]  }
0xa6: {  	s26 =	simm.s32 $execute0_lowered;
	[smem:$0x3FD2] =	sst s25  }
0xa7: {  	s5 =	sshll.u32 s26, $0x1;
	_ =	strace $0x8000004F;
	[dreg:$0x1] =	wrdreg $0xFFFFFFFF  }
0xa8: {  	s28 =	simm.s32 $_size_execute0_lowered;
	s2 =	sadd.s32 s2, s5;
	[dreg:$0x0] =	wrdreg $0x0  }
0xa9: {  	s5 =	sshll.u32 s28, $0x1;
	[dreg:$0x2] =	wrdreg s2  }
0xaa: {  	[dreg:$0x3] =	wrdreg s5  }
0xab: {  	[dreg:$0x4] =	wrdreg $0xC0  }
0xac: {  	_ =	task [dreg:s6], $0x5FFFF  }
0xad: {  	[dreg:$0x1] =	wrdreg $0xFFFFFFFF  }
0xae: {  	[dreg:$0x0] =	wrdreg $0x60  }
0xaf: {  	[dreg:$0x2] =	wrdreg s23  }
0xb0: {  	[dreg:$0x3] =	wrdreg s1  }
0xb1: {  	[dreg:$0x4] =	wrdreg s24  }
0xb2: {  	[dreg:$0x5] =	wrdreg $0x9  }
0xb3: {  	_ =	task.clear_ibuf [dreg:s6], $0x6FFFF;
	_ =	strace $0x9000004F  }
0xb4: {  	s29 =	simm.s32 $0x9;
	_ =	strace $0x80000051  }
0xb5: {  	_ =	swait.ge [sflag:s29], $0x1  }
0xb6: {  	[sflag:s29] =	ssyncadd.s32 $0xFFFFFFFF  }
0xb7: {  	_ =	strace $0x90000051  }
0xb8: {  	_ =	sfence  }
0xb9: {  	s30 =	sld [smem:$0x0];
	_ =	sdelay $0x2  }
0xba: {  	s31 =	sshll.u32 s1, $0xD;
	s1 =	sshrl.u32 s1, $0x2  }
0xbb: {  	s3 =	sand.u32 $0x4000, s31;
	s1 =	sadd.s32 s1, s30  }
0xbc: {  	s0 =	sor.u32 s3, s0;
	s1 =	sshll.u32 s1, $0x11  }
0xbd: {  	s0 =	sor.u32 s1, s0  }
0xbe: {  	s0 =	sadd.s32 $0x8F2B, s0  }
0xbf: {  	[sflag:s0] =	ssyncadd.remote.s32 $0x1  }
0xc0: {  	_ =	sfence.sel $0xFFFF  }
0xc1: {  	[dreg:$0x0] =	wrdreg $0xFFFFFFFF;
	(pc) =	sbr.abs _section_cstart, $3  }
0xc2: {  	[dreg:$0x1] =	wrdreg $0xFFFFFFFF  }
0xc3: {  	_ =	task.clear_ibuf [dreg:s6], $0x2FFFF;
	_ =	strace $0x9FFFFFFF  }
0xc4: {  	(tm) =	ssettm $0x7FFFFFFF  }
0xc5: {  	_ =	shalt  }
tec
execute0_lowered:
.L_overlay_start_1:
0x0: {  	(tag) =	ssettag $0x1  }
0x1: {  	s2 =	rddreg [dreg:$0x0]  }
0x2: {  	s3 =	rddreg [dreg:$0x1];
	_ =	strace $0x80000050;
	s0 =	simm.s32 $0x1  }
0x3: {  	v0 =	vimm.s32 $0x0;
	[sflag:s0] =	ssyncpa.u1 $0x0;
	s0 =	simm.s32 $0x108  }
0x4: {  	[tilespmem:s0+$0x70] =	vst v0  }
0x5: {  	[tilespmem:s0+$0x60] =	vst v0  }
0x6: {  	[tilespmem:s0+$0x50] =	vst v0  }
0x7: {  	[tilespmem:s0+$0x40] =	vst v0  }
0x8: {  	[tilespmem:s0+$0x30] =	vst v0  }
0x9: {  	s1 =	sadd.s32 $0x547400, s2;
	s15 =	sadd.s32 $0xC200, s2;
	s6 =	sadd.s32 $0x47400, s2;
	[tilespmem:s0+$0x20] =	vst v0  }
0xa: {  	s14 =	sadd.s32 $0x16200, s2;
	s5 =	sand.u32 $0x1, s3;
	s3 =	simm.s32 $0x40;
	[tilespmem:s0+$0x10] =	vst v0  }
.LBB2_1:
0xb: {  	s3 =	sadd.s32 $0x40, s3;
	[tilespmem:s0+$0x0] =	vst v0;
	s0 =	sadd.s32 $0x80, s0  }
0xc: {  	p0 =	slt.u32 s3, $0x3C40;
	[tilespmem:s0+$0x70] =	vst v0  }
0xd: {  	[tilespmem:s0+$0x60] =	vst v0  }
.Ltmp0:
0xe: {  	[tilespmem:s0+$0x50] =	vst v0;
	(pc) =	sbr.rel @p0 .LBB2_1-.Ltmp0, $4  }
0xf: {  	[tilespmem:s0+$0x40] =	vst v0  }
0x10: {  	[tilespmem:s0+$0x30] =	vst v0  }
0x11: {  	[tilespmem:s0+$0x20] =	vst v0  }
0x12: {  	[tilespmem:s0+$0x10] =	vst v0  }
0x13: {  	s9 =	stileid.u32  }
0x14: {  	s2 =	smul.u32 $0x2A, s9  }
0x15: {  	s3 =	smin.u32 s9, $0xB  }
0x16: {  	s2 =	sadd.s32 s3, s2  }
0x17: {  	p0 =	slt.u32 s9, $0xB;
	s7 =	smul.u32 $0xF0, s2;
	s2 =	simm.s32 $0x2850  }
0x18: {  	s2 =	simm.s32 @!p0 $0x2760  }
0x19: {  	s2 =	sadd.s32 s2, s7  }
0x1a: {  	s8 =	smin.u32 s2, $0x28000  }
0x1b: {  	s2 =	ssub.s32 s8, s7  }
0x1c: {  	p0 =	sgt.s32 s2, $0x0  }
0x1d: {  	s29 =	simm.s32 $0x2;
	s10 =	simm.s32 $0x9;
	s2 =	simm.s32 @!p0 $0x0  }
0x1e: {  	s4 =	simm.s32 $0xA;
	s11 =	simm.s32 $0xB;
	s28 =	smulhi.u32 $0x88888889, s2  }
0x1f: {  	[dreg:$0x4] =	wrdreg s5;
	s31 =	smul.u32 $0x5000, s5;
	s12 =	simm.s32 $0x1  }
0x20: {  	s22 =	simm.s32 $0x0;
	s18 =	simm.s32 $0xC;
	s30 =	sshrl.u32 s28, $0x7  }
0x21: {  	s20 =	simm.s32 $0x0;
	s21 =	simm.s32 $0x0;
	s3 =	smul.u32 $0xF0, s30  }
.Ltmp1:
0x22: {  	[tilespmem:s0+$0x0] =	vst v0;
	v0 =	vimm.s32 $0xFFFFFFFF;
	[sflag:s29] =	ssyncpa.u1 $0x0;
	s16 =	sshll.u32 s9, $0x8;
	(pc) =	sbr.rel .LBB2_3-.Ltmp1, $4  }
0x23: {  	[tilespmem:$0xF208] =	vst v0;
	[sflag:s10] =	ssyncpa.u1 $0x0;
	p0 =	sne.s32 s2, s3;
	s2 =	simm.s32 $0x1  }
0x24: {  	s14 =	sadd.s32 s31, s14;
	[sflag:s4] =	ssyncpa.u1 $0x0;
	s2 =	simm.s32 @!p0 $0x0  }
0x25: {  	s15 =	sadd.s32 s31, s15;
	[sflag:s11] =	ssyncpa.u1 $0x0;
	s13 =	sadd.s32 s2, s30  }
0x26: {  	v0 =	vlaneseq.u32;
	s19 =	smov.u32 s7;
	p0 =	por $0x0, $0x0;
	s17 =	sadd.s32 $0x1, s13  }
.LBB2_18:
0x27: {  	s0 =	sshrl.u32 s31, $0x2  }
.LBB2_20:
0x28: {  	_ =	swait.ge [sflag:s18], s0  }
0x29: {  	s31 =	ssub.s32 $0x0, s0;
	v1 =	vmov s24;
	vm0 =	veq.s32 v0, $0x0;
	[sflag:s18] =	ssyncset.done $0x0  }
0x2a: {  	vm15 =	veq.s32 v0, $0x2;
	v1 =	vsel vm0, s30, v1;
	[sflag:s18] =	ssyncadd.s32 s31  }
0x2b: {  	v1 =	vsel vm15, s22, v1;
	[sflag:s18] =	ssyncpa.u1 $0x1  }
0x2c: {  	[tilespmem:$0xF208] =	vst v1  }
.LBB2_21:
0x2d: {  	s0 =	sadd.s32 $0xF0, s19  }
0x2e: {  	s2 =	smov.u32 s7;
	p1 =	slt.s32 s0, s8  }
0x2f: {  	s2 =	smov.u32 @p1 s0;
	p1 =	sne.s32 s21, s17  }
.Ltmp2:
0x30: {  	_ = 	snop;
	(pc) =	sbr.rel @!p1 .LBB2_22-.Ltmp2, $3  }
0x31: {  	_ =	sdelay $0x1  }
0x32: {  	s22 =	smov.u32 s20;
	s31 =	sadd.s32 $0x1, s21;
	s20 =	smov.u32 s19  }
0x33: {  	p0 =	por !p0, !p0;
	s21 =	smov.u32 s31;
	s19 =	smov.u32 s2  }
.LBB2_3:
0x34: {  	p1 =	sge.u32 s21, s13  }
0x35: {  	s0 =	smulhi.u32 @!p1 $0xAAAAAAAB, s21  }
0x36: {  	s2 =	smov.u32 s19;
	p2 =	sgt.s32 @!p1 s19, $0x27F10  }
0x37: {  	s3 =	sshra.s32 @!p1 s19, $0x1F;
	p2 =	por !p2, p1;
	s0 =	sshrl.u32 @!p1 s0, $0x1  }
0x38: {  	s3 =	sand.u32 @!p1 s3, s19;
	s2 =	simm.s32 @p2 $0x27F10;
	s0 =	smul.u32 @!p1 $0x3, s0  }
0x39: {  	s2 =	ssub.s32 @!p1 s2, s3  }
0x3a: {  	s2 =	sadd.s32 @!p1 $0xFFFD80F0, s2;
	s0 =	ssub.s32 @!p1 s21, s0  }
0x3b: {  	s3 =	sshll.u32 @!p1 s2, $0x2;
	p2 =	sgt.s32 @!p1 s2, $0xEF;
	s0 =	smul.u32 @!p1 $0x3C0, s0  }
0x3c: {  	s4 =	sand.u32 @!p1 $0x7, s19;
	s2 =	ssub.s32 @!p1 $0x3C0, s3;
	p2 =	por !p2, p1  }
0x3d: {  	s3 =	sshrl.u32 @!p1 s19, $0x3;
	s2 =	sshrl.u32 @!p1 s2, $0x2;
	s0 =	sshrl.u32 @!p1 s0, $0x2  }
0x3e: {  	s3 =	sadd.s32 @!p1 s3, s14;
	s2 =	simm.s32 @!p2 $0x0;
	s0 =	sadd.s32 @!p1 $0x10248, s0  }
0x3f: {  	[tilespmem:s0], [sflag:$0xA] =	stream.linear.gather @!p1 [hbm4b:s3+s4], s2, $0x38;
	[tilespmem:$0x1F6F8] =	vst v63  }
0x40: {  	s0 =	sadd.s32 $0xFFFFFFFF, s21  }
0x41: {  	p1 =	sge.u32 s0, s13  }
0x42: {  	p2 =	sgt.s32 @!p1 s20, $0x27F10  }
0x43: {  	s2 =	smov.u32 s20;
	s3 =	sshra.s32 @!p1 s20, $0x1F;
	p2 =	por !p2, p1  }
0x44: {  	s3 =	sand.u32 @!p1 s3, s20;
	s2 =	simm.s32 @p2 $0x27F10  }
0x45: {  	s2 =	ssub.s32 @!p1 s2, s3  }
0x46: {  	s2 =	sadd.s32 @!p1 $0xFFFD80F0, s2  }
0x47: {  	s4 =	sand.u32 @!p1 $0x1, s0;
	s3 =	sshll.u32 @!p1 s2, $0x2  }
0x48: {  	p2 =	sgt.s32 @!p1 s2, $0xEF;
	s2 =	ssub.s32 @!p1 $0x3C0, s3;
	s3 =	smulhi.u32 @!p1 $0xAAAAAAAB, s0  }
0x49: {  	s23 =	smul.u32 @!p1 $0x3C0, s4;
	p2 =	por !p2, p1;
	s2 =	sshrl.u32 @!p1 s2, $0x2  }
0x4a: {  	s5 =	simm.s32 @!p1 $0xA;
	s2 =	simm.s32 @!p2 $0x0;
	s3 =	sshrl.u32 @!p1 s3, $0x1  }
0x4b: {  	s23 =	sshrl.u32 @!p1 s23, $0x2;
	_ =	swait.ge @!p1 [sflag:s5], s2;
	s3 =	smul.u32 @!p1 $0x3, s3  }
0x4c: {  	s23 =	sadd.s32 @!p1 $0x10518, s23;
	s24 =	ssub.s32 @!p1 $0x0, s2;
	[sflag:s5] =	ssyncset.done @!p1 $0x0  }
0x4d: {  	[sflag:s5] =	ssyncadd.s32 @!p1 s24;
	s5 =	sshrl.u32 @!p1 s20, $0x3;
	s0 =	ssub.s32 @!p1 s0, s3  }
0x4e: {  	s24 =	sand.u32 @!p1 $0x7, s20;
	s5 =	sadd.s32 @!p1 s5, s15;
	s0 =	smul.u32 @!p1 $0x3C0, s0  }
0x4f: {  	[tilespmem:s23], [sflag:$0xB] =	stream.linear.gather @!p1 [hbm4b:s5+s24], s2, $0x38;
	[tilespmem:$0x1F6F8] =	vst v63  }
0x50: {  	s3 =	ssub.s32 @!p1 $0x28000, s20;
	s2 =	smul.u32 @!p1 $0x1E000, s4  }
0x51: {  	p2 =	slt.s32 @!p1 s3, $0xF0  }
0x52: {  	p2 =	por !p2, p1;
	s0 =	sshrl.u32 @!p1 s0, $0x2;
	s2 =	sshrl.u32 @!p1 s2, $0x2  }
0x53: {  	s3 =	simm.s32 @p2 $0xF0;
	s0 =	sadd.s32 @!p1 $0x10248, s0;
	s2 =	sor.u32 @!p1 $0x106F8, s2  }
0x54: {  	[tilespmem:s2], [sflag:$0x9] =	stream.indirect.gather @!p1 [hbm4b:s6+s3], $0x80, s0, s3, $0xb8;
	[tilespmem:$0x1F6F8] =	vst v63  }
0x55: {  	p1 =	slt.u32 s21, $0x2  }
.Ltmp3:
0x56: {  	_ = 	snop;
	(pc) =	sbr.rel @p1 .LBB2_21-.Ltmp3, $1  }
0x57: {  	_ =	sdelay $0x3  }
0x58: {  	p1 =	sgt.s32 s22, $0x27F10  }
0x59: {  	s0 =	smov.u32 s22;
	s2 =	sshra.s32 s22, $0x1F;
	s3 =	ssub.s32 $0x28000, s22  }
0x5a: {  	s0 =	simm.s32 @!p1 $0x27F10;
	s2 =	sand.u32 s2, s22;
	p1 =	slt.s32 s3, $0xF0  }
0x5b: {  	s0 =	ssub.s32 s0, s2;
	s3 =	simm.s32 @!p1 $0xF0  }
0x5c: {  	s0 =	sadd.s32 $0xFFFD80F0, s0;
	s25 =	sshll.u32 s3, $0x7  }
0x5d: {  	s26 =	sshll.u32 s0, $0x2;
	s2 =	sand.u32 $0x3FFFFF80, s25  }
0x5e: {  	p1 =	sgt.s32 s0, $0xEF;
	s29 =	ssub.s32 $0x3C0, s26;
	_ =	swait.ge [sflag:s10], s2  }
0x5f: {  	s2 =	ssub.s32 $0x0, s2;
	[sflag:s10] =	ssyncset.done $0x0;
	s0 =	sshrl.u32 s29, $0x2  }
0x60: {  	[sflag:s10] =	ssyncadd.s32 s2;
	s0 =	simm.s32 @p1 $0x0  }
0x61: {  	_ =	swait.ge [sflag:s11], s0  }
0x62: {  	s0 =	ssub.s32 $0x0, s0;
	[sflag:s11] =	ssyncset.done $0x0  }
0x63: {  	[sflag:s11] =	ssyncadd.s32 s0  }
0x64: {  	v1 =	vld [tilespmem:$0xF208];
	_ =	sdelay $0x4  }
0x65: {  	(v2sf) =	vpush v1, $0x0  }
0x66: {  	(v2sf) =	vpush v1, $0x1  }
0x67: {  	(v2sf) =	vpush v1, $0x2;
	_ =	sdelay $0x3  }
0x68: {  	s0 =	sadd.s32 $0xF0, s22  }
0x69: {  	s2 =	ssub.s32 $0x50000, s22;
	p1 =	slt.s32 s8, s0  }
0x6a: {  	s0 =	smov.u32 @p1 s8;
	p1 =	sgt.s32 s2, $0x0  }
0x6b: {  	s26 =	ssub.s32 s0, s22;
	s2 =	simm.s32 @!p1 $0x0  }
0x6c: {  	p1 =	slt.s32 s2, s26  }
0x6d: {  	s26 =	smov.u32 @p1 s2  }
0x6e: {  	s25 =	simm.s32 $0x1;
	p1 =	slt.s32 s26, $0x1  }
.Ltmp4:
0x6f: {  	s25 =	simm.s32 @!p0 $0x0;
	(pc) =	sbr.rel @p1 .LBB2_8-.Ltmp4, $4  }
0x70: {  	s31 =	smul.u32 $0x3C0, s25  }
0x71: {  	s28 =	spop (v2sf)  }
0x72: {  	s0 =	sshrl.u32 s31, $0x2;
	s30 =	spop (v2sf)  }
0x73: {  	s23 =	sadd.s32 $0x10518, s0;
	s22 =	spop (v2sf)  }
0x74: {  	s0 =	smin.u32 s26, $0x10  }
0x75: {  	v1 =	vmov s0  }
0x76: {  	p2 =	sgt.s32 s26, $0x10;
	vm1 =	vgt.u32 v1, v0  }
.Ltmp5:
0x77: {  	_ = 	snop;
	(pc) =	sbr.rel @!p2 .LBB2_7-.Ltmp5, $2  }
0x78: {  	_ =	sdelay $0x2  }
0x79: {  	s4 =	simm.s32 $0x10;
	s24 =	sadd.s32 $0xFFFFFFF0, s26;
	s0 =	smov.u32 s23;
	vm0 =	vmmov vm1  }
.LBB2_6:
0x7a: {  	s2 =	smin.u32 s24, $0x10;
	s4 =	sadd.s32 $0x10, s4;
	v1 =	vld.msk [tilespmem:s0+$0x0 ss:$0x1], vm1  }
0x7b: {  	v2 =	vmov s2;
	p2 =	slt.s32 s4, s26  }
0x7c: {  	vm1 =	vgt.u32 v2, v0  }
.Ltmp6:
0x7d: {  	(pc) =	sbr.rel @p2 .LBB2_6-.Ltmp6, $3  }
0x7e: {  	_ =	sdelay $0x1  }
0x7f: {  	v1 =	vshll.u32 v1, $0x4  }
0x80: {  	s24 =	sadd.s32 $0xFFFFFFF0, s24;
	[tilespmem:s0+$0x0] =	vst.msk vm0, v1;
	s0 =	sadd.s32 $0x10, s0;
	vm0 =	vmmov vm1  }
.LBB2_7:
0x81: {  	_ =	sdelay $0x4  }
0x82: {  	v1 =	vld.msk [tilespmem:s0+$0x0 ss:$0x1], vm1;
	_ =	sdelay $0x4  }
0x83: {  	v1 =	vshll.u32 v1, $0x4  }
0x84: {  	[tilespmem:s0+$0x0] =	vst.msk vm0, v1  }
.LBB2_8:
0x85: {  	s0 =	sand.u32 $0x1, s21  }
0x86: {  	s0 =	smul.u32 $0xF0, s0  }
0x87: {  	p2 =	sne.s32 s30, $0xFFFFFFFF  }
0x88: {  	v1 =	vld.msk @!p2 [tilespmem:s0+$0x10518], $0x1;
	_ =	sdelay $0x4  }
0x89: {  	(v2sf) =	vpush @!p2 v1, $0x0;
	_ =	sdelay $0xc  }
.Ltmp7:
0x8a: {  	_ = 	snop;
	(pc) =	sbr.rel @p1 .LBB2_19-.Ltmp7, $4  }
0x8b: {  	_ = 	snop  }
0x8c: {  	s29 =	spop @!p2 (v2sf)  }
0x8d: {  	s22 =	simm.s32 @!p2 $0x0;
	s24 =	smov.u32 s29  }
0x8e: {  	[sflag:s18] =	ssyncpa.u1 $0x0;
	s29 =	smov.u32 @p2 s28;
	s24 =	smov.u32 @p2 s30  }
0x8f: {  	v1 =	vld.msk [tilespmem:s23+$0x0], $0x1;
	_ =	sdelay $0x4  }
0x90: {  	(v2sf) =	vpush v1, $0x0;
	_ =	sdelay $0xe  }
0x91: {  	s2 =	smul.u32 $0x1E000, s25;
	s0 =	spop (v2sf)  }
0x92: {  	s26 =	ssub.s32 $0x0, s26;
	p1 =	seq.s32 s29, s0  }
0x93: {  	s30 =	sadd.s32 $0x1, s26;
	s2 =	sshrl.u32 s2, $0x2;
	p2 =	sgt.s32 @!p1 s29, $0x0  }
0x94: {  	s25 =	sor.u32 $0x10738, s2;
	s2 =	smov.u32 s29;
	p2 =	por !p2, p1  }
0x95: {  	s2 =	simm.s32 @p2 $0x0;
	p2 =	seq.s32 s30, $0x0  }
.Ltmp8:
0x96: {  	_ = 	snop;
	(pc) =	sbr.rel @p2 .LBB2_11-.Ltmp8, $4  }
0x97: {  	_ = 	snop  }
0x98: {  	s28 =	simm.s32 $0x0;
	s31 =	sadd.s32 $0x1, s23;
	s2 =	smin.u32 @!p1 s2, $0x277F0  }
0x99: {  	s4 =	simm.s32 @!p1 $0x1;
	s5 =	simm.s32 @!p1 $0x7988;
	s3 =	sand.u32 @!p1 $0x3FFF8, s2  }
0x9a: {  	s4 =	smov.u32 @p1 s28;
	s2 =	sand.u32 @!p1 $0x7, s2;
	s3 =	sadd.s32 @!p1 s1, s3  }
.LBB2_10:
0x9b: {  	s9 =	smov.u32 s4  }
0x9c: {  	[tilespmem:s5], [sflag:$0x2] =	stream.linear.gather @!p1 [hbm4b:s3+s2], $0x80, $0x38;
	[tilespmem:$0x1F6F8] =	vst v63  }
0x9d: {  	s30 =	sadd.s32 $0x1, s30;
	s2 =	smov.u32 s0;
	v1 =	vld.msk [tilespmem:s31+$0x0], $0x1  }
0x9e: {  	p2 =	seq.s32 s30, $0x0;
	_ =	sdelay $0x3  }
0x9f: {  	(v2sf) =	vpush v1, $0x0;
	_ =	sdelay $0xe  }
0xa0: {  	s0 =	spop (v2sf)  }
0xa1: {  	p1 =	seq.s32 s2, s0  }
0xa2: {  	p3 =	sgt.s32 @!p1 s2, $0x0;
	s3 =	sshll.u32 @!p1 s4, $0x9;
	s4 =	sadd.s32 @!p1 $0x1, s4  }
.Ltmp9:
0xa3: {  	p3 =	por !p3, p1;
	s3 =	sshra.s32 @!p1 s3, $0x2;
	(pc) =	sbr.rel @!p2 .LBB2_10-.Ltmp9, $4  }
0xa4: {  	s4 =	smov.u32 @p1 s9;
	s2 =	simm.s32 @p3 $0x0;
	s5 =	sadd.s32 @!p1 $0x7988, s3  }
0xa5: {  	s2 =	smin.u32 @!p1 s2, $0x277F0  }
0xa6: {  	s3 =	sand.u32 @!p1 $0x3FFF8, s2;
	s2 =	sand.u32 @!p1 $0x7, s2  }
0xa7: {  	s31 =	sadd.s32 $0x1, s31;
	s3 =	sadd.s32 @!p1 s1, s3  }
.LBB2_11:
0xa8: {  	[tilespmem:s5], [sflag:$0x2] =	stream.linear.gather @!p1 [hbm4b:s3+s2], $0x80, $0x38;
	[tilespmem:$0x1F6F8] =	vst v63  }
.Ltmp10:
0xa9: {  	s0 =	sshll.u32 s4, $0x7;
	(pc) =	sbr.rel .LBB2_12-.Ltmp10, $4  }
0xaa: {  	s30 =	simm.s32 $0x2;
	s0 =	sand.u32 $0x3FFFFF80, s0  }
0xab: {  	_ =	swait.ge [sflag:s30], s0  }
0xac: {  	s0 =	ssub.s32 $0x0, s0;
	[sflag:s30] =	ssyncset.done $0x0  }
0xad: {  	s31 =	simm.s32 $0x0;
	[sflag:s30] =	ssyncadd.s32 s0  }
.LBB2_13:
0xae: {  	v1 =	vld [tilespmem:s25+$0xFFFFFFC0];
	_ =	sdelay $0x3  }
0xaf: {  	s0 =	sshra.s32 s0, $0x2  }
0xb0: {  	[tilespmem:s0+$0x108] =	vst.add.f32.msk $0xffff, v1  }
0xb1: {  	v1 =	vld [tilespmem:s25+$0xFFFFFFD0];
	_ =	sdelay $0x4  }
0xb2: {  	[tilespmem:s0+$0x118] =	vst.add.f32.msk $0xffff, v1  }
0xb3: {  	v1 =	vld [tilespmem:s25+$0xFFFFFFE0];
	_ =	sdelay $0x4  }
0xb4: {  	[tilespmem:s0+$0x128] =	vst.add.f32.msk $0xffff, v1  }
0xb5: {  	v1 =	vld [tilespmem:s25+$0xFFFFFFF0];
	_ =	sdelay $0x4  }
0xb6: {  	[tilespmem:s0+$0x138] =	vst.add.f32.msk $0xffff, v1  }
0xb7: {  	v1 =	vld [tilespmem:s25+$0x0];
	_ =	sdelay $0x4  }
0xb8: {  	[tilespmem:s0+$0x148] =	vst.add.f32.msk $0xffff, v1  }
0xb9: {  	v1 =	vld [tilespmem:s25+$0x10];
	_ =	sdelay $0x4  }
0xba: {  	[tilespmem:s0+$0x158] =	vst.add.f32.msk $0xffff, v1  }
0xbb: {  	v1 =	vld [tilespmem:s25+$0x20];
	_ =	sdelay $0x4  }
0xbc: {  	[tilespmem:s0+$0x168] =	vst.add.f32.msk $0xffff, v1  }
0xbd: {  	v1 =	vld [tilespmem:s25+$0x30];
	_ =	sdelay $0x4  }
0xbe: {  	[tilespmem:s0+$0x178] =	vst.add.f32.msk $0xffff, v1  }
.LBB2_17:
0xbf: {  	s26 =	sadd.s32 $0x1, s26  }
0xc0: {  	p1 =	seq.s32 s26, $0x0  }
.Ltmp11:
0xc1: {  	_ = 	snop;
	(pc) =	sbr.rel @p1 .LBB2_18-.Ltmp11, $2  }
0xc2: {  	_ =	sdelay $0x2  }
0xc3: {  	s23 =	sadd.s32 $0x1, s23;
	s25 =	sadd.s32 $0x80, s25;
	s29 =	smov.u32 s30  }
.LBB2_12:
0xc4: {  	v1 =	vld.msk [tilespmem:s23+$0x0], $0x1;
	_ =	sdelay $0x4  }
0xc5: {  	(v2sf) =	vpush v1, $0x0;
	_ =	sdelay $0xe  }
0xc6: {  	s30 =	spop (v2sf)  }
0xc7: {  	p1 =	sne.s32 s29, s30  }
.Ltmp12:
0xc8: {  	_ = 	snop;
	(pc) =	sbr.rel @!p1 .LBB2_13-.Ltmp12, $2  }
0xc9: {  	_ =	sdelay $0x2  }
0xca: {  	s0 =	sshll.u32 s22, $0x9  }
0xcb: {  	p1 =	seq.s32 s29, s24  }
.Ltmp13:
0xcc: {  	_ = 	snop;
	(pc) =	sbr.rel @!p1 .LBB2_15-.Ltmp13, $1  }
0xcd: {  	_ =	sdelay $0x3  }
0xce: {  	s0 =	sshra.s32 s0, $0x2  }
.Ltmp14:
0xcf: {  	s0 =	sadd.s32 $0x108, s0;
	(pc) =	sbr.rel .LBB2_16-.Ltmp14, $4  }
0xd0: {  	[spmem:s16] =	stream.linear.scatter [tilespmem:s0], [sflag:$0x1], $0x80, $0x38;
	[tilespmem:$0x1F6F8] =	vst v63  }
0xd1: {  	_ =	swait.ge [sflag:s12], $0x80  }
0xd2: {  	[sflag:s12] =	ssyncset.done $0x0  }
0xd3: {  	[sflag:s12] =	ssyncadd.s32 $0xFFFFFF80  }
.LBB2_15:
0xd4: {  	s2 =	sshll.u32 s28, $0x9  }
0xd5: {  	s2 =	sshra.s32 s2, $0x2  }
0xd6: {  	v1 =	vld [tilespmem:s2+$0x7988];
	_ =	sdelay $0x3  }
0xd7: {  	s0 =	sshra.s32 s0, $0x2  }
0xd8: {  	[tilespmem:s0+$0x108] =	vst.add.f32.msk $0xffff, v1  }
0xd9: {  	v1 =	vld [tilespmem:s2+$0x7998];
	_ =	sdelay $0x4  }
0xda: {  	[tilespmem:s0+$0x118] =	vst.add.f32.msk $0xffff, v1  }
0xdb: {  	v1 =	vld [tilespmem:s2+$0x79A8];
	_ =	sdelay $0x4  }
0xdc: {  	[tilespmem:s0+$0x128] =	vst.add.f32.msk $0xffff, v1  }
0xdd: {  	v1 =	vld [tilespmem:s2+$0x79B8];
	_ =	sdelay $0x4  }
0xde: {  	[tilespmem:s0+$0x138] =	vst.add.f32.msk $0xffff, v1  }
0xdf: {  	v1 =	vld [tilespmem:s2+$0x79C8];
	_ =	sdelay $0x4  }
0xe0: {  	[tilespmem:s0+$0x148] =	vst.add.f32.msk $0xffff, v1  }
0xe1: {  	v1 =	vld [tilespmem:s2+$0x79D8];
	_ =	sdelay $0x4  }
0xe2: {  	[tilespmem:s0+$0x158] =	vst.add.f32.msk $0xffff, v1  }
0xe3: {  	v1 =	vld [tilespmem:s2+$0x79E8];
	_ =	sdelay $0x4  }
0xe4: {  	[tilespmem:s0+$0x168] =	vst.add.f32.msk $0xffff, v1  }
0xe5: {  	v1 =	vld [tilespmem:s2+$0x79F8];
	_ =	sdelay $0x2  }
0xe6: {  	p1 =	sgt.u32 s29, $0x277F0  }
0xe7: {  	s2 =	sand.u32 @!p1 $0x3FFF8, s29  }
0xe8: {  	s3 =	sadd.s32 $0x108, s0;
	[tilespmem:s0+$0x178] =	vst.add.f32.msk $0xffff, v1;
	s0 =	sadd.s32 @!p1 s1, s2;
	s2 =	sand.u32 @!p1 $0x7, s29  }
0xe9: {  	[hbm4b:s0+s2] =	stream.linear.scatter @!p1 [tilespmem:s3], [sflag:$0xC], $0x80, $0x38;
	[tilespmem:$0x1F6F8] =	vst v63  }
0xea: {  	s0 =	simm.s32 $0x0  }
0xeb: {  	s0 =	simm.s32 @!p1 $0x200  }
0xec: {  	s31 =	sadd.s32 s0, s31  }
.LBB2_16:
0xed: {  	s0 =	sadd.s32 $0x1, s22  }
0xee: {  	s2 =	smulhi.u32 $0x88888889, s0;
	_ =	sdelay $0x1  }
0xef: {  	v1 =	vld [tilespmem:s25+$0xFFFFFFC0];
	s2 =	sshrl.u32 s2, $0x7  }
0xf0: {  	s2 =	smul.u32 $0xF0, s2;
	_ =	sdelay $0x1  }
0xf1: {  	s22 =	ssub.s32 s0, s2  }
0xf2: {  	s0 =	sshll.u32 s22, $0x7  }
0xf3: {  	[tilespmem:s0+$0x108] =	vst v1  }
0xf4: {  	v1 =	vld [tilespmem:s25+$0xFFFFFFD0];
	_ =	sdelay $0x4  }
0xf5: {  	[tilespmem:s0+$0x118] =	vst v1  }
0xf6: {  	v1 =	vld [tilespmem:s25+$0xFFFFFFE0];
	_ =	sdelay $0x4  }
0xf7: {  	[tilespmem:s0+$0x128] =	vst v1  }
0xf8: {  	v1 =	vld [tilespmem:s25+$0xFFFFFFF0];
	_ =	sdelay $0x4  }
0xf9: {  	[tilespmem:s0+$0x138] =	vst v1  }
0xfa: {  	v1 =	vld [tilespmem:s25+$0x0];
	_ =	sdelay $0x4  }
0xfb: {  	[tilespmem:s0+$0x148] =	vst v1  }
0xfc: {  	v1 =	vld [tilespmem:s25+$0x10];
	_ =	sdelay $0x4  }
0xfd: {  	[tilespmem:s0+$0x158] =	vst v1  }
0xfe: {  	v1 =	vld [tilespmem:s25+$0x20];
	_ =	sdelay $0x4  }
0xff: {  	[tilespmem:s0+$0x168] =	vst v1  }
0x100: {  	v1 =	vld [tilespmem:s25+$0x30]  }
.Ltmp15:
0x101: {  	_ = 	snop;
	(pc) =	sbr.rel .LBB2_17-.Ltmp15, $2  }
0x102: {  	_ =	sdelay $0x2  }
0x103: {  	s28 =	sadd.s32 $0x1, s28;
	[tilespmem:s0+$0x178] =	vst v1  }
.LBB2_19:
.Ltmp16:
0x104: {  	(pc) =	sbr.rel .LBB2_20-.Ltmp16, $4  }
0x105: {  	_ = 	snop  }
0x106: {  	s0 =	simm.s32 $0x2  }
0x107: {  	_ =	swait.ge [sflag:s0], $0x0  }
0x108: {  	s30 =	smov.u32 s29;
	[sflag:s0] =	ssyncset.done $0x0;
	s0 =	simm.s32 $0x0  }
.LBB2_22:
0x109: {  	_ =	sfence.sel $0x180000  }
0x10a: {  	s0 =	simm.s32 $0x9;
	[bflag:$0x0] =	sbarrier.arrive $0xFFFF  }
0x10b: {  	s24 =	simm.s32 $0xA;
	[sflag:s0] =	ssyncpa.u1 $0x1  }
0x10c: {  	s25 =	simm.s32 $0xB;
	[sflag:s24] =	ssyncpa.u1 $0x1  }
0x10d: {  	s26 =	simm.s32 $0x2;
	[sflag:s25] =	ssyncpa.u1 $0x1  }
0x10e: {  	[sflag:s26] =	ssyncpa.u1 $0x1  }
0x10f: {  	v0 =	vld [tilespmem:$0xF208];
	_ =	sdelay $0x4  }
0x110: {  	(v2sf) =	vpush v0, $0x0  }
0x111: {  	(v2sf) =	vpush v0, $0x1;
	_ =	sdelay $0x1  }
0x112: {  	(v2sf) =	vpush v0, $0x2;
	_ =	sdelay $0xb  }
0x113: {  	s0 =	spop (v2sf)  }
0x114: {  	s2 =	spop (v2sf)  }
0x115: {  	s3 =	smov.u32 s0;
	p0 =	sne.s32 s0, s2  }
0x116: {  	s4 =	spop (v2sf);
	s3 =	simm.s32 @!p0 $0xFFFFFFFF  }
0x117: {  	v2 =	vimm.s32 $0x1;
	v3 =	vlaneseq.u32;
	p0 =	seq.s32 s4, $0xFFFFFFFF;
	v1 =	vmov s3  }
0x118: {  	s16 =	stileid.u32;
	v0 =	vperm.xlane v0, v2;
	p1 =	sne.s32 @!p0 s0, s2;
	v1 =	vperm.xlane v1, v3  }
0x119: {  	vm0 =	vcmask $0x3F04;
	s6 =	simm.s32 $0xF208;
	s0 =	simm.s32 @!p0 $0x1;
	p1 =	por !p1, p0  }
0x11a: {  	s3 =	sshll.u32 s16, $0x1;
	s2 =	sshll.u32 @!p0 s4, $0x9;
	s0 =	simm.s32 @p1 $0x0;
	v0 =	vsel vm0, v1, v0  }
0x11b: {  	s5 =	sor.u32 $0x1000, s3;
	s2 =	sshra.s32 @!p0 s2, $0x2;
	s0 =	sor.u32 @!p0 s0, s3;
	[tilespmem:$0xF208] =	vst v0  }
0x11c: {  	[spmem:s5] =	stream.linear.scatter [tilespmem:s6], [sflag:$0x1], $0x2, $0x38;
	[tilespmem:$0x1F6F8] =	vst v63  }
0x11d: {  	s2 =	sadd.s32 @!p0 $0x108, s2;
	s0 =	sshll.u32 @!p0 s0, $0x7  }
0x11e: {  	[spmem:s0] =	stream.linear.scatter @!p0 [tilespmem:s2], [sflag:$0x1], $0x80, $0x38;
	[tilespmem:$0x1F6F8] =	vst v63  }
0x11f: {  	s0 =	simm.s32 @!p0 $0x82  }
0x120: {  	s28 =	simm.s32 $0x1;
	s0 =	simm.s32 @p0 $0x2  }
0x121: {  	_ =	swait.ge [sflag:s28], s0  }
0x122: {  	s0 =	ssub.s32 $0x0, s0;
	[sflag:s28] =	ssyncset.done $0x0  }
0x123: {  	p0 =	sne.s32 s16, $0x0;
	[sflag:s28] =	ssyncadd.s32 s0  }
.Ltmp17:
0x124: {  	_ =	sfence.stream.spmem;
	(pc) =	sbr.rel @p0 .LBB2_39-.Ltmp17, $4  }
0x125: {  	s29 =	simm.s32 $0x3;
	[bflag:$0x0] =	sbarrier.arrive $0xFFFF  }
0x126: {  	s30 =	simm.s32 $0x4;
	[sflag:s29] =	ssyncpa.u1 $0x1  }
0x127: {  	s31 =	simm.s32 $0x3C;
	[sflag:s30] =	ssyncpa.u1 $0x1  }
0x128: {  	s15 =	rddreg [dreg:$0x4];
	[sflag:s31] =	ssyncpa.u1 $0x1  }
0x129: {  	_ =	sfence.stream.spmem;
	s0 =	simm.s32 $0x5  }
0x12a: {  	s2 =	simm.s32 $0x1000;
	s3 =	simm.s32 $0xF218;
	[sflag:s0] =	ssyncpa.u1 $0x0  }
0x12b: {  	[tilespmem:s3], [sflag:$0x5] =	stream.linear.gather [spmem:s2], $0x20, $0x38;
	[tilespmem:$0x1F6F8] =	vst v63  }
0x12c: {  	s26 =	simm.s32 $0x0;
	s28 =	simm.s32 $0xF238  }
0x12d: {  	[tilespmem:s28], [sflag:$0x5] =	stream.linear.gather [spmem:s26], $0x1000, $0x38;
	[tilespmem:$0x1F6F8] =	vst v63  }
0x12e: {  	_ =	swait.ge [sflag:s0], $0x1020  }
0x12f: {  	[sflag:s0] =	ssyncset.done $0x0  }
0x130: {  	s29 =	simm.s32 $0x0;
	[sflag:s0] =	ssyncadd.s32 $0xFFFFEFE0  }
0x131: {  	v0 =	vld.msk [tilespmem:s29+$0xF218], $0x1;
	_ =	sdelay $0x1  }
0x132: {  	s30 =	simm.s32 $0x1  }
0x133: {  	v1 =	vld.msk [tilespmem:s30+$0xF218], $0x1;
	_ =	sdelay $0x1  }
0x134: {  	(v2sf) =	vpush v0, $0x0;
	_ =	sdelay $0x2  }
0x135: {  	(v2sf) =	vpush v1, $0x0;
	_ =	sdelay $0x2  }
0x136: {  	s31 =	simm.s32 $0x2  }
0x137: {  	v0 =	vld.msk [tilespmem:s31+$0xF218], $0x1;
	_ =	sdelay $0x2  }
0x138: {  	s4 =	simm.s32 $0xFFFFFFFF;
	s5 =	simm.s32 $0xFFFFFFFF;
	s0 =	simm.s32 $0xC  }
.LBB2_24:
0x139: {  	s2 =	smov.u32 s5;
	s3 =	smov.u32 s4  }
0x13a: {  	s4 =	sshra.s32 s0, $0x2;
	p1 =	sne.s32 s0, $0x7C;
	s0 =	sadd.s32 $0x4, s0;
	(v2sf) =	vpush v0, $0x0  }
0x13b: {  	v0 =	vld.msk [tilespmem:s4+$0xF218], $0x1  }
.Ltmp18:
0x13c: {  	(pc) =	sbr.rel @p1 .LBB2_24-.Ltmp18, $4  }
0x13d: {  	s5 =	spop (v2sf)  }
0x13e: {  	p2 =	sne.s32 s3, $0xFFFFFFFF;
	s4 =	smov.u32 s5  }
0x13f: {  	p3 =	seq.s32 s5, $0xFFFFFFFF;
	s4 =	smov.u32 @p2 s3  }
0x140: {  	s5 =	smov.u32 @p3 s2;
	s4 =	smov.u32 @p3 s3  }
0x141: {  	(v2sf) =	vpush v0, $0x0;
	_ =	sdelay $0x8  }
0x142: {  	s0 =	spop (v2sf)  }
0x143: {  	p1 =	sne.s32 s4, $0xFFFFFFFF;
	s2 =	smov.u32 s0  }
0x144: {  	s9 =	simm.s32 $0x6;
	p2 =	seq.s32 s0, $0xFFFFFFFF;
	s2 =	smov.u32 @p1 s4  }
0x145: {  	s6 =	simm.s32 $0x0;
	s2 =	smov.u32 @p2 s4;
	s3 =	spop (v2sf)  }
0x146: {  	s0 =	smov.u32 @p2 s5;
	p1 =	sne.s32 s2, $0xFFFFFFFF;
	s4 =	smov.u32 s3  }
.Ltmp19:
0x147: {  	p2 =	seq.s32 s3, $0xFFFFFFFF;
	s4 =	smov.u32 @p1 s2;
	(pc) =	sbr.rel .LBB2_26-.Ltmp19, $4  }
0x148: {  	s10 =	simm.s32 $0xF188;
	s4 =	smov.u32 @p2 s2;
	s7 =	spop (v2sf)  }
0x149: {  	s11 =	simm.s32 $0x0;
	p1 =	sne.s32 s4, $0xFFFFFFFF;
	s8 =	smov.u32 s7  }
0x14a: {  	s3 =	smov.u32 @p2 s0;
	p2 =	seq.s32 s7, $0xFFFFFFFF;
	s8 =	smov.u32 @p1 s4  }
0x14b: {  	[sflag:s9] =	ssyncpa.u1 $0x0;
	s7 =	smov.u32 @p2 s3;
	s8 =	smov.u32 @p2 s4  }
.LBB2_32:
0x14c: {  	p1 =	sgt.u32 s12, $0x277F0  }
0x14d: {  	p2 =	seq.s32 @!p1 s12, s8  }
0x14e: {  	p1 =	por p1, p2  }
0x14f: {  	p2 =	sne.s32 @!p1 s12, s7  }
0x150: {  	p1 =	por p1, !p2  }
0x151: {  	s0 =	sshll.u32 @p1 s11, $0x9  }
0x152: {  	s0 =	sand.u32 @!p1 $0x3FFF8, s12  }
0x153: {  	s2 =	sand.u32 @!p1 $0x7, s12;
	s0 =	sadd.s32 @!p1 s1, s0  }
0x154: {  	[tilespmem:s10], [sflag:$0x6] =	stream.linear.gather @!p1 [hbm4b:s0+s2], $0x80, $0x38;
	[tilespmem:$0x1F6F8] =	vst v63  }
0x155: {  	_ =	swait.ge @!p1 [sflag:s9], $0x80  }
0x156: {  	[sflag:s9] =	ssyncset.done @!p1 $0x0  }
0x157: {  	[sflag:s9] =	ssyncadd.s32 @!p1 $0xFFFFFF80  }
0x158: {  	v1 =	vld @!p1 [tilespmem:$0xF188];
	_ =	sdelay $0x2  }
0x159: {  	s0 =	sshll.u32 @!p1 s11, $0x9  }
0x15a: {  	s2 =	sshrl.u32 @!p1 s0, $0x2  }
0x15b: {  	[tilespmem:s2+$0xF238] =	vst.add.f32.msk @!p1 $0xffff, v1  }
0x15c: {  	v1 =	vld @!p1 [tilespmem:$0xF198];
	_ =	sdelay $0x4  }
0x15d: {  	[tilespmem:s2+$0xF248] =	vst.add.f32.msk @!p1 $0xffff, v1  }
0x15e: {  	v1 =	vld @!p1 [tilespmem:$0xF1A8];
	_ =	sdelay $0x4  }
0x15f: {  	[tilespmem:s2+$0xF258] =	vst.add.f32.msk @!p1 $0xffff, v1  }
0x160: {  	v1 =	vld @!p1 [tilespmem:$0xF1B8];
	_ =	sdelay $0x4  }
0x161: {  	[tilespmem:s2+$0xF268] =	vst.add.f32.msk @!p1 $0xffff, v1  }
0x162: {  	v1 =	vld @!p1 [tilespmem:$0xF1C8];
	_ =	sdelay $0x4  }
0x163: {  	[tilespmem:s2+$0xF278] =	vst.add.f32.msk @!p1 $0xffff, v1  }
0x164: {  	v1 =	vld @!p1 [tilespmem:$0xF1D8];
	_ =	sdelay $0x4  }
0x165: {  	[tilespmem:s2+$0xF288] =	vst.add.f32.msk @!p1 $0xffff, v1  }
0x166: {  	v1 =	vld @!p1 [tilespmem:$0xF1E8];
	_ =	sdelay $0x4  }
0x167: {  	[tilespmem:s2+$0xF298] =	vst.add.f32.msk @!p1 $0xffff, v1  }
0x168: {  	v1 =	vld @!p1 [tilespmem:$0xF1F8];
	_ =	sdelay $0x4  }
0x169: {  	[tilespmem:s2+$0xF2A8] =	vst.add.f32.msk @!p1 $0xffff, v1  }
0x16a: {  	s0 =	sshrl.u32 s0, $0x2;
	[tilespmem:s6+$0xF218] =	vst.msk $0x1, v0  }
0x16b: {  	v0 =	vld [tilespmem:s0+$0xF238];
	_ =	sdelay $0x2  }
0x16c: {  	s31 =	sshll.u32 s6, $0x9  }
0x16d: {  	s2 =	sshra.s32 s31, $0x2  }
0x16e: {  	[tilespmem:s2+$0xF238] =	vst v0  }
0x16f: {  	v0 =	vld [tilespmem:s0+$0xF248];
	_ =	sdelay $0x4  }
0x170: {  	[tilespmem:s2+$0xF248] =	vst v0  }
0x171: {  	v0 =	vld [tilespmem:s0+$0xF258];
	_ =	sdelay $0x4  }
0x172: {  	[tilespmem:s2+$0xF258] =	vst v0  }
0x173: {  	v0 =	vld [tilespmem:s0+$0xF268];
	_ =	sdelay $0x4  }
0x174: {  	[tilespmem:s2+$0xF268] =	vst v0  }
0x175: {  	v0 =	vld [tilespmem:s0+$0xF278];
	_ =	sdelay $0x4  }
0x176: {  	[tilespmem:s2+$0xF278] =	vst v0  }
0x177: {  	v0 =	vld [tilespmem:s0+$0xF288];
	_ =	sdelay $0x4  }
0x178: {  	[tilespmem:s2+$0xF288] =	vst v0  }
0x179: {  	v0 =	vld [tilespmem:s0+$0xF298];
	_ =	sdelay $0x4  }
0x17a: {  	[tilespmem:s2+$0xF298] =	vst v0  }
0x17b: {  	v0 =	vld [tilespmem:s0+$0xF2A8];
	_ =	sdelay $0x4  }
0x17c: {  	s6 =	sadd.s32 $0x1, s6;
	[tilespmem:s2+$0xF2A8] =	vst v0  }
.LBB2_33:
0x17d: {  	s11 =	sadd.s32 $0x1, s11  }
0x17e: {  	p1 =	sne.s32 s11, $0x20  }
.Ltmp20:
0x17f: {  	_ = 	snop;
	(pc) =	sbr.rel @!p1 .LBB2_34-.Ltmp20, $1  }
0x180: {  	_ =	sdelay $0x3  }
.LBB2_26:
0x181: {  	v0 =	vld.msk [tilespmem:s11+$0xF218], $0x1;
	_ =	sdelay $0x4  }
0x182: {  	(v2sf) =	vpush v0, $0x0;
	_ =	sdelay $0xe  }
0x183: {  	s12 =	spop (v2sf)  }
0x184: {  	p1 =	seq.s32 s12, $0xFFFFFFFF  }
.Ltmp21:
0x185: {  	_ = 	snop;
	(pc) =	sbr.rel @p1 .LBB2_33-.Ltmp21, $1  }
0x186: {  	_ =	sdelay $0x3  }
0x187: {  	p1 =	slt.s32 s6, $0x1  }
.Ltmp22:
0x188: {  	_ = 	snop;
	(pc) =	sbr.rel @p1 .LBB2_32-.Ltmp22, $1  }
0x189: {  	_ =	sdelay $0x3  }
0x18a: {  	s13 =	simm.s32 $0xF218;
	p1 =	por $0x0, $0x0  }
0x18b: {  	v1 =	vld.msk @!p1 [tilespmem:s13+$0x0], $0x1;
	_ =	sdelay $0x4  }
0x18c: {  	(v2sf) =	vpush @!p1 v1, $0x0;
	_ =	sdelay $0xd  }
0x18d: {  	p3 =	sne.s32 s6, $0x1  }
.Ltmp23:
0x18e: {  	s0 =	spop @!p1 (v2sf);
	(pc) =	sbr.rel @!p3 .LBB2_30-.Ltmp23, $4  }
0x18f: {  	p2 =	seq.s32 @!p1 s12, s0  }
0x190: {  	s14 =	simm.s32 $0x0;
	p2 =	por !p2, p1  }
0x191: {  	s2 =	simm.s32 $0xFFFFFFFF;
	s14 =	simm.s32 @p2 $0xFFFFFFFF  }
0x192: {  	s0 =	simm.s32 $0x1;
	s14 =	smov.u32 @p1 s2  }
.LBB2_29:
0x193: {  	s2 =	smov.u32 s14;
	p1 =	sne.s32 s14, $0xFFFFFFFF  }
0x194: {  	s13 =	sadd.s32 $0x1, s13;
	s14 =	smov.u32 s0;
	s0 =	sadd.s32 $0x1, s0  }
0x195: {  	p2 =	sne.s32 s6, s0;
	v1 =	vld.msk @!p1 [tilespmem:s13+$0x0], $0x1;
	_ =	sdelay $0x4  }
0x196: {  	(v2sf) =	vpush @!p1 v1, $0x0;
	_ =	sdelay $0xe  }
.Ltmp24:
0x197: {  	s3 =	spop @!p1 (v2sf);
	(pc) =	sbr.rel @p2 .LBB2_29-.Ltmp24, $4  }
0x198: {  	p3 =	seq.s32 @!p1 s12, s3  }
0x199: {  	p3 =	por !p3, p1  }
0x19a: {  	s14 =	simm.s32 @p3 $0xFFFFFFFF  }
0x19b: {  	s14 =	smov.u32 @p1 s2  }
.LBB2_30:
0x19c: {  	p1 =	seq.s32 s14, $0xFFFFFFFF  }
.Ltmp25:
0x19d: {  	_ = 	snop;
	(pc) =	sbr.rel @p1 .LBB2_32-.Ltmp25, $1  }
0x19e: {  	_ =	sdelay $0x3  }
0x19f: {  	s0 =	sshll.u32 s11, $0x7  }
0x1a0: {  	s0 =	sand.u32 $0x3FFFFF80, s0  }
0x1a1: {  	v0 =	vld [tilespmem:s0+$0xF238];
	_ =	sdelay $0x2  }
0x1a2: {  	s2 =	sshll.u32 s14, $0x9  }
0x1a3: {  	s2 =	sshra.s32 s2, $0x2  }
0x1a4: {  	[tilespmem:s2+$0xF238] =	vst.add.f32.msk $0xffff, v0  }
0x1a5: {  	v0 =	vld [tilespmem:s0+$0xF248];
	_ =	sdelay $0x4  }
0x1a6: {  	[tilespmem:s2+$0xF248] =	vst.add.f32.msk $0xffff, v0  }
0x1a7: {  	v0 =	vld [tilespmem:s0+$0xF258];
	_ =	sdelay $0x4  }
0x1a8: {  	[tilespmem:s2+$0xF258] =	vst.add.f32.msk $0xffff, v0  }
0x1a9: {  	v0 =	vld [tilespmem:s0+$0xF268];
	_ =	sdelay $0x4  }
0x1aa: {  	[tilespmem:s2+$0xF268] =	vst.add.f32.msk $0xffff, v0  }
0x1ab: {  	v0 =	vld [tilespmem:s0+$0xF278];
	_ =	sdelay $0x4  }
0x1ac: {  	[tilespmem:s2+$0xF278] =	vst.add.f32.msk $0xffff, v0  }
0x1ad: {  	v0 =	vld [tilespmem:s0+$0xF288];
	_ =	sdelay $0x4  }
0x1ae: {  	[tilespmem:s2+$0xF288] =	vst.add.f32.msk $0xffff, v0  }
0x1af: {  	v0 =	vld [tilespmem:s0+$0xF298];
	_ =	sdelay $0x4  }
0x1b0: {  	[tilespmem:s2+$0xF298] =	vst.add.f32.msk $0xffff, v0  }
0x1b1: {  	v0 =	vld [tilespmem:s0+$0xF2A8]  }
.Ltmp26:
0x1b2: {  	_ = 	snop;
	(pc) =	sbr.rel .LBB2_33-.Ltmp26, $2  }
0x1b3: {  	_ =	sdelay $0x2  }
0x1b4: {  	[tilespmem:s2+$0xF2A8] =	vst.add.f32.msk $0xffff, v0  }
.LBB2_34:
0x1b5: {  	s0 =	simm.s32 $0x6;
	p1 =	seq.s32 s6, $0x0  }
0x1b6: {  	[sflag:s0] =	ssyncpa.u1 $0x1;
	v0 =	vimm.s32 @p1 $0xFFFFFFFF  }
0x1b7: {  	s9 =	sadd.s32 $0xFFFFFFFF, s6;
	[tilespmem:$0x10238] =	vst @p1 v0  }
0x1b8: {  	v0 =	vld.msk @!p1 [tilespmem:s9+$0xF218], $0x1;
	_ =	sdelay $0x1  }
0x1b9: {  	v1 =	vld.msk @!p1 [tilespmem:$0xF218], $0x1;
	_ =	sdelay $0x2  }
0x1ba: {  	p2 =	seq.s32 @!p1 s9, $0x0;
	v0 =	vbroadcast @!p1 v0, $0x0  }
0x1bb: {  	vm0 =	vmmov @!p1 $0x1;
	p2 =	por !p2, p1  }
0x1bc: {  	v1 =	vnsel @!p1 vm0, $0xFFFFFFFF, v1;
	vm0 =	vcmask @!p1 $0x308;
	v0 =	vpsel !p2, $0xFFFFFFFF, v0  }
0x1bd: {  	p2 =	sne.s32 @!p1 s8, s7;
	v0 =	vsel @!p1 vm0, v1, v0  }
0x1be: {  	s0 =	simm.s32 @!p1 $0xF238;
	s2 =	simm.s32 @!p1 $0x0;
	p3 =	por !p2, p1;
	[tilespmem:$0x10238] =	vst @!p1 v0  }
0x1bf: {  	[spmem:s2] =	stream.linear.scatter @!p1 [tilespmem:s0], [sflag:$0x1], $0x80, $0x38;
	[tilespmem:$0x1F6F8] =	vst v63  }
0x1c0: {  	s0 =	sshll.u32 @!p3 s9, $0x9  }
0x1c1: {  	s0 =	sshra.s32 @!p3 s0, $0x2  }
0x1c2: {  	s2 =	simm.s32 @!p3 $0x80;
	s0 =	sadd.s32 @!p3 $0xF238, s0  }
0x1c3: {  	[spmem:s2] =	stream.linear.scatter @!p3 [tilespmem:s0], [sflag:$0x1], $0x80, $0x38;
	[tilespmem:$0x1F6F8] =	vst v63  }
0x1c4: {  	s0 =	simm.s32 @!p3 $0x1  }
0x1c5: {  	_ =	swait.ge @!p3 [sflag:s0], $0x100  }
0x1c6: {  	p1 =	por p2, p1;
	[sflag:s0] =	ssyncset.done @!p3 $0x0  }
0x1c7: {  	[sflag:s0] =	ssyncadd.s32 @!p3 $0xFFFFFF00;
	s0 =	simm.s32 @!p1 $0x1  }
0x1c8: {  	_ =	swait.ge @!p1 [sflag:s0], $0x80  }
0x1c9: {  	s29 =	simm.s32 $0x10238;
	[sflag:s0] =	ssyncset.done @!p1 $0x0  }
0x1ca: {  	s30 =	simm.s32 $0x1000;
	s31 =	simm.s32 $0x1;
	[sflag:s0] =	ssyncadd.s32 @!p1 $0xFFFFFF80  }
0x1cb: {  	[spmem:s30] =	stream.linear.scatter [tilespmem:s29], [sflag:$0x1], $0x10, $0x38;
	[tilespmem:$0x1F6F8] =	vst v63  }
0x1cc: {  	_ =	swait.ge [sflag:s31], $0x10  }
0x1cd: {  	[sflag:s31] =	ssyncset.done $0x0  }
0x1ce: {  	p1 =	seq.s32 s15, $0x0;
	s8 =	rddreg [dreg:$0x1];
	[sflag:s31] =	ssyncadd.s32 $0xFFFFFFF0  }
0x1cf: {  	s2 =	sshll.u32 @p1 s8, $0xE;
	s7 =	rddreg [dreg:$0x2]  }
0x1d0: {  	s0 =	sadd.s32 @p1 $0x15C3C, s2;
	s2 =	sshll.u32 @p1 s7, $0x11  }
0x1d1: {  	_ =	sfence.stream.spmem;
	s0 =	sor.u32 @p1 s2, s0  }
0x1d2: {  	[sflag:s0] =	ssyncadd.remote.s32 @p1 $0x1;
	s0 =	simm.s32 @p1 $0x4  }
0x1d3: {  	s3 =	simm.s32 @!p1 $0x3C;
	s2 =	sand.u32 $0xFFFFFFFE, s8;
	_ =	swait.ge @p1 [sflag:s0], $0x22  }
0x1d4: {  	s4 =	simm.s32 @!p1 $0x0;
	s2 =	sadd.s32 @!p1 $0x4, s2;
	[sflag:s0] =	ssyncset.done @p1 $0x0  }
0x1d5: {  	s5 =	simm.s32 @!p1 $0x100;
	[sflag:s0] =	ssyncadd.s32 @p1 $0xFFFFFFDE;
	s0 =	sshll.u32 @!p1 s2, $0x1A  }
0x1d6: {  	s2 =	sshll.u32 @!p1 s2, $0xD;
	s0 =	sor.u32 @!p1 s0, s7;
	_ =	swait.eq @!p1 [sflag:s3], $0x1  }
0x1d7: {  	s2 =	sor.u32 @!p1 $0x1C04, s2;
	s3 =	simm.s32 @!p1 $0x1C03;
	s0 =	sor.u32 @!p1 $0x80004000, s0  }
0x1d8: {  	[spmem:s5], [sflag:s2] =	dma.general @!p1 [spmem:s4], [sflag:s3], length:$0x20, [dreg:$0x0], stride_count:$0x0, ici_dest:s0, dma_misc:DstOpCode:WRITE  }
0x1d9: {  	p2 =	slt.s32 s9, $0x2;
	s4 =	simm.s32 @!p1 $0x200;
	s5 =	simm.s32 @!p1 $0x202  }
0x1da: {  	[spmem:s5], [sflag:s2] =	dma.general @!p1 [spmem:s4], [sflag:s3], length:$0x2, [dreg:$0x0], stride_count:$0x0, ici_dest:s0, dma_misc:DstOpCode:WRITE  }
.Ltmp27:
0x1db: {  	s0 =	simm.s32 @!p1 $0x3;
	(pc) =	sbr.rel @p2 .LBB2_38-.Ltmp27, $4  }
0x1dc: {  	s2 =	sshll.u32 @!p1 s8, $0xE;
	_ =	swait.ge @!p1 [sflag:s0], $0x22  }
0x1dd: {  	s3 =	sshll.u32 @!p1 s7, $0x11;
	s2 =	sadd.s32 @!p1 $0x11C3C, s2;
	[sflag:s0] =	ssyncset.done @!p1 $0x0  }
0x1de: {  	[sflag:s0] =	ssyncadd.s32 @!p1 $0xFFFFFFDE;
	s0 =	sor.u32 @!p1 s3, s2  }
0x1df: {  	[sflag:s0] =	ssyncadd.remote.s32 @!p1 $0xFFFFFFFF;
	s0 =	simm.s32 $0x0  }
0x1e0: {  	s0 =	simm.s32 $0xF219  }
0x1e1: {  	v0 =	vld.msk [tilespmem:s0+$0x0], $0x1;
	_ =	sdelay $0x4  }
0x1e2: {  	(v2sf) =	vpush v0, $0x0;
	_ =	sdelay $0xb  }
0x1e3: {  	s31 =	sadd.s32 $0xFFFFFFFE, s6  }
0x1e4: {  	s0 =	sadd.s32 $0xFFFFFFFF, s31  }
0x1e5: {  	p2 =	sne.s32 s0, $0x0  }
.Ltmp28:
0x1e6: {  	s2 =	spop (v2sf);
	(pc) =	sbr.rel @!p2 .LBB2_37-.Ltmp28, $4  }
0x1e7: {  	s4 =	simm.s32 $0xF2B8;
	s7 =	simm.s32 $0x0;
	p1 =	sgt.u32 s2, $0x277F0  }
0x1e8: {  	s5 =	simm.s32 $0x0;
	s6 =	simm.s32 $0xF21A;
	s3 =	sand.u32 @!p1 $0x3FFF8, s2  }
0x1e9: {  	s2 =	sand.u32 @!p1 $0x7, s2;
	s7 =	simm.s32 @!p1 $0x200;
	s3 =	sadd.s32 @!p1 s1, s3  }
0x1ea: {  	[hbm4b:s3+s2] =	stream.linear.scatter @!p1 [tilespmem:s4], [sflag:$0x5], $0x80, $0x38;
	[tilespmem:$0x1F6F8] =	vst v63  }
.LBB2_36:
0x1eb: {  	v0 =	vld.msk [tilespmem:s6+$0x0], $0x1;
	s0 =	sadd.s32 $0xFFFFFFFF, s0;
	s5 =	sadd.s32 s5, s7  }
0x1ec: {  	p1 =	sne.s32 s0, $0x0;
	_ =	sdelay $0x3  }
0x1ed: {  	(v2sf) =	vpush v0, $0x0;
	_ =	sdelay $0xe  }
.Ltmp29:
0x1ee: {  	s2 =	spop (v2sf);
	(pc) =	sbr.rel @p1 .LBB2_36-.Ltmp29, $4  }
0x1ef: {  	s7 =	simm.s32 $0x0;
	p2 =	sgt.u32 s2, $0x277F0  }
0x1f0: {  	s4 =	sadd.s32 $0x80, s4;
	s7 =	simm.s32 @!p2 $0x200;
	s3 =	sand.u32 @!p2 $0x3FFF8, s2  }
0x1f1: {  	s6 =	sadd.s32 $0x1, s6;
	s2 =	sand.u32 @!p2 $0x7, s2;
	s3 =	sadd.s32 @!p2 s1, s3  }
0x1f2: {  	[hbm4b:s3+s2] =	stream.linear.scatter @!p2 [tilespmem:s4], [sflag:$0x5], $0x80, $0x38;
	[tilespmem:$0x1F6F8] =	vst v63  }
.LBB2_37:
0x1f3: {  	s0 =	sadd.s32 s5, s7  }
0x1f4: {  	s0 =	sshrl.u32 s0, $0x2  }
.LBB2_38:
0x1f5: {  	s2 =	simm.s32 $0x5  }
0x1f6: {  	_ =	swait.ge [sflag:s2], s0  }
0x1f7: {  	s31 =	ssub.s32 $0x0, s0;
	[sflag:s2] =	ssyncset.done $0x0  }
0x1f8: {  	[sflag:s2] =	ssyncadd.s32 s31  }
0x1f9: {  	[sflag:s2] =	ssyncpa.u1 $0x1  }
.LBB2_39:
0x1fa: {  	s0 =	sor.u32 s15, s16  }
0x1fb: {  	p1 =	sne.s32 s0, $0x0  }
.Ltmp30:
0x1fc: {  	_ = 	snop;
	(pc) =	sbr.rel @p1 .LBB2_54-.Ltmp30, $3  }
0x1fd: {  	_ =	sdelay $0x1  }
0x1fe: {  	[bflag:$0x0] =	sbarrier.arrive $0xFFFF  }
0x1ff: {  	_ =	sfence  }
0x200: {  	s0 =	simm.s32 $0x7  }
0x201: {  	s2 =	simm.s32 $0x1000;
	s3 =	simm.s32 $0xF218;
	[sflag:s0] =	ssyncpa.u1 $0x0  }
0x202: {  	[tilespmem:s3], [sflag:$0x7] =	stream.linear.gather [spmem:s2], $0x20, $0x38;
	[tilespmem:$0x1F6F8] =	vst v63  }
0x203: {  	s30 =	simm.s32 $0xF238;
	s2 =	simm.s32 $0x0  }
0x204: {  	[tilespmem:s30], [sflag:$0x7] =	stream.linear.gather [spmem:s2], $0x1000, $0x38;
	[tilespmem:$0x1F6F8] =	vst v63  }
.Ltmp31:
0x205: {  	_ = 	snop;
	(pc) =	sbr.rel .LBB2_41-.Ltmp31, $4  }
0x206: {  	_ =	swait.ge [sflag:s0], $0x1020  }
0x207: {  	[sflag:s0] =	ssyncset.done $0x0  }
0x208: {  	s31 =	simm.s32 $0x8;
	[sflag:s0] =	ssyncadd.s32 $0xFFFFEFE0  }
0x209: {  	s3 =	simm.s32 $0x0;
	[sflag:s31] =	ssyncpa.u1 $0x0  }
.LBB2_47:
0x20a: {  	p1 =	slt.u32 s4, $0x277F1  }
0x20b: {  	s0 =	sand.u32 @p1 $0x3FFF8, s4  }
0x20c: {  	s4 =	sand.u32 @p1 $0x7, s4;
	s5 =	simm.s32 @p1 $0xF188;
	s0 =	sadd.s32 @p1 s1, s0  }
0x20d: {  	[tilespmem:s5], [sflag:$0x8] =	stream.linear.gather @p1 [hbm4b:s0+s4], $0x80, $0x38;
	[tilespmem:$0x1F6F8] =	vst v63  }
0x20e: {  	s0 =	simm.s32 @p1 $0x8  }
0x20f: {  	_ =	swait.ge @p1 [sflag:s0], $0x80  }
0x210: {  	[sflag:s0] =	ssyncset.done @p1 $0x0  }
0x211: {  	[sflag:s0] =	ssyncadd.s32 @p1 $0xFFFFFF80  }
0x212: {  	v1 =	vld @p1 [tilespmem:$0xF188];
	_ =	sdelay $0x2  }
0x213: {  	s0 =	sshll.u32 @p1 s3, $0x9  }
0x214: {  	s4 =	sshrl.u32 @p1 s0, $0x2  }
0x215: {  	[tilespmem:s4+$0xF238] =	vst.add.f32.msk @p1 $0xffff, v1  }
0x216: {  	v1 =	vld @p1 [tilespmem:$0xF198];
	_ =	sdelay $0x4  }
0x217: {  	[tilespmem:s4+$0xF248] =	vst.add.f32.msk @p1 $0xffff, v1  }
0x218: {  	v1 =	vld @p1 [tilespmem:$0xF1A8];
	_ =	sdelay $0x4  }
0x219: {  	[tilespmem:s4+$0xF258] =	vst.add.f32.msk @p1 $0xffff, v1  }
0x21a: {  	v1 =	vld @p1 [tilespmem:$0xF1B8];
	_ =	sdelay $0x4  }
0x21b: {  	[tilespmem:s4+$0xF268] =	vst.add.f32.msk @p1 $0xffff, v1  }
0x21c: {  	v1 =	vld @p1 [tilespmem:$0xF1C8];
	_ =	sdelay $0x4  }
0x21d: {  	[tilespmem:s4+$0xF278] =	vst.add.f32.msk @p1 $0xffff, v1  }
0x21e: {  	v1 =	vld @p1 [tilespmem:$0xF1D8];
	_ =	sdelay $0x4  }
0x21f: {  	[tilespmem:s4+$0xF288] =	vst.add.f32.msk @p1 $0xffff, v1  }
0x220: {  	v1 =	vld @p1 [tilespmem:$0xF1E8];
	_ =	sdelay $0x4  }
0x221: {  	[tilespmem:s4+$0xF298] =	vst.add.f32.msk @p1 $0xffff, v1  }
0x222: {  	v1 =	vld @p1 [tilespmem:$0xF1F8];
	_ =	sdelay $0x3  }
0x223: {  	s5 =	sshll.u32 @!p1 s3, $0x9  }
0x224: {  	s5 =	smov.u32 @p1 s0;
	[tilespmem:s4+$0xF2A8] =	vst.add.f32.msk @p1 $0xffff, v1  }
0x225: {  	s0 =	sshrl.u32 s5, $0x2;
	[tilespmem:s2+$0xF218] =	vst.msk $0x1, v0  }
0x226: {  	v0 =	vld [tilespmem:s0+$0xF238];
	_ =	sdelay $0x2  }
0x227: {  	s31 =	sshll.u32 s2, $0x9  }
0x228: {  	s4 =	sshra.s32 s31, $0x2  }
0x229: {  	[tilespmem:s4+$0xF238] =	vst v0  }
0x22a: {  	v0 =	vld [tilespmem:s0+$0xF248];
	_ =	sdelay $0x4  }
0x22b: {  	[tilespmem:s4+$0xF248] =	vst v0  }
0x22c: {  	v0 =	vld [tilespmem:s0+$0xF258];
	_ =	sdelay $0x4  }
0x22d: {  	[tilespmem:s4+$0xF258] =	vst v0  }
0x22e: {  	v0 =	vld [tilespmem:s0+$0xF268];
	_ =	sdelay $0x4  }
0x22f: {  	[tilespmem:s4+$0xF268] =	vst v0  }
0x230: {  	v0 =	vld [tilespmem:s0+$0xF278];
	_ =	sdelay $0x4  }
0x231: {  	[tilespmem:s4+$0xF278] =	vst v0  }
0x232: {  	v0 =	vld [tilespmem:s0+$0xF288];
	_ =	sdelay $0x4  }
0x233: {  	[tilespmem:s4+$0xF288] =	vst v0  }
0x234: {  	v0 =	vld [tilespmem:s0+$0xF298];
	_ =	sdelay $0x4  }
0x235: {  	[tilespmem:s4+$0xF298] =	vst v0  }
0x236: {  	v0 =	vld [tilespmem:s0+$0xF2A8];
	_ =	sdelay $0x4  }
0x237: {  	s2 =	sadd.s32 $0x1, s2;
	[tilespmem:s4+$0xF2A8] =	vst v0  }
.LBB2_48:
0x238: {  	s3 =	sadd.s32 $0x1, s3  }
0x239: {  	p1 =	sne.s32 s3, $0x20  }
.Ltmp32:
0x23a: {  	_ = 	snop;
	(pc) =	sbr.rel @!p1 .LBB2_49-.Ltmp32, $1  }
0x23b: {  	_ =	sdelay $0x3  }
.LBB2_41:
0x23c: {  	v0 =	vld.msk [tilespmem:s3+$0xF218], $0x1;
	_ =	sdelay $0x4  }
0x23d: {  	(v2sf) =	vpush v0, $0x0;
	_ =	sdelay $0xe  }
0x23e: {  	s4 =	spop (v2sf)  }
0x23f: {  	p1 =	seq.s32 s4, $0xFFFFFFFF  }
.Ltmp33:
0x240: {  	_ = 	snop;
	(pc) =	sbr.rel @p1 .LBB2_48-.Ltmp33, $1  }
0x241: {  	_ =	sdelay $0x3  }
0x242: {  	p1 =	slt.s32 s2, $0x1  }
.Ltmp34:
0x243: {  	_ = 	snop;
	(pc) =	sbr.rel @p1 .LBB2_47-.Ltmp34, $1  }
0x244: {  	_ =	sdelay $0x3  }
0x245: {  	s5 =	simm.s32 $0xF218;
	p1 =	por $0x0, $0x0  }
0x246: {  	v1 =	vld.msk @!p1 [tilespmem:s5+$0x0], $0x1;
	_ =	sdelay $0x4  }
0x247: {  	(v2sf) =	vpush @!p1 v1, $0x0;
	_ =	sdelay $0xd  }
0x248: {  	p3 =	sne.s32 s2, $0x1  }
.Ltmp35:
0x249: {  	s0 =	spop @!p1 (v2sf);
	(pc) =	sbr.rel @!p3 .LBB2_45-.Ltmp35, $4  }
0x24a: {  	p2 =	seq.s32 @!p1 s4, s0  }
0x24b: {  	s6 =	simm.s32 $0x0;
	p2 =	por !p2, p1  }
0x24c: {  	s7 =	simm.s32 $0xFFFFFFFF;
	s6 =	simm.s32 @p2 $0xFFFFFFFF  }
0x24d: {  	s0 =	simm.s32 $0x1;
	s6 =	smov.u32 @p1 s7  }
.LBB2_44:
0x24e: {  	s7 =	smov.u32 s6;
	p1 =	sne.s32 s6, $0xFFFFFFFF  }
0x24f: {  	s5 =	sadd.s32 $0x1, s5;
	s6 =	smov.u32 s0;
	s0 =	sadd.s32 $0x1, s0  }
0x250: {  	p2 =	sne.s32 s2, s0;
	v1 =	vld.msk @!p1 [tilespmem:s5+$0x0], $0x1;
	_ =	sdelay $0x4  }
0x251: {  	(v2sf) =	vpush @!p1 v1, $0x0;
	_ =	sdelay $0xe  }
.Ltmp36:
0x252: {  	s8 =	spop @!p1 (v2sf);
	(pc) =	sbr.rel @p2 .LBB2_44-.Ltmp36, $4  }
0x253: {  	p3 =	seq.s32 @!p1 s4, s8  }
0x254: {  	p3 =	por !p3, p1  }
0x255: {  	s6 =	simm.s32 @p3 $0xFFFFFFFF  }
0x256: {  	s6 =	smov.u32 @p1 s7  }
.LBB2_45:
0x257: {  	p1 =	seq.s32 s6, $0xFFFFFFFF  }
.Ltmp37:
0x258: {  	_ = 	snop;
	(pc) =	sbr.rel @p1 .LBB2_47-.Ltmp37, $1  }
0x259: {  	_ =	sdelay $0x3  }
0x25a: {  	s0 =	sshll.u32 s3, $0x7  }
0x25b: {  	s0 =	sand.u32 $0x3FFFFF80, s0  }
0x25c: {  	v0 =	vld [tilespmem:s0+$0xF238];
	_ =	sdelay $0x2  }
0x25d: {  	s4 =	sshll.u32 s6, $0x9  }
0x25e: {  	s4 =	sshra.s32 s4, $0x2  }
0x25f: {  	[tilespmem:s4+$0xF238] =	vst.add.f32.msk $0xffff, v0  }
0x260: {  	v0 =	vld [tilespmem:s0+$0xF248];
	_ =	sdelay $0x4  }
0x261: {  	[tilespmem:s4+$0xF248] =	vst.add.f32.msk $0xffff, v0  }
0x262: {  	v0 =	vld [tilespmem:s0+$0xF258];
	_ =	sdelay $0x4  }
0x263: {  	[tilespmem:s4+$0xF258] =	vst.add.f32.msk $0xffff, v0  }
0x264: {  	v0 =	vld [tilespmem:s0+$0xF268];
	_ =	sdelay $0x4  }
0x265: {  	[tilespmem:s4+$0xF268] =	vst.add.f32.msk $0xffff, v0  }
0x266: {  	v0 =	vld [tilespmem:s0+$0xF278];
	_ =	sdelay $0x4  }
0x267: {  	[tilespmem:s4+$0xF278] =	vst.add.f32.msk $0xffff, v0  }
0x268: {  	v0 =	vld [tilespmem:s0+$0xF288];
	_ =	sdelay $0x4  }
0x269: {  	[tilespmem:s4+$0xF288] =	vst.add.f32.msk $0xffff, v0  }
0x26a: {  	v0 =	vld [tilespmem:s0+$0xF298];
	_ =	sdelay $0x4  }
0x26b: {  	[tilespmem:s4+$0xF298] =	vst.add.f32.msk $0xffff, v0  }
0x26c: {  	v0 =	vld [tilespmem:s0+$0xF2A8]  }
.Ltmp38:
0x26d: {  	_ = 	snop;
	(pc) =	sbr.rel .LBB2_48-.Ltmp38, $2  }
0x26e: {  	_ =	sdelay $0x2  }
0x26f: {  	[tilespmem:s4+$0xF2A8] =	vst.add.f32.msk $0xffff, v0  }
.LBB2_49:
0x270: {  	p1 =	slt.s32 s2, $0x1  }
.Ltmp39:
0x271: {  	_ = 	snop;
	(pc) =	sbr.rel @p1 .LBB2_53-.Ltmp39, $3  }
0x272: {  	_ =	sdelay $0x1  }
0x273: {  	s0 =	simm.s32 $0x8  }
0x274: {  	s3 =	simm.s32 $0x0;
	[sflag:s0] =	ssyncpa.u1 $0x1  }
0x275: {  	s0 =	simm.s32 $0xF218  }
0x276: {  	v0 =	vld.msk [tilespmem:s0+$0x0], $0x1;
	_ =	sdelay $0x4  }
0x277: {  	(v2sf) =	vpush v0, $0x0;
	_ =	sdelay $0xe  }
0x278: {  	s0 =	sadd.s32 $0xFFFFFFFF, s2;
	s5 =	spop (v2sf)  }
0x279: {  	p2 =	sne.s32 s0, $0x0;
	p1 =	sgt.u32 s5, $0x277F0  }
.Ltmp40:
0x27a: {  	s6 =	sand.u32 @!p1 $0x3FFF8, s5;
	(pc) =	sbr.rel @!p2 .LBB2_52-.Ltmp40, $4  }
0x27b: {  	s4 =	simm.s32 $0xF238;
	s5 =	sand.u32 @!p1 $0x7, s5;
	s2 =	sadd.s32 @!p1 s1, s6  }
0x27c: {  	[hbm4b:s2+s5] =	stream.linear.scatter @!p1 [tilespmem:s4], [sflag:$0x7], $0x80, $0x38;
	[tilespmem:$0x1F6F8] =	vst v63  }
0x27d: {  	s5 =	simm.s32 $0x0  }
0x27e: {  	s2 =	simm.s32 $0xF219;
	s5 =	simm.s32 @!p1 $0x200  }
.LBB2_51:
0x27f: {  	v0 =	vld.msk [tilespmem:s2+$0x0], $0x1;
	s0 =	sadd.s32 $0xFFFFFFFF, s0;
	s3 =	sadd.s32 s3, s5  }
0x280: {  	p1 =	sne.s32 s0, $0x0;
	_ =	sdelay $0x3  }
0x281: {  	(v2sf) =	vpush v0, $0x0;
	_ =	sdelay $0xe  }
.Ltmp41:
0x282: {  	s6 =	spop (v2sf);
	(pc) =	sbr.rel @p1 .LBB2_51-.Ltmp41, $4  }
0x283: {  	s5 =	simm.s32 $0x0;
	p2 =	sgt.u32 s6, $0x277F0  }
0x284: {  	s4 =	sadd.s32 $0x80, s4;
	s5 =	simm.s32 @!p2 $0x200;
	s7 =	sand.u32 @!p2 $0x3FFF8, s6  }
0x285: {  	s2 =	sadd.s32 $0x1, s2;
	s6 =	sand.u32 @!p2 $0x7, s6;
	s7 =	sadd.s32 @!p2 s1, s7  }
0x286: {  	[hbm4b:s7+s6] =	stream.linear.scatter @!p2 [tilespmem:s4], [sflag:$0x7], $0x80, $0x38;
	[tilespmem:$0x1F6F8] =	vst v63  }
.LBB2_52:
0x287: {  	s0 =	sadd.s32 s3, s5  }
0x288: {  	s3 =	sshrl.u32 s0, $0x2  }
.LBB2_53:
0x289: {  	s0 =	simm.s32 $0x7  }
0x28a: {  	_ =	swait.ge [sflag:s0], s3  }
0x28b: {  	s1 =	ssub.s32 $0x0, s3;
	[sflag:s0] =	ssyncset.done $0x0  }
0x28c: {  	[sflag:s0] =	ssyncadd.s32 s1  }
0x28d: {  	[sflag:s0] =	ssyncpa.u1 $0x1  }
.LBB2_54:
0x28e: {  	_ =	sfence;
	s0 =	simm.s32 $0x1  }
0x28f: {  	[sflag:s0] =	ssyncpa.u1 $0x1  }
0x290: {  	_ =	strace $0x90000050  }
0x291: {  	[bflag:$0x2] =	sbarrier.arrive $0xFFFF  }
0x292: {  	s0 =	rddreg [dreg:$0x3]  }
0x293: {  	s0 =	sadd.s32 @!p0 $0x100000, s0  }
0x294: {  	[sflag:s0] =	ssyncadd.tile.s32 @!p0 $0x1;
	_ =	shalt  }
.Lfunc_end2:
_tile_overlayer_lowered:
.L_overlay_start_2:
0x295: {  	(tag) =	ssettag $0x2  }
0x296: {  	s0 =	rddreg [dreg:$0x0];
	s2 =	stileid.u32  }
0x297: {  	s1 =	rddreg [dreg:$0x1];
	p0 =	sne.s32 s2, $0x0  }
0x298: {  	s3 =	rddreg [dreg:$0x2];
	[bflag:$0x3] =	sbarrier.arrive $0xFFFF;
	s2 =	simm.s32 @!p0 $0x1C01  }
0x299: {  	[timem:s3], [sflag:s2] =	dma.local @!p0 [hbm:s0], s1  }
0x29a: {  	s0 =	simm.s32 @!p0 $0x1  }
0x29b: {  	_ =	swait.ge @!p0 [sflag:s0], s1  }
0x29c: {  	s1 =	ssub.s32 @!p0 $0x0, s1;
	[sflag:s0] =	ssyncset.done @!p0 $0x0  }
0x29d: {  	[sflag:s0] =	ssyncadd.s32 @!p0 s1  }
0x29e: {  	[bflag:$0x3] =	sbarrier.arrive $0xFFFF  }
0x29f: {  	_ =	shalt  }

// kernel: scatter_offload_async_start
scs
__scs_entry_jumppad:
0x0: {  	(pc) =	sbr.rel $0x88, $3  }
0x1: {  	(tag) =	ssettag $0x0;
	lr =	simm.s32 $0x1  }
0x2: {  	[smem:$0x3F99] =	sst lr;
	_ =	strace $0xD0000000  }
0x3: {  	_ = 	snop  }
0x4: {  	_ = 	snop  }
0x5: {  	_ = 	snop  }
0x6: {  	_ = 	snop  }
0x7: {  	_ = 	snop  }
__scs_overlays_trampoline_lowered:
0x8: {  	[smem:$0x3FA8] =	sst s0  }
0x9: {  	[smem:$0x3FA9] =	sst s1  }
0xa: {  	[smem:$0x3FAA] =	sst s2  }
0xb: {  	[smem:$0x3FAB] =	sst s3  }
0xc: {  	[smem:$0x3FAC] =	sst s4  }
0xd: {  	[smem:$0x3FAD] =	sst s5  }
0xe: {  	[smem:$0x3FAE] =	sst s6  }
0xf: {  	[smem:$0x3FAF] =	sst s7  }
0x10: {  	[smem:$0x3FB0] =	sst s8  }
0x11: {  	[smem:$0x3FB1] =	sst s9;
	s0 =	simm.s32 @!p0 $0x0  }
0x12: {  	s1 =	sld [smem:$0x3F97];
	s0 =	simm.s32 @p0 $0x1  }
0x13: {  	[smem:$0x3FB2] =	sst s0;
	s0 =	simm.s32 @!p1 $0x0  }
0x14: {  	s2 =	sld [smem:$0x3F96];
	s0 =	simm.s32 @p1 $0x1  }
0x15: {  	[smem:$0x3FB3] =	sst s0;
	s0 =	simm.s32 @!p2 $0x0  }
0x16: {  	s3 =	sld [smem:$0x3FDB];
	s0 =	simm.s32 @p2 $0x1  }
0x17: {  	s4 =	simm.s32 $0x1BF5;
	[smem:$0x3FB5] =	sst s0  }
0x18: {  	s0 =	sld [smem:$0x3F98];
	_ =	swait.ge [sflag:s4], $0x0  }
0x19: {  	s7 =	sld [smem:$0x3F99]  }
0x1a: {  	s8 =	sadd.s32 $0xFFFFE003, lr  }
0x1b: {  	s9 =	sadd.s32 $0xFFFFFEF7, lr;
	s5 =	simm.s32 $0xFFFFFFFF;
	p2 =	slt.u32 s8, $0xFFFFF086  }
0x1c: {  	p1 =	slt.u32 s9, $0xF7A;
	s5 =	simm.s32 @!p2 $0x0  }
0x1d: {  	s5 =	simm.s32 @p1 $0x1;
	p0 =	seq.s32 s7, s2  }
0x1e: {  	s7 =	smul.u32 @!p0 $0xF7A, s2;
	p2 =	seq.s32 @!p0 s5, $0x0  }
0x1f: {  	s9 =	smul.u32 $0xF7A, s1;
	s8 =	simm.s32 @!p0 $0x1BF5;
	p2 =	por !p2, p0  }
0x20: {  	[sflag:s8] =	ssyncset.s32 @!p0 $0xFFFFF086;
	s6 =	sadd.s32 @!p0 s3, s7;
	s7 =	simm.s32 @!p0 $0x108  }
0x21: {  	s3 =	sadd.s32 s3, s9;
	s6 =	sadd.s32 @!p0 $0x88, s6;
	s7 =	simm.s32 @p2 $0x1082  }
0x22: {  	[simem:s7], [sflag:s8] =	dma.local @!p0 [hbm:s6], $0xF7A  }
0x23: {  	s9 =	sor.u32 $0xD0000000, s2;
	s6 =	simm.s32 $0x108;
	_ =	swait.ge @!p0 [sflag:s8], $0x0  }
0x24: {  	s3 =	sadd.s32 $0x88, s3;
	s6 =	simm.s32 @!p1 $0x1082;
	[sflag:s4] =	ssyncset.s32 $0xFFFFF086  }
0x25: {  	[simem:s6], [sflag:s4] =	dma.local [hbm:s3], $0xF7A  }
0x26: {  	[smem:$0x3F99] =	sst s1;
	(tag) =	ssettag s2;
	_ =	strace s9  }
0x27: {  	s1 =	sld [smem:$0x3FA9]  }
0x28: {  	s2 =	sld [smem:$0x3FAA]  }
0x29: {  	s4 =	sld [smem:$0x3FAC]  }
0x2a: {  	p0 =	seq.s32 s5, $0x0;
	s5 =	sld [smem:$0x3FAD]  }
0x2b: {  	s6 =	sld [smem:$0x3FAE]  }
0x2c: {  	s7 =	sld [smem:$0x3FAF]  }
0x2d: {  	s3 =	simm.s32 $0x108;
	s8 =	sld [smem:$0x3FB0]  }
0x2e: {  	s3 =	simm.s32 @!p0 $0x1082;
	s9 =	sld [smem:$0x3FB1]  }
0x2f: {  	lr =	sadd.s32 s0, s3;
	s0 =	sld [smem:$0x3FA8]  }
0x30: {  	s3 =	sld [smem:$0x3FAB]  }
0x31: {  	[smem:$0x3FB4] =	sst s10  }
0x32: {  	s10 =	sld [smem:$0x3FB2];
	_ =	sdelay $0x3  }
0x33: {  	p0 =	seq.s32 s10, $0x1;
	s10 =	sld [smem:$0x3FB4];
	_ =	sdelay $0x3  }
0x34: {  	[smem:$0x3FB4] =	sst s10  }
0x35: {  	s10 =	sld [smem:$0x3FB3];
	_ =	sdelay $0x3  }
0x36: {  	p1 =	seq.s32 s10, $0x1;
	s10 =	sld [smem:$0x3FB4];
	_ =	sdelay $0x3  }
0x37: {  	[smem:$0x3FB4] =	sst s10  }
0x38: {  	s10 =	sld [smem:$0x3FB5]  }
0x39: {  	_ = 	snop;
	(pc) =	sbr.ind lr, $3  }
0x3a: {  	_ = 	snop  }
0x3b: {  	_ = 	snop  }
0x3c: {  	p2 =	seq.s32 s10, $0x1;
	s10 =	sld [smem:$0x3FB4]  }
0x3d: {  	_ =	shalt  }
0x3e: {  	_ =	shalt  }
0x3f: {  	_ =	shalt  }
0x40: {  	_ =	shalt  }
0x41: {  	_ =	shalt  }
0x42: {  	_ =	shalt  }
0x43: {  	_ =	shalt  }
0x44: {  	_ =	shalt  }
0x45: {  	_ =	shalt  }
0x46: {  	_ =	shalt  }
0x47: {  	_ =	shalt  }
0x48: {  	_ =	shalt  }
0x49: {  	_ =	shalt  }
0x4a: {  	_ =	shalt  }
0x4b: {  	_ =	shalt  }
0x4c: {  	_ =	shalt  }
0x4d: {  	_ =	shalt  }
0x4e: {  	_ =	shalt  }
0x4f: {  	_ =	shalt  }
0x50: {  	_ =	shalt  }
0x51: {  	_ =	shalt  }
0x52: {  	_ =	shalt  }
0x53: {  	_ =	shalt  }
0x54: {  	_ =	shalt  }
0x55: {  	_ =	shalt  }
0x56: {  	_ =	shalt  }
0x57: {  	_ =	shalt  }
0x58: {  	_ =	shalt  }
0x59: {  	_ =	shalt  }
0x5a: {  	_ =	shalt  }
0x5b: {  	_ =	shalt  }
0x5c: {  	_ =	shalt  }
0x5d: {  	_ =	shalt  }
0x5e: {  	_ =	shalt  }
0x5f: {  	_ =	shalt  }
0x60: {  	_ =	shalt  }
0x61: {  	_ =	shalt  }
0x62: {  	_ =	shalt  }
0x63: {  	_ =	shalt  }
0x64: {  	_ =	shalt  }
0x65: {  	_ =	shalt  }
0x66: {  	_ =	shalt  }
0x67: {  	_ =	shalt  }
0x68: {  	_ =	shalt  }
0x69: {  	_ =	shalt  }
0x6a: {  	_ =	shalt  }
0x6b: {  	_ =	shalt  }
0x6c: {  	_ =	shalt  }
0x6d: {  	_ =	shalt  }
0x6e: {  	_ =	shalt  }
0x6f: {  	_ =	shalt  }
0x70: {  	_ =	shalt  }
0x71: {  	_ =	shalt  }
0x72: {  	_ =	shalt  }
0x73: {  	_ =	shalt  }
0x74: {  	_ =	shalt  }
0x75: {  	_ =	shalt  }
0x76: {  	_ =	shalt  }
0x77: {  	_ =	shalt  }
0x78: {  	_ =	shalt  }
0x79: {  	_ =	shalt  }
0x7a: {  	_ =	shalt  }
0x7b: {  	_ =	shalt  }
0x7c: {  	_ =	shalt  }
0x7d: {  	_ =	shalt  }
0x7e: {  	_ =	shalt  }
0x7f: {  	_ =	shalt  }
0x80: {  	_ =	shalt  }
0x81: {  	_ =	shalt  }
0x82: {  	_ =	shalt  }
0x83: {  	_ =	shalt  }
0x84: {  	_ =	shalt  }
0x85: {  	_ =	shalt  }
0x86: {  	_ =	shalt  }
0x87: {  	_ =	shalt  }
.Lfunc_end0:
.L_simem_size_0:
called_computation_lowered:
.L_overlay_start_0:
0x88: {  	s2 =	sld [smem:$0x3FD9]  }
0x89: {  	s3 =	sld [smem:$0x3FFE];
	_ =	sdelay $0x1  }
0x8a: {  	s1 =	srdreg.scid  }
0x8b: {  	s0 =	sand.u32 $0x1, s1  }
0x8c: {  	s15 =	sshll.u32 s0, $0xA;
	s2 =	sadd.s32 s3, s2  }
0x8d: {  	s2 =	sadd.s32 s2, s15  }
0x8e: {  	[smem:$0x3FC0] =	sst s2  }
0x8f: {  	_ = 	snop  }
0x90: {  	(tm) =	ssettm $0x1  }
0x91: {  	s16 =	sld [smem:$0x3FFB];
	_ =	sdelay $0x3  }
0x92: {  	_ =	strace s16  }
0x93: {  	s2 =	sld [smem:$0x3FFC];
	_ =	sdelay $0x3  }
0x94: {  	_ =	strace s2  }
0x95: {  	s2 =	sld [smem:$0x3FFD];
	_ =	sdelay $0x3  }
0x96: {  	_ =	strace s2  }
0x97: {  	_ =	strace $0x8FFFFFFF  }
0x98: {  	s17 =	sld [smem:$0x3FDB];
	_ =	sdelay $0x1  }
0x99: {  	s18 =	simm.s32 $_scs_section_size  }
0x9a: {  	s4 =	simm.s32 $_size__tile_overlayer_lowered;
	s5 =	simm.s32 $_tile_overlayer_lowered  }
0x9b: {  	s6 =	simm.s32 $0x1BFF;
	s19 =	sshll.u32 s5, $0x1;
	s3 =	sadd.s32 s18, s17  }
0x9c: {  	s20 =	simm.s32 $0x0;
	s4 =	sshll.u32 s4, $0x1;
	s5 =	sadd.s32 s19, s3  }
0x9d: {  	[timem:s20], [sflag:s6] =	dma.local [hbm:s5], s4  }
0x9e: {  	_ =	swait.ge [sflag:s6], s4  }
0x9f: {  	s4 =	ssub.s32 $0x0, s4;
	[sflag:s6] =	ssyncset.done $0x0  }
0xa0: {  	[sflag:s6] =	ssyncadd.s32 s4;
	_ =	sdelay $0x1  }
0xa1: {  	s21 =	simm.s32 $0x1B8B  }
0xa2: {  	_ =	swait.ge [sflag:s21], $0x1  }
0xa3: {  	[sflag:s21] =	ssyncset.done $0x0  }
0xa4: {  	s22 =	sld [smem:$0x3FFE];
	[sflag:s21] =	ssyncadd.s32 $0xFFFFFFFF  }
0xa5: {  	s24 =	simm.s32 $0x1B8E;
	s23 =	sld [smem:$0x0]  }
0xa6: {  	s25 =	simm.s32 $execute0_lowered;
	[smem:$0x3FD2] =	sst s24  }
0xa7: {  	s6 =	sshll.u32 s25, $0x1;
	_ =	strace $0x80000049;
	[dreg:$0x1] =	wrdreg $0xFFFFFFFF  }
0xa8: {  	s7 =	simm.s32 $_size_execute0_lowered;
	s6 =	sadd.s32 s3, s6;
	[dreg:$0x0] =	wrdreg $0x0  }
0xa9: {  	s7 =	sshll.u32 s7, $0x1;
	[dreg:$0x2] =	wrdreg s6  }
0xaa: {  	[dreg:$0x3] =	wrdreg s7  }
0xab: {  	[dreg:$0x4] =	wrdreg $0xC0  }
0xac: {  	s26 =	simm.s32 $execute1_lowered;
	_ =	task [dreg:s20], $0x5FFFF  }
0xad: {  	s6 =	sshll.u32 s26, $0x1;
	[dreg:$0x1] =	wrdreg $0xFFFFFFFF  }
0xae: {  	s3 =	sadd.s32 s3, s6;
	[dreg:$0x0] =	wrdreg $0x60  }
0xaf: {  	[dreg:$0x2] =	wrdreg s3  }
0xb0: {  	[dreg:$0x3] =	wrdreg s22  }
0xb1: {  	[dreg:$0x4] =	wrdreg $0x9  }
0xb2: {  	_ =	task.clear_ibuf [dreg:s20], $0x5FFFF;
	_ =	strace $0x90000049  }
0xb3: {  	s28 =	simm.s32 $0x9;
	_ =	strace $0x8000004B  }
0xb4: {  	_ =	swait.ge [sflag:s28], $0x1  }
0xb5: {  	[sflag:s28] =	ssyncadd.s32 $0xFFFFFFFF  }
0xb6: {  	_ =	strace $0x9000004B  }
0xb7: {  	s3 =	sld [smem:$0x0]  }
0xb8: {  	s6 =	sand.u32 $0xFFFFFFFE, s1  }
0xb9: {  	p0 =	sne.s32 s1, s6  }
0xba: {  	s6 =	sshll.u32 @p0 s6, $0xE  }
0xbb: {  	s6 =	sadd.s32 @p0 $0x11BF3, s6;
	s7 =	sshll.u32 @p0 s3, $0x11  }
0xbc: {  	s6 =	sor.u32 @p0 s7, s6  }
0xbd: {  	[sflag:s6] =	ssyncadd.remote.s32 @p0 $0x1;
	_ =	sdelay $0x1  }
0xbe: {  	s6 =	simm.s32 @p0 $0x1BF3  }
0xbf: {  	_ =	swait.eq @p0 [sflag:s6], $0x1  }
0xc0: {  	[sflag:s6] =	ssyncadd.s32 @p0 $0xFFFFFFFF  }
0xc1: {  	s7 =	sshll.u32 @!p0 s1, $0xE  }
0xc2: {  	s7 =	sor.u32 @!p0 $0x4000, s7;
	s6 =	simm.s32 @!p0 $0x1BF3  }
0xc3: {  	s3 =	sshll.u32 @!p0 s3, $0x11;
	s7 =	sadd.s32 @!p0 $0x11BF3, s7;
	_ =	swait.eq @!p0 [sflag:s6], $0x1  }
0xc4: {  	s3 =	sor.u32 @!p0 s3, s7;
	[sflag:s6] =	ssyncadd.s32 @!p0 $0xFFFFFFFF  }
0xc5: {  	[sflag:s3] =	ssyncadd.remote.s32 @!p0 $0x1  }
0xc6: {  	_ =	strace $0x8000004C;
	[dreg:$0x1] =	wrdreg $0xFFFFFFFF  }
0xc7: {  	[dreg:$0x0] =	wrdreg $0x2030  }
0xc8: {  	[dreg:$0x2] =	wrdreg s22  }
0xc9: {  	[dreg:$0x3] =	wrdreg s1  }
0xca: {  	[dreg:$0x4] =	wrdreg s23  }
0xcb: {  	[dreg:$0x5] =	wrdreg $0xA  }
0xcc: {  	_ =	task.clear_ibuf [dreg:s20], $0x6FFFF;
	_ =	strace $0x9000004C  }
0xcd: {  	s29 =	simm.s32 $0xA;
	_ =	strace $0x8000004E  }
0xce: {  	_ =	swait.ge [sflag:s29], $0x1  }
0xcf: {  	[sflag:s29] =	ssyncadd.s32 $0xFFFFFFFF  }
0xd0: {  	_ =	strace $0x9000004E  }
0xd1: {  	_ =	sfence  }
0xd2: {  	s30 =	sld [smem:$0x0];
	_ =	sdelay $0x2  }
0xd3: {  	s31 =	sshll.u32 s1, $0xD;
	s1 =	sshrl.u32 s1, $0x2  }
0xd4: {  	s4 =	sand.u32 $0x4000, s31;
	s1 =	sadd.s32 s1, s30  }
0xd5: {  	s0 =	sor.u32 s4, s0;
	s1 =	sshll.u32 s1, $0x11  }
0xd6: {  	s0 =	sor.u32 s1, s0  }
0xd7: {  	s0 =	sadd.s32 $0x8F2B, s0  }
0xd8: {  	[sflag:s0] =	ssyncadd.remote.s32 $0x1  }
0xd9: {  	_ =	sfence.sel $0xFFFF  }
0xda: {  	[dreg:$0x0] =	wrdreg $0xFFFFFFFF;
	(pc) =	sbr.abs _section_cstart, $3  }
0xdb: {  	[dreg:$0x1] =	wrdreg $0xFFFFFFFF  }
0xdc: {  	_ =	task.clear_ibuf [dreg:s20], $0x2FFFF;
	_ =	strace $0x9FFFFFFF  }
0xdd: {  	(tm) =	ssettm $0x7FFFFFFF  }
tec
execute0_lowered:
.L_overlay_start_1:
0x0: {  	(tag) =	ssettag $0x1  }
0x1: {  	s2 =	rddreg [dreg:$0x0]  }
0x2: {  	s4 =	rddreg [dreg:$0x1]  }
0x3: {  	s0 =	rddreg [dreg:$0x2];
	s3 =	stileid.u32;
	[bflag:$0x3] =	sbarrier.arrive $0xFFFF  }
0x4: {  	s1 =	simm.s32 $_size_execute1_lowered;
	s29 =	srdreg.scid;
	p0 =	sne.s32 s3, $0x0  }
0x5: {  	s1 =	sshll.u32 s1, $0x1;
	s5 =	simm.s32 @!p0 $0x1C3F;
	s6 =	simm.s32 @!p0 $0x4060  }
0x6: {  	[timem:s6], [sflag:s5] =	dma.local @!p0 [hbm:s2], s1  }
0x7: {  	s2 =	sshll.u32 s29, $0x7  }
0x8: {  	s7 =	simm.s32 $0x1;
	s3 =	sshll.u32 s3, $0x8;
	s2 =	sand.u32 $0x80, s2  }
0x9: {  	s8 =	simm.s32 $0x2;
	s9 =	simm.s32 $0x0;
	s2 =	sor.u32 s3, s2  }
0xa: {  	s12 =	simm.s32 $0x0;
	s11 =	simm.s32 $0x0;
	s30 =	ssub.s32 $0x2780, s2  }
.Ltmp0:
0xb: {  	s5 =	simm.s32 $0x1;
	s31 =	sand.u32 $0xF80, s30;
	(pc) =	sbr.rel .LBB2_1-.Ltmp0, $4  }
0xc: {  	_ =	strace $0x8000004A;
	s3 =	sadd.s32 $0x547400, s4;
	p1 =	sne.s32 s31, $0x0  }
0xd: {  	[sflag:s5] =	ssyncpa.u1 $0x0;
	s6 =	sshrl.u32 s30, $0xC;
	s7 =	simm.s32 @!p1 $0x0  }
0xe: {  	s4 =	sadd.s32 $0x56EC00, s4;
	[sflag:s8] =	ssyncpa.u1 $0x0;
	s6 =	sadd.s32 s7, s6  }
0xf: {  	s8 =	simm.s32 $0x0;
	s10 =	smov.u32 s2;
	s7 =	sadd.s32 $0x1, s6  }
.LBB2_4:
0x10: {  	_ =	sdelay $0x3  }
0x11: {  	[tilespmem:v0+s14+$0xFFFFFFA0 ss:$0x1] =	vst.idx.msk $0xffff, v6  }
0x12: {  	v56 =	vld.idx.msk [tilespmem:v1+s15+$0x30 ss:$0x1], $0xffff;
	[tilespmem:v0+s14+$0xFFFFFFB0 ss:$0x1] =	vst.idx.msk $0xffff, v4  }
0x13: {  	v57 =	vld.idx.msk [tilespmem:v1+s15+$0xFFFFFFC0 ss:$0x1], $0xffff;
	[tilespmem:v0+s14+$0xFFFFFFC0 ss:$0x1] =	vst.idx.msk $0xffff, v2  }
0x14: {  	v58 =	vld.idx.msk [tilespmem:v1+s15+$0xFFFFFFD0 ss:$0x1], $0xffff;
	[tilespmem:v0+s14+$0xFFFFFFD0 ss:$0x1] =	vst.idx.msk $0xffff, v3  }
0x15: {  	v59 =	vld.idx.msk [tilespmem:v1+s15+$0xFFFFFFE0 ss:$0x1], $0xffff;
	[tilespmem:v0+s14+$0xFFFFFFE0 ss:$0x1] =	vst.idx.msk $0xffff, v5  }
0x16: {  	v60 =	vld.idx.msk [tilespmem:v1+s15+$0xFFFFFFF0 ss:$0x1], $0xffff;
	[tilespmem:v0+s14+$0xFFFFFFF0 ss:$0x1] =	vst.idx.msk $0xffff, v7;
	s12 =	sand.u32 $0x1FFFFFF, s12  }
0x17: {  	v61 =	vld.idx.msk [tilespmem:v1+s15+$0x0 ss:$0x1], $0xffff;
	s31 =	smulhi.u32 $0xCF6475, s12;
	[tilespmem:v0+s15+$0x0 ss:$0x1] =	vst.idx.msk $0xffff, v56  }
0x18: {  	v62 =	vld.idx.msk [tilespmem:v1+s15+$0x10 ss:$0x1], $0xffff;
	[tilespmem:v0+s15+$0xFFFFFF90 ss:$0x1] =	vst.idx.msk $0xffff, v57  }
0x19: {  	v63 =	vld.idx.msk [tilespmem:v1+s15+$0x20 ss:$0x1], $0xffff;
	s14 =	sshrl.u32 s31, $0x5;
	[tilespmem:v0+s15+$0xFFFFFFA0 ss:$0x1] =	vst.idx.msk $0xffff, v58  }
0x1a: {  	s14 =	smul.u32 $0x2780, s14;
	[tilespmem:v0+s15+$0xFFFFFFB0 ss:$0x1] =	vst.idx.msk $0xffff, v59  }
0x1b: {  	[tilespmem:v0+s15+$0xFFFFFFC0 ss:$0x1] =	vst.idx.msk $0xffff, v60  }
0x1c: {  	[tilespmem:v0+s15+$0xFFFFFFD0 ss:$0x1] =	vst.idx.msk $0xffff, v61;
	s12 =	ssub.s32 s12, s14  }
0x1d: {  	[tilespmem:v0+s15+$0xFFFFFFE0 ss:$0x1] =	vst.idx.msk $0xffff, v62;
	s12 =	sshll.u32 s12, $0x4  }
0x1e: {  	[tilespmem:v0+s15+$0xFFFFFFF0 ss:$0x1] =	vst.idx.msk $0xffff, v63;
	s12 =	sadd.s32 s4, s12  }
0x1f: {  	[hbm4b:s12+s8] =	stream.linear.scatter [tilespmem:s13], [sflag:$0x2], $0x4000, $0x38;
	[tilespmem:$0x10000] =	vst v63  }
.LBB2_5:
0x20: {  	s14 =	sadd.s32 $0x1000, s10  }
0x21: {  	p2 =	sgt.s32 s14, $0x277F  }
0x22: {  	s14 =	smov.u32 @p2 s2;
	p2 =	sne.s32 s11, s7  }
.Ltmp1:
0x23: {  	p1 =	slt.u32 s11, $0x2;
	(pc) =	sbr.rel @!p2 .LBB2_6-.Ltmp1, $4  }
0x24: {  	s13 =	simm.s32 @!p1 $0x2  }
0x25: {  	s15 =	sadd.s32 $0x1, s11;
	_ =	swait.ge @!p1 [sflag:s13], $0x4000  }
0x26: {  	s12 =	smov.u32 s10;
	s9 =	sadd.s32 $0x4000, s9;
	[sflag:s13] =	ssyncset.done @!p1 $0x0  }
0x27: {  	s11 =	smov.u32 s15;
	s10 =	smov.u32 s14;
	[sflag:s13] =	ssyncadd.s32 @!p1 $0xFFFFC000  }
.LBB2_1:
0x28: {  	p1 =	sge.u32 s11, s6  }
0x29: {  	s13 =	sand.u32 @!p1 $0x1FFFFFF, s10  }
0x2a: {  	s14 =	smulhi.u32 @!p1 $0xCF6475, s13;
	_ =	sdelay $0x1  }
0x2b: {  	s14 =	sshrl.u32 @!p1 s14, $0x5  }
0x2c: {  	s14 =	smul.u32 @!p1 $0x2780, s14;
	_ =	sdelay $0x1  }
0x2d: {  	s15 =	sxor.u32 @!p1 $0xFFFFFFFF, s11;
	s13 =	ssub.s32 @!p1 s13, s14  }
0x2e: {  	s31 =	sadd.s32 $0xFFFFFFFF, s11;
	s14 =	sshll.u32 @!p1 s15, $0xE;
	s13 =	sshll.u32 @!p1 s13, $0x4  }
0x2f: {  	s15 =	simm.s32 @!p1 $0x0;
	s14 =	sand.u32 @!p1 $0x4000, s14;
	s13 =	sadd.s32 @!p1 s3, s13  }
0x30: {  	[tilespmem:s14], [sflag:$0x1] =	stream.linear.gather @!p1 [hbm4b:s13+s15], $0x4000, $0x38;
	[tilespmem:$0x10000] =	vst v63  }
0x31: {  	p1 =	sge.u32 s31, s6  }
.Ltmp2:
0x32: {  	_ = 	snop;
	(pc) =	sbr.rel @p1 .LBB2_5-.Ltmp2, $1  }
0x33: {  	_ =	sdelay $0x3  }
0x34: {  	s13 =	sand.u32 $0x4000, s9  }
0x35: {  	s14 =	sor.u32 $0x40, s13  }
0x36: {  	v1 =	vmov s14;
	_ =	sdelay $0x1  }
0x37: {  	_ =	swait.ge [sflag:s5], $0x4000  }
0x38: {  	[sflag:s5] =	ssyncset.done $0x0  }
0x39: {  	[sflag:s5] =	ssyncadd.s32 $0xFFFFC000;
	s14 =	simm.s32 $0x0  }
0x3a: {  	s13 =	sor.u32 $0x8070, s13;
	v7 =	vld.idx.msk [tilespmem:v1+s14+$0x30 ss:$0x1], $0xffff  }
0x3b: {  	v0 =	vmov s13;
	v8 =	vld.idx.msk [tilespmem:v1+s14+$0xFFFFFFC0 ss:$0x1], $0xffff  }
0x3c: {  	v6 =	vld.idx.msk [tilespmem:v1+s14+$0xFFFFFFD0 ss:$0x1], $0xffff  }
0x3d: {  	v4 =	vld.idx.msk [tilespmem:v1+s14+$0xFFFFFFE0 ss:$0x1], $0xffff  }
0x3e: {  	v2 =	vld.idx.msk [tilespmem:v1+s14+$0xFFFFFFF0 ss:$0x1], $0xffff  }
0x3f: {  	s31 =	sshll.u32 s11, $0xE;
	v3 =	vld.idx.msk [tilespmem:v1+s14+$0x0 ss:$0x1], $0xffff  }
0x40: {  	s13 =	sand.u32 $0x4000, s31;
	v5 =	vld.idx.msk [tilespmem:v1+s14+$0x10 ss:$0x1], $0xffff;
	[tilespmem:v0+s14+$0x0 ss:$0x1] =	vst.idx.msk $0xffff, v7  }
0x41: {  	s15 =	simm.s32 $0x80;
	s16 =	simm.s32 $0x400;
	s13 =	sor.u32 $0x8000, s13;
	[tilespmem:v0+s14+$0xFFFFFF90 ss:$0x1] =	vst.idx.msk $0xffff, v8;
	v7 =	vld.idx.msk [tilespmem:v1+s14+$0x20 ss:$0x1], $0xffff  }
.LBB2_3:
0x42: {  	p1 =	sne.s32 s16, $0xFE00;
	v8 =	vld.idx.msk [tilespmem:v1+s15+$0x30 ss:$0x1], $0xffff;
	[tilespmem:v0+s14+$0xFFFFFFA0 ss:$0x1] =	vst.idx.msk $0xffff, v6  }
0x43: {  	v9 =	vld.idx.msk [tilespmem:v1+s15+$0xFFFFFFC0 ss:$0x1], $0xffff;
	[tilespmem:v0+s14+$0xFFFFFFB0 ss:$0x1] =	vst.idx.msk $0xffff, v4  }
0x44: {  	v6 =	vld.idx.msk [tilespmem:v1+s15+$0xFFFFFFD0 ss:$0x1], $0xffff;
	[tilespmem:v0+s14+$0xFFFFFFC0 ss:$0x1] =	vst.idx.msk $0xffff, v2  }
.Ltmp3:
0x45: {  	v4 =	vld.idx.msk [tilespmem:v1+s15+$0xFFFFFFE0 ss:$0x1], $0xffff;
	[tilespmem:v0+s14+$0xFFFFFFD0 ss:$0x1] =	vst.idx.msk $0xffff, v3;
	(pc) =	sbr.rel @p1 .LBB2_3-.Ltmp3, $4  }
0x46: {  	v2 =	vld.idx.msk [tilespmem:v1+s15+$0xFFFFFFF0 ss:$0x1], $0xffff;
	[tilespmem:v0+s14+$0xFFFFFFE0 ss:$0x1] =	vst.idx.msk $0xffff, v5  }
0x47: {  	v3 =	vld.idx.msk [tilespmem:v1+s15+$0x0 ss:$0x1], $0xffff;
	[tilespmem:v0+s14+$0xFFFFFFF0 ss:$0x1] =	vst.idx.msk $0xffff, v7;
	s14 =	smov.u32 s15  }
0x48: {  	v5 =	vld.idx.msk [tilespmem:v1+s14+$0x10 ss:$0x1], $0xffff;
	[tilespmem:v0+s14+$0x0 ss:$0x1] =	vst.idx.msk $0xffff, v8  }
0x49: {  	s15 =	sshra.s32 s16, $0x2;
	s16 =	sadd.s32 $0x200, s16;
	[tilespmem:v0+s14+$0xFFFFFF90 ss:$0x1] =	vst.idx.msk $0xffff, v9;
	v7 =	vld.idx.msk [tilespmem:v1+s14+$0x20 ss:$0x1], $0xffff  }
.Ltmp4:
0x4a: {  	_ = 	snop;
	(pc) =	sbr.rel .LBB2_4-.Ltmp4, $1  }
0x4b: {  	_ =	sdelay $0x3  }
.LBB2_6:
0x4c: {  	_ =	sfence.sel $0x180000  }
0x4d: {  	s2 =	simm.s32 $0x1;
	[bflag:$0x0] =	sbarrier.arrive $0xFFFF  }
0x4e: {  	s31 =	simm.s32 $0x2;
	[sflag:s2] =	ssyncpa.u1 $0x1  }
0x4f: {  	[sflag:s31] =	ssyncpa.u1 $0x1  }
0x50: {  	_ =	strace $0x9000004A  }
0x51: {  	s0 =	sadd.s32 @!p0 $0x100000, s0;
	[bflag:$0x2] =	sbarrier.arrive $0xFFFF  }
0x52: {  	[sflag:s0] =	ssyncadd.tile.s32 @!p0 $0x1;
	s0 =	simm.s32 @!p0 $0x3F  }
0x53: {  	_ =	swait.ge @!p0 [sflag:s0], s1  }
0x54: {  	s1 =	ssub.s32 @!p0 $0x0, s1;
	[sflag:s0] =	ssyncset.done @!p0 $0x0  }
0x55: {  	[sflag:s0] =	ssyncadd.s32 @!p0 s1  }
0x56: {  	[bflag:$0x3] =	sbarrier.arrive $0xFFFF  }
0x57: {  	_ =	shalt  }
.Lfunc_end2:
execute1_lowered:
.L_overlay_start_2:
0x58: {  	(tag) =	ssettag $0x2  }
0x59: {  	s2 =	rddreg [dreg:$0x0]  }
0x5a: {  	s3 =	rddreg [dreg:$0x1];
	_ =	strace $0x8000004D;
	s0 =	simm.s32 $0x1  }
0x5b: {  	v0 =	vimm.s32 $0x0;
	[sflag:s0] =	ssyncpa.u1 $0x0;
	s0 =	simm.s32 $0x108  }
0x5c: {  	[tilespmem:s0+$0x70] =	vst v0  }
0x5d: {  	[tilespmem:s0+$0x60] =	vst v0  }
0x5e: {  	[tilespmem:s0+$0x50] =	vst v0  }
0x5f: {  	[tilespmem:s0+$0x40] =	vst v0  }
0x60: {  	[tilespmem:s0+$0x30] =	vst v0  }
0x61: {  	s1 =	sadd.s32 $0x56EC00, s2;
	s15 =	sadd.s32 $0xC200, s2;
	s6 =	sadd.s32 $0x47400, s2;
	[tilespmem:s0+$0x20] =	vst v0  }
0x62: {  	s14 =	sadd.s32 $0x16200, s2;
	s5 =	sand.u32 $0x1, s3;
	s3 =	simm.s32 $0x40;
	[tilespmem:s0+$0x10] =	vst v0  }
.LBB3_1:
0x63: {  	s3 =	sadd.s32 $0x40, s3;
	[tilespmem:s0+$0x0] =	vst v0;
	s0 =	sadd.s32 $0x80, s0  }
0x64: {  	p0 =	slt.u32 s3, $0x3C40;
	[tilespmem:s0+$0x70] =	vst v0  }
0x65: {  	[tilespmem:s0+$0x60] =	vst v0  }
.Ltmp5:
0x66: {  	[tilespmem:s0+$0x50] =	vst v0;
	(pc) =	sbr.rel @p0 .LBB3_1-.Ltmp5, $4  }
0x67: {  	[tilespmem:s0+$0x40] =	vst v0  }
0x68: {  	[tilespmem:s0+$0x30] =	vst v0  }
0x69: {  	[tilespmem:s0+$0x20] =	vst v0  }
0x6a: {  	[tilespmem:s0+$0x10] =	vst v0  }
0x6b: {  	s9 =	stileid.u32  }
0x6c: {  	s2 =	smul.u32 $0x2A, s9  }
0x6d: {  	s3 =	smin.u32 s9, $0xB  }
0x6e: {  	s2 =	sadd.s32 s3, s2  }
0x6f: {  	p0 =	slt.u32 s9, $0xB;
	s7 =	smul.u32 $0xF0, s2;
	s2 =	simm.s32 $0x2850  }
0x70: {  	s2 =	simm.s32 @!p0 $0x2760  }
0x71: {  	s2 =	sadd.s32 s2, s7  }
0x72: {  	s8 =	smin.u32 s2, $0x28000  }
0x73: {  	s2 =	ssub.s32 s8, s7  }
0x74: {  	p0 =	sgt.s32 s2, $0x0  }
0x75: {  	s29 =	simm.s32 $0x2;
	s10 =	simm.s32 $0x9;
	s2 =	simm.s32 @!p0 $0x0  }
0x76: {  	s4 =	simm.s32 $0xA;
	s11 =	simm.s32 $0xB;
	s28 =	smulhi.u32 $0x88888889, s2  }
0x77: {  	[dreg:$0x4] =	wrdreg s5;
	s31 =	smul.u32 $0x5000, s5;
	s12 =	simm.s32 $0x1  }
0x78: {  	s22 =	simm.s32 $0x0;
	s18 =	simm.s32 $0xC;
	s30 =	sshrl.u32 s28, $0x7  }
0x79: {  	s20 =	simm.s32 $0x0;
	s21 =	simm.s32 $0x0;
	s3 =	smul.u32 $0xF0, s30  }
.Ltmp6:
0x7a: {  	[tilespmem:s0+$0x0] =	vst v0;
	v0 =	vimm.s32 $0xFFFFFFFF;
	[sflag:s29] =	ssyncpa.u1 $0x0;
	s16 =	sshll.u32 s9, $0x8;
	(pc) =	sbr.rel .LBB3_3-.Ltmp6, $4  }
0x7b: {  	[tilespmem:$0xF208] =	vst v0;
	[sflag:s10] =	ssyncpa.u1 $0x0;
	p0 =	sne.s32 s2, s3;
	s2 =	simm.s32 $0x1  }
0x7c: {  	s14 =	sadd.s32 s31, s14;
	[sflag:s4] =	ssyncpa.u1 $0x0;
	s2 =	simm.s32 @!p0 $0x0  }
0x7d: {  	s15 =	sadd.s32 s31, s15;
	[sflag:s11] =	ssyncpa.u1 $0x0;
	s13 =	sadd.s32 s2, s30  }
0x7e: {  	v0 =	vlaneseq.u32;
	s19 =	smov.u32 s7;
	p0 =	por $0x0, $0x0;
	s17 =	sadd.s32 $0x1, s13  }
.LBB3_18:
0x7f: {  	s0 =	sshrl.u32 s31, $0x2  }
.LBB3_20:
0x80: {  	_ =	swait.ge [sflag:s18], s0  }
0x81: {  	s31 =	ssub.s32 $0x0, s0;
	v1 =	vmov s24;
	vm0 =	veq.s32 v0, $0x0;
	[sflag:s18] =	ssyncset.done $0x0  }
0x82: {  	vm15 =	veq.s32 v0, $0x2;
	v1 =	vsel vm0, s30, v1;
	[sflag:s18] =	ssyncadd.s32 s31  }
0x83: {  	v1 =	vsel vm15, s22, v1;
	[sflag:s18] =	ssyncpa.u1 $0x1  }
0x84: {  	[tilespmem:$0xF208] =	vst v1  }
.LBB3_21:
0x85: {  	s0 =	sadd.s32 $0xF0, s19  }
0x86: {  	s2 =	smov.u32 s7;
	p1 =	slt.s32 s0, s8  }
0x87: {  	s2 =	smov.u32 @p1 s0;
	p1 =	sne.s32 s21, s17  }
.Ltmp7:
0x88: {  	_ = 	snop;
	(pc) =	sbr.rel @!p1 .LBB3_22-.Ltmp7, $3  }
0x89: {  	_ =	sdelay $0x1  }
0x8a: {  	s22 =	smov.u32 s20;
	s31 =	sadd.s32 $0x1, s21;
	s20 =	smov.u32 s19  }
0x8b: {  	p0 =	por !p0, !p0;
	s21 =	smov.u32 s31;
	s19 =	smov.u32 s2  }
.LBB3_3:
0x8c: {  	p1 =	sge.u32 s21, s13  }
0x8d: {  	s0 =	smulhi.u32 @!p1 $0xAAAAAAAB, s21  }
0x8e: {  	s2 =	smov.u32 s19;
	p2 =	sgt.s32 @!p1 s19, $0x27F10  }
0x8f: {  	s3 =	sshra.s32 @!p1 s19, $0x1F;
	p2 =	por !p2, p1;
	s0 =	sshrl.u32 @!p1 s0, $0x1  }
0x90: {  	s3 =	sand.u32 @!p1 s3, s19;
	s2 =	simm.s32 @p2 $0x27F10;
	s0 =	smul.u32 @!p1 $0x3, s0  }
0x91: {  	s2 =	ssub.s32 @!p1 s2, s3  }
0x92: {  	s2 =	sadd.s32 @!p1 $0xFFFD80F0, s2;
	s0 =	ssub.s32 @!p1 s21, s0  }
0x93: {  	s3 =	sshll.u32 @!p1 s2, $0x2;
	p2 =	sgt.s32 @!p1 s2, $0xEF;
	s0 =	smul.u32 @!p1 $0x3C0, s0  }
0x94: {  	s4 =	sand.u32 @!p1 $0x7, s19;
	s2 =	ssub.s32 @!p1 $0x3C0, s3;
	p2 =	por !p2, p1  }
0x95: {  	s3 =	sshrl.u32 @!p1 s19, $0x3;
	s2 =	sshrl.u32 @!p1 s2, $0x2;
	s0 =	sshrl.u32 @!p1 s0, $0x2  }
0x96: {  	s3 =	sadd.s32 @!p1 s3, s14;
	s2 =	simm.s32 @!p2 $0x0;
	s0 =	sadd.s32 @!p1 $0x10248, s0  }
0x97: {  	[tilespmem:s0], [sflag:$0xA] =	stream.linear.gather @!p1 [hbm4b:s3+s4], s2, $0x38;
	[tilespmem:$0x1F6F8] =	vst v63  }
0x98: {  	s0 =	sadd.s32 $0xFFFFFFFF, s21  }
0x99: {  	p1 =	sge.u32 s0, s13  }
0x9a: {  	p2 =	sgt.s32 @!p1 s20, $0x27F10  }
0x9b: {  	s2 =	smov.u32 s20;
	s3 =	sshra.s32 @!p1 s20, $0x1F;
	p2 =	por !p2, p1  }
0x9c: {  	s3 =	sand.u32 @!p1 s3, s20;
	s2 =	simm.s32 @p2 $0x27F10  }
0x9d: {  	s2 =	ssub.s32 @!p1 s2, s3  }
0x9e: {  	s2 =	sadd.s32 @!p1 $0xFFFD80F0, s2  }
0x9f: {  	s4 =	sand.u32 @!p1 $0x1, s0;
	s3 =	sshll.u32 @!p1 s2, $0x2  }
0xa0: {  	p2 =	sgt.s32 @!p1 s2, $0xEF;
	s2 =	ssub.s32 @!p1 $0x3C0, s3;
	s3 =	smulhi.u32 @!p1 $0xAAAAAAAB, s0  }
0xa1: {  	s23 =	smul.u32 @!p1 $0x3C0, s4;
	p2 =	por !p2, p1;
	s2 =	sshrl.u32 @!p1 s2, $0x2  }
0xa2: {  	s5 =	simm.s32 @!p1 $0xA;
	s2 =	simm.s32 @!p2 $0x0;
	s3 =	sshrl.u32 @!p1 s3, $0x1  }
0xa3: {  	s23 =	sshrl.u32 @!p1 s23, $0x2;
	_ =	swait.ge @!p1 [sflag:s5], s2;
	s3 =	smul.u32 @!p1 $0x3, s3  }
0xa4: {  	s23 =	sadd.s32 @!p1 $0x10518, s23;
	s24 =	ssub.s32 @!p1 $0x0, s2;
	[sflag:s5] =	ssyncset.done @!p1 $0x0  }
0xa5: {  	[sflag:s5] =	ssyncadd.s32 @!p1 s24;
	s5 =	sshrl.u32 @!p1 s20, $0x3;
	s0 =	ssub.s32 @!p1 s0, s3  }
0xa6: {  	s24 =	sand.u32 @!p1 $0x7, s20;
	s5 =	sadd.s32 @!p1 s5, s15;
	s0 =	smul.u32 @!p1 $0x3C0, s0  }
0xa7: {  	[tilespmem:s23], [sflag:$0xB] =	stream.linear.gather @!p1 [hbm4b:s5+s24], s2, $0x38;
	[tilespmem:$0x1F6F8] =	vst v63  }
0xa8: {  	s3 =	ssub.s32 @!p1 $0x28000, s20;
	s2 =	smul.u32 @!p1 $0x1E000, s4  }
0xa9: {  	p2 =	slt.s32 @!p1 s3, $0xF0  }
0xaa: {  	p2 =	por !p2, p1;
	s0 =	sshrl.u32 @!p1 s0, $0x2;
	s2 =	sshrl.u32 @!p1 s2, $0x2  }
0xab: {  	s3 =	simm.s32 @p2 $0xF0;
	s0 =	sadd.s32 @!p1 $0x10248, s0;
	s2 =	sor.u32 @!p1 $0x106F8, s2  }
0xac: {  	[tilespmem:s2], [sflag:$0x9] =	stream.indirect.gather @!p1 [hbm4b:s6+s3], $0x80, s0, s3, $0xb8;
	[tilespmem:$0x1F6F8] =	vst v63  }
0xad: {  	p1 =	slt.u32 s21, $0x2  }
.Ltmp8:
0xae: {  	_ = 	snop;
	(pc) =	sbr.rel @p1 .LBB3_21-.Ltmp8, $1  }
0xaf: {  	_ =	sdelay $0x3  }
0xb0: {  	p1 =	sgt.s32 s22, $0x27F10  }
0xb1: {  	s0 =	smov.u32 s22;
	s2 =	sshra.s32 s22, $0x1F;
	s3 =	ssub.s32 $0x28000, s22  }
0xb2: {  	s0 =	simm.s32 @!p1 $0x27F10;
	s2 =	sand.u32 s2, s22;
	p1 =	slt.s32 s3, $0xF0  }
0xb3: {  	s0 =	ssub.s32 s0, s2;
	s3 =	simm.s32 @!p1 $0xF0  }
0xb4: {  	s0 =	sadd.s32 $0xFFFD80F0, s0;
	s25 =	sshll.u32 s3, $0x7  }
0xb5: {  	s26 =	sshll.u32 s0, $0x2;
	s2 =	sand.u32 $0x3FFFFF80, s25  }
0xb6: {  	p1 =	sgt.s32 s0, $0xEF;
	s29 =	ssub.s32 $0x3C0, s26;
	_ =	swait.ge [sflag:s10], s2  }
0xb7: {  	s2 =	ssub.s32 $0x0, s2;
	[sflag:s10] =	ssyncset.done $0x0;
	s0 =	sshrl.u32 s29, $0x2  }
0xb8: {  	[sflag:s10] =	ssyncadd.s32 s2;
	s0 =	simm.s32 @p1 $0x0  }
0xb9: {  	_ =	swait.ge [sflag:s11], s0  }
0xba: {  	s0 =	ssub.s32 $0x0, s0;
	[sflag:s11] =	ssyncset.done $0x0  }
0xbb: {  	[sflag:s11] =	ssyncadd.s32 s0  }
0xbc: {  	v1 =	vld [tilespmem:$0xF208];
	_ =	sdelay $0x4  }
0xbd: {  	(v2sf) =	vpush v1, $0x0  }
0xbe: {  	(v2sf) =	vpush v1, $0x1  }
0xbf: {  	(v2sf) =	vpush v1, $0x2;
	_ =	sdelay $0x3  }
0xc0: {  	s0 =	sadd.s32 $0xF0, s22  }
0xc1: {  	s2 =	ssub.s32 $0x50000, s22;
	p1 =	slt.s32 s8, s0  }
0xc2: {  	s0 =	smov.u32 @p1 s8;
	p1 =	sgt.s32 s2, $0x0  }
0xc3: {  	s26 =	ssub.s32 s0, s22;
	s2 =	simm.s32 @!p1 $0x0  }
0xc4: {  	p1 =	slt.s32 s2, s26  }
0xc5: {  	s26 =	smov.u32 @p1 s2  }
0xc6: {  	s25 =	simm.s32 $0x1;
	p1 =	slt.s32 s26, $0x1  }
.Ltmp9:
0xc7: {  	s25 =	simm.s32 @!p0 $0x0;
	(pc) =	sbr.rel @p1 .LBB3_8-.Ltmp9, $4  }
0xc8: {  	s31 =	smul.u32 $0x3C0, s25  }
0xc9: {  	s28 =	spop (v2sf)  }
0xca: {  	s0 =	sshrl.u32 s31, $0x2;
	s30 =	spop (v2sf)  }
0xcb: {  	s23 =	sadd.s32 $0x10518, s0;
	s22 =	spop (v2sf)  }
0xcc: {  	s0 =	smin.u32 s26, $0x10  }
0xcd: {  	v1 =	vmov s0  }
0xce: {  	p2 =	sgt.s32 s26, $0x10;
	vm1 =	vgt.u32 v1, v0  }
.Ltmp10:
0xcf: {  	_ = 	snop;
	(pc) =	sbr.rel @!p2 .LBB3_7-.Ltmp10, $2  }
0xd0: {  	_ =	sdelay $0x2  }
0xd1: {  	s4 =	simm.s32 $0x10;
	s24 =	sadd.s32 $0xFFFFFFF0, s26;
	s0 =	smov.u32 s23;
	vm0 =	vmmov vm1  }
.LBB3_6:
0xd2: {  	s2 =	smin.u32 s24, $0x10;
	s4 =	sadd.s32 $0x10, s4;
	v1 =	vld.msk [tilespmem:s0+$0x0 ss:$0x1], vm1  }
0xd3: {  	v2 =	vmov s2;
	p2 =	slt.s32 s4, s26  }
0xd4: {  	vm1 =	vgt.u32 v2, v0  }
.Ltmp11:
0xd5: {  	(pc) =	sbr.rel @p2 .LBB3_6-.Ltmp11, $3  }
0xd6: {  	_ =	sdelay $0x1  }
0xd7: {  	v1 =	vshll.u32 v1, $0x4  }
0xd8: {  	s24 =	sadd.s32 $0xFFFFFFF0, s24;
	[tilespmem:s0+$0x0] =	vst.msk vm0, v1;
	s0 =	sadd.s32 $0x10, s0;
	vm0 =	vmmov vm1  }
.LBB3_7:
0xd9: {  	_ =	sdelay $0x4  }
0xda: {  	v1 =	vld.msk [tilespmem:s0+$0x0 ss:$0x1], vm1;
	_ =	sdelay $0x4  }
0xdb: {  	v1 =	vshll.u32 v1, $0x4  }
0xdc: {  	[tilespmem:s0+$0x0] =	vst.msk vm0, v1  }
.LBB3_8:
0xdd: {  	s0 =	sand.u32 $0x1, s21  }
0xde: {  	s0 =	smul.u32 $0xF0, s0  }
0xdf: {  	p2 =	sne.s32 s30, $0xFFFFFFFF  }
0xe0: {  	v1 =	vld.msk @!p2 [tilespmem:s0+$0x10518], $0x1;
	_ =	sdelay $0x4  }
0xe1: {  	(v2sf) =	vpush @!p2 v1, $0x0;
	_ =	sdelay $0xc  }
.Ltmp12:
0xe2: {  	_ = 	snop;
	(pc) =	sbr.rel @p1 .LBB3_19-.Ltmp12, $4  }
0xe3: {  	_ = 	snop  }
0xe4: {  	s29 =	spop @!p2 (v2sf)  }
0xe5: {  	s22 =	simm.s32 @!p2 $0x0;
	s24 =	smov.u32 s29  }
0xe6: {  	[sflag:s18] =	ssyncpa.u1 $0x0;
	s29 =	smov.u32 @p2 s28;
	s24 =	smov.u32 @p2 s30  }
0xe7: {  	v1 =	vld.msk [tilespmem:s23+$0x0], $0x1;
	_ =	sdelay $0x4  }
0xe8: {  	(v2sf) =	vpush v1, $0x0;
	_ =	sdelay $0xe  }
0xe9: {  	s2 =	smul.u32 $0x1E000, s25;
	s0 =	spop (v2sf)  }
0xea: {  	s26 =	ssub.s32 $0x0, s26;
	p1 =	seq.s32 s29, s0  }
0xeb: {  	s30 =	sadd.s32 $0x1, s26;
	s2 =	sshrl.u32 s2, $0x2;
	p2 =	sgt.s32 @!p1 s29, $0x0  }
0xec: {  	s25 =	sor.u32 $0x10738, s2;
	s2 =	smov.u32 s29;
	p2 =	por !p2, p1  }
0xed: {  	s2 =	simm.s32 @p2 $0x0;
	p2 =	seq.s32 s30, $0x0  }
.Ltmp13:
0xee: {  	_ = 	snop;
	(pc) =	sbr.rel @p2 .LBB3_11-.Ltmp13, $4  }
0xef: {  	_ = 	snop  }
0xf0: {  	s28 =	simm.s32 $0x0;
	s31 =	sadd.s32 $0x1, s23;
	s2 =	smin.u32 @!p1 s2, $0x277F0  }
0xf1: {  	s4 =	simm.s32 @!p1 $0x1;
	s5 =	simm.s32 @!p1 $0x7988;
	s3 =	sand.u32 @!p1 $0x3FFF8, s2  }
0xf2: {  	s4 =	smov.u32 @p1 s28;
	s2 =	sand.u32 @!p1 $0x7, s2;
	s3 =	sadd.s32 @!p1 s1, s3  }
.LBB3_10:
0xf3: {  	s9 =	smov.u32 s4  }
0xf4: {  	[tilespmem:s5], [sflag:$0x2] =	stream.linear.gather @!p1 [hbm4b:s3+s2], $0x80, $0x38;
	[tilespmem:$0x1F6F8] =	vst v63  }
0xf5: {  	s30 =	sadd.s32 $0x1, s30;
	s2 =	smov.u32 s0;
	v1 =	vld.msk [tilespmem:s31+$0x0], $0x1  }
0xf6: {  	p2 =	seq.s32 s30, $0x0;
	_ =	sdelay $0x3  }
0xf7: {  	(v2sf) =	vpush v1, $0x0;
	_ =	sdelay $0xe  }
0xf8: {  	s0 =	spop (v2sf)  }
0xf9: {  	p1 =	seq.s32 s2, s0  }
0xfa: {  	p3 =	sgt.s32 @!p1 s2, $0x0;
	s3 =	sshll.u32 @!p1 s4, $0x9;
	s4 =	sadd.s32 @!p1 $0x1, s4  }
.Ltmp14:
0xfb: {  	p3 =	por !p3, p1;
	s3 =	sshra.s32 @!p1 s3, $0x2;
	(pc) =	sbr.rel @!p2 .LBB3_10-.Ltmp14, $4  }
0xfc: {  	s4 =	smov.u32 @p1 s9;
	s2 =	simm.s32 @p3 $0x0;
	s5 =	sadd.s32 @!p1 $0x7988, s3  }
0xfd: {  	s2 =	smin.u32 @!p1 s2, $0x277F0  }
0xfe: {  	s3 =	sand.u32 @!p1 $0x3FFF8, s2;
	s2 =	sand.u32 @!p1 $0x7, s2  }
0xff: {  	s31 =	sadd.s32 $0x1, s31;
	s3 =	sadd.s32 @!p1 s1, s3  }
.LBB3_11:
0x100: {  	[tilespmem:s5], [sflag:$0x2] =	stream.linear.gather @!p1 [hbm4b:s3+s2], $0x80, $0x38;
	[tilespmem:$0x1F6F8] =	vst v63  }
.Ltmp15:
0x101: {  	s0 =	sshll.u32 s4, $0x7;
	(pc) =	sbr.rel .LBB3_12-.Ltmp15, $4  }
0x102: {  	s30 =	simm.s32 $0x2;
	s0 =	sand.u32 $0x3FFFFF80, s0  }
0x103: {  	_ =	swait.ge [sflag:s30], s0  }
0x104: {  	s0 =	ssub.s32 $0x0, s0;
	[sflag:s30] =	ssyncset.done $0x0  }
0x105: {  	s31 =	simm.s32 $0x0;
	[sflag:s30] =	ssyncadd.s32 s0  }
.LBB3_13:
0x106: {  	v1 =	vld [tilespmem:s25+$0xFFFFFFC0];
	_ =	sdelay $0x3  }
0x107: {  	s0 =	sshra.s32 s0, $0x2  }
0x108: {  	[tilespmem:s0+$0x108] =	vst.add.f32.msk $0xffff, v1  }
0x109: {  	v1 =	vld [tilespmem:s25+$0xFFFFFFD0];
	_ =	sdelay $0x4  }
0x10a: {  	[tilespmem:s0+$0x118] =	vst.add.f32.msk $0xffff, v1  }
0x10b: {  	v1 =	vld [tilespmem:s25+$0xFFFFFFE0];
	_ =	sdelay $0x4  }
0x10c: {  	[tilespmem:s0+$0x128] =	vst.add.f32.msk $0xffff, v1  }
0x10d: {  	v1 =	vld [tilespmem:s25+$0xFFFFFFF0];
	_ =	sdelay $0x4  }
0x10e: {  	[tilespmem:s0+$0x138] =	vst.add.f32.msk $0xffff, v1  }
0x10f: {  	v1 =	vld [tilespmem:s25+$0x0];
	_ =	sdelay $0x4  }
0x110: {  	[tilespmem:s0+$0x148] =	vst.add.f32.msk $0xffff, v1  }
0x111: {  	v1 =	vld [tilespmem:s25+$0x10];
	_ =	sdelay $0x4  }
0x112: {  	[tilespmem:s0+$0x158] =	vst.add.f32.msk $0xffff, v1  }
0x113: {  	v1 =	vld [tilespmem:s25+$0x20];
	_ =	sdelay $0x4  }
0x114: {  	[tilespmem:s0+$0x168] =	vst.add.f32.msk $0xffff, v1  }
0x115: {  	v1 =	vld [tilespmem:s25+$0x30];
	_ =	sdelay $0x4  }
0x116: {  	[tilespmem:s0+$0x178] =	vst.add.f32.msk $0xffff, v1  }
.LBB3_17:
0x117: {  	s26 =	sadd.s32 $0x1, s26  }
0x118: {  	p1 =	seq.s32 s26, $0x0  }
.Ltmp16:
0x119: {  	_ = 	snop;
	(pc) =	sbr.rel @p1 .LBB3_18-.Ltmp16, $2  }
0x11a: {  	_ =	sdelay $0x2  }
0x11b: {  	s23 =	sadd.s32 $0x1, s23;
	s25 =	sadd.s32 $0x80, s25;
	s29 =	smov.u32 s30  }
.LBB3_12:
0x11c: {  	v1 =	vld.msk [tilespmem:s23+$0x0], $0x1;
	_ =	sdelay $0x4  }
0x11d: {  	(v2sf) =	vpush v1, $0x0;
	_ =	sdelay $0xe  }
0x11e: {  	s30 =	spop (v2sf)  }
0x11f: {  	p1 =	sne.s32 s29, s30  }
.Ltmp17:
0x120: {  	_ = 	snop;
	(pc) =	sbr.rel @!p1 .LBB3_13-.Ltmp17, $2  }
0x121: {  	_ =	sdelay $0x2  }
0x122: {  	s0 =	sshll.u32 s22, $0x9  }
0x123: {  	p1 =	seq.s32 s29, s24  }
.Ltmp18:
0x124: {  	_ = 	snop;
	(pc) =	sbr.rel @!p1 .LBB3_15-.Ltmp18, $1  }
0x125: {  	_ =	sdelay $0x3  }
0x126: {  	s0 =	sshra.s32 s0, $0x2  }
.Ltmp19:
0x127: {  	s0 =	sadd.s32 $0x108, s0;
	(pc) =	sbr.rel .LBB3_16-.Ltmp19, $4  }
0x128: {  	[spmem:s16] =	stream.linear.scatter [tilespmem:s0], [sflag:$0x1], $0x80, $0x38;
	[tilespmem:$0x1F6F8] =	vst v63  }
0x129: {  	_ =	swait.ge [sflag:s12], $0x80  }
0x12a: {  	[sflag:s12] =	ssyncset.done $0x0  }
0x12b: {  	[sflag:s12] =	ssyncadd.s32 $0xFFFFFF80  }
.LBB3_15:
0x12c: {  	s2 =	sshll.u32 s28, $0x9  }
0x12d: {  	s2 =	sshra.s32 s2, $0x2  }
0x12e: {  	v1 =	vld [tilespmem:s2+$0x7988];
	_ =	sdelay $0x3  }
0x12f: {  	s0 =	sshra.s32 s0, $0x2  }
0x130: {  	[tilespmem:s0+$0x108] =	vst.add.f32.msk $0xffff, v1  }
0x131: {  	v1 =	vld [tilespmem:s2+$0x7998];
	_ =	sdelay $0x4  }
0x132: {  	[tilespmem:s0+$0x118] =	vst.add.f32.msk $0xffff, v1  }
0x133: {  	v1 =	vld [tilespmem:s2+$0x79A8];
	_ =	sdelay $0x4  }
0x134: {  	[tilespmem:s0+$0x128] =	vst.add.f32.msk $0xffff, v1  }
0x135: {  	v1 =	vld [tilespmem:s2+$0x79B8];
	_ =	sdelay $0x4  }
0x136: {  	[tilespmem:s0+$0x138] =	vst.add.f32.msk $0xffff, v1  }
0x137: {  	v1 =	vld [tilespmem:s2+$0x79C8];
	_ =	sdelay $0x4  }
0x138: {  	[tilespmem:s0+$0x148] =	vst.add.f32.msk $0xffff, v1  }
0x139: {  	v1 =	vld [tilespmem:s2+$0x79D8];
	_ =	sdelay $0x4  }
0x13a: {  	[tilespmem:s0+$0x158] =	vst.add.f32.msk $0xffff, v1  }
0x13b: {  	v1 =	vld [tilespmem:s2+$0x79E8];
	_ =	sdelay $0x4  }
0x13c: {  	[tilespmem:s0+$0x168] =	vst.add.f32.msk $0xffff, v1  }
0x13d: {  	v1 =	vld [tilespmem:s2+$0x79F8];
	_ =	sdelay $0x2  }
0x13e: {  	p1 =	sgt.u32 s29, $0x277F0  }
0x13f: {  	s2 =	sand.u32 @!p1 $0x3FFF8, s29  }
0x140: {  	s3 =	sadd.s32 $0x108, s0;
	[tilespmem:s0+$0x178] =	vst.add.f32.msk $0xffff, v1;
	s0 =	sadd.s32 @!p1 s1, s2;
	s2 =	sand.u32 @!p1 $0x7, s29  }
0x141: {  	[hbm4b:s0+s2] =	stream.linear.scatter @!p1 [tilespmem:s3], [sflag:$0xC], $0x80, $0x38;
	[tilespmem:$0x1F6F8] =	vst v63  }
0x142: {  	s0 =	simm.s32 $0x0  }
0x143: {  	s0 =	simm.s32 @!p1 $0x200  }
0x144: {  	s31 =	sadd.s32 s0, s31  }
.LBB3_16:
0x145: {  	s0 =	sadd.s32 $0x1, s22  }
0x146: {  	s2 =	smulhi.u32 $0x88888889, s0;
	_ =	sdelay $0x1  }
0x147: {  	v1 =	vld [tilespmem:s25+$0xFFFFFFC0];
	s2 =	sshrl.u32 s2, $0x7  }
0x148: {  	s2 =	smul.u32 $0xF0, s2;
	_ =	sdelay $0x1  }
0x149: {  	s22 =	ssub.s32 s0, s2  }
0x14a: {  	s0 =	sshll.u32 s22, $0x7  }
0x14b: {  	[tilespmem:s0+$0x108] =	vst v1  }
0x14c: {  	v1 =	vld [tilespmem:s25+$0xFFFFFFD0];
	_ =	sdelay $0x4  }
0x14d: {  	[tilespmem:s0+$0x118] =	vst v1  }
0x14e: {  	v1 =	vld [tilespmem:s25+$0xFFFFFFE0];
	_ =	sdelay $0x4  }
0x14f: {  	[tilespmem:s0+$0x128] =	vst v1  }
0x150: {  	v1 =	vld [tilespmem:s25+$0xFFFFFFF0];
	_ =	sdelay $0x4  }
0x151: {  	[tilespmem:s0+$0x138] =	vst v1  }
0x152: {  	v1 =	vld [tilespmem:s25+$0x0];
	_ =	sdelay $0x4  }
0x153: {  	[tilespmem:s0+$0x148] =	vst v1  }
0x154: {  	v1 =	vld [tilespmem:s25+$0x10];
	_ =	sdelay $0x4  }
0x155: {  	[tilespmem:s0+$0x158] =	vst v1  }
0x156: {  	v1 =	vld [tilespmem:s25+$0x20];
	_ =	sdelay $0x4  }
0x157: {  	[tilespmem:s0+$0x168] =	vst v1  }
0x158: {  	v1 =	vld [tilespmem:s25+$0x30]  }
.Ltmp20:
0x159: {  	_ = 	snop;
	(pc) =	sbr.rel .LBB3_17-.Ltmp20, $2  }
0x15a: {  	_ =	sdelay $0x2  }
0x15b: {  	s28 =	sadd.s32 $0x1, s28;
	[tilespmem:s0+$0x178] =	vst v1  }
.LBB3_19:
.Ltmp21:
0x15c: {  	(pc) =	sbr.rel .LBB3_20-.Ltmp21, $4  }
0x15d: {  	_ = 	snop  }
0x15e: {  	s0 =	simm.s32 $0x2  }
0x15f: {  	_ =	swait.ge [sflag:s0], $0x0  }
0x160: {  	s30 =	smov.u32 s29;
	[sflag:s0] =	ssyncset.done $0x0;
	s0 =	simm.s32 $0x0  }
.LBB3_22:
0x161: {  	_ =	sfence.sel $0x180000  }
0x162: {  	s0 =	simm.s32 $0x9;
	[bflag:$0x0] =	sbarrier.arrive $0xFFFF  }
0x163: {  	s24 =	simm.s32 $0xA;
	[sflag:s0] =	ssyncpa.u1 $0x1  }
0x164: {  	s25 =	simm.s32 $0xB;
	[sflag:s24] =	ssyncpa.u1 $0x1  }
0x165: {  	s26 =	simm.s32 $0x2;
	[sflag:s25] =	ssyncpa.u1 $0x1  }
0x166: {  	[sflag:s26] =	ssyncpa.u1 $0x1  }
0x167: {  	v0 =	vld [tilespmem:$0xF208];
	_ =	sdelay $0x4  }
0x168: {  	(v2sf) =	vpush v0, $0x0  }
0x169: {  	(v2sf) =	vpush v0, $0x1;
	_ =	sdelay $0x1  }
0x16a: {  	(v2sf) =	vpush v0, $0x2;
	_ =	sdelay $0xb  }
0x16b: {  	s0 =	spop (v2sf)  }
0x16c: {  	s2 =	spop (v2sf)  }
0x16d: {  	s3 =	smov.u32 s0;
	p0 =	sne.s32 s0, s2  }
0x16e: {  	s4 =	spop (v2sf);
	s3 =	simm.s32 @!p0 $0xFFFFFFFF  }
0x16f: {  	v2 =	vimm.s32 $0x1;
	v3 =	vlaneseq.u32;
	p0 =	seq.s32 s4, $0xFFFFFFFF;
	v1 =	vmov s3  }
0x170: {  	s16 =	stileid.u32;
	v0 =	vperm.xlane v0, v2;
	p1 =	sne.s32 @!p0 s0, s2;
	v1 =	vperm.xlane v1, v3  }
0x171: {  	vm0 =	vcmask $0x3F04;
	s6 =	simm.s32 $0xF208;
	s0 =	simm.s32 @!p0 $0x1;
	p1 =	por !p1, p0  }
0x172: {  	s3 =	sshll.u32 s16, $0x1;
	s2 =	sshll.u32 @!p0 s4, $0x9;
	s0 =	simm.s32 @p1 $0x0;
	v0 =	vsel vm0, v1, v0  }
0x173: {  	s5 =	sor.u32 $0x1000, s3;
	s2 =	sshra.s32 @!p0 s2, $0x2;
	s0 =	sor.u32 @!p0 s0, s3;
	[tilespmem:$0xF208] =	vst v0  }
0x174: {  	[spmem:s5] =	stream.linear.scatter [tilespmem:s6], [sflag:$0x1], $0x2, $0x38;
	[tilespmem:$0x1F6F8] =	vst v63  }
0x175: {  	s2 =	sadd.s32 @!p0 $0x108, s2;
	s0 =	sshll.u32 @!p0 s0, $0x7  }
0x176: {  	[spmem:s0] =	stream.linear.scatter @!p0 [tilespmem:s2], [sflag:$0x1], $0x80, $0x38;
	[tilespmem:$0x1F6F8] =	vst v63  }
0x177: {  	s0 =	simm.s32 @!p0 $0x82  }
0x178: {  	s28 =	simm.s32 $0x1;
	s0 =	simm.s32 @p0 $0x2  }
0x179: {  	_ =	swait.ge [sflag:s28], s0  }
0x17a: {  	s0 =	ssub.s32 $0x0, s0;
	[sflag:s28] =	ssyncset.done $0x0  }
0x17b: {  	p0 =	sne.s32 s16, $0x0;
	[sflag:s28] =	ssyncadd.s32 s0  }
.Ltmp22:
0x17c: {  	_ =	sfence.stream.spmem;
	(pc) =	sbr.rel @p0 .LBB3_39-.Ltmp22, $4  }
0x17d: {  	s29 =	simm.s32 $0x3;
	[bflag:$0x0] =	sbarrier.arrive $0xFFFF  }
0x17e: {  	s30 =	simm.s32 $0x4;
	[sflag:s29] =	ssyncpa.u1 $0x1  }
0x17f: {  	s31 =	simm.s32 $0x3C;
	[sflag:s30] =	ssyncpa.u1 $0x1  }
0x180: {  	s15 =	rddreg [dreg:$0x4];
	[sflag:s31] =	ssyncpa.u1 $0x1  }
0x181: {  	_ =	sfence.stream.spmem;
	s0 =	simm.s32 $0x5  }
0x182: {  	s2 =	simm.s32 $0x1000;
	s3 =	simm.s32 $0xF218;
	[sflag:s0] =	ssyncpa.u1 $0x0  }
0x183: {  	[tilespmem:s3], [sflag:$0x5] =	stream.linear.gather [spmem:s2], $0x20, $0x38;
	[tilespmem:$0x1F6F8] =	vst v63  }
0x184: {  	s26 =	simm.s32 $0x0;
	s28 =	simm.s32 $0xF238  }
0x185: {  	[tilespmem:s28], [sflag:$0x5] =	stream.linear.gather [spmem:s26], $0x1000, $0x38;
	[tilespmem:$0x1F6F8] =	vst v63  }
0x186: {  	_ =	swait.ge [sflag:s0], $0x1020  }
0x187: {  	[sflag:s0] =	ssyncset.done $0x0  }
0x188: {  	s29 =	simm.s32 $0x0;
	[sflag:s0] =	ssyncadd.s32 $0xFFFFEFE0  }
0x189: {  	v0 =	vld.msk [tilespmem:s29+$0xF218], $0x1;
	_ =	sdelay $0x1  }
0x18a: {  	s30 =	simm.s32 $0x1  }
0x18b: {  	v1 =	vld.msk [tilespmem:s30+$0xF218], $0x1;
	_ =	sdelay $0x1  }
0x18c: {  	(v2sf) =	vpush v0, $0x0;
	_ =	sdelay $0x2  }
0x18d: {  	(v2sf) =	vpush v1, $0x0;
	_ =	sdelay $0x2  }
0x18e: {  	s31 =	simm.s32 $0x2  }
0x18f: {  	v0 =	vld.msk [tilespmem:s31+$0xF218], $0x1;
	_ =	sdelay $0x2  }
0x190: {  	s4 =	simm.s32 $0xFFFFFFFF;
	s5 =	simm.s32 $0xFFFFFFFF;
	s0 =	simm.s32 $0xC  }
.LBB3_24:
0x191: {  	s2 =	smov.u32 s5;
	s3 =	smov.u32 s4  }
0x192: {  	s4 =	sshra.s32 s0, $0x2;
	p1 =	sne.s32 s0, $0x7C;
	s0 =	sadd.s32 $0x4, s0;
	(v2sf) =	vpush v0, $0x0  }
0x193: {  	v0 =	vld.msk [tilespmem:s4+$0xF218], $0x1  }
.Ltmp23:
0x194: {  	(pc) =	sbr.rel @p1 .LBB3_24-.Ltmp23, $4  }
0x195: {  	s5 =	spop (v2sf)  }
0x196: {  	p2 =	sne.s32 s3, $0xFFFFFFFF;
	s4 =	smov.u32 s5  }
0x197: {  	p3 =	seq.s32 s5, $0xFFFFFFFF;
	s4 =	smov.u32 @p2 s3  }
0x198: {  	s5 =	smov.u32 @p3 s2;
	s4 =	smov.u32 @p3 s3  }
0x199: {  	(v2sf) =	vpush v0, $0x0;
	_ =	sdelay $0x8  }
0x19a: {  	s0 =	spop (v2sf)  }
0x19b: {  	p1 =	sne.s32 s4, $0xFFFFFFFF;
	s2 =	smov.u32 s0  }
0x19c: {  	s9 =	simm.s32 $0x6;
	p2 =	seq.s32 s0, $0xFFFFFFFF;
	s2 =	smov.u32 @p1 s4  }
0x19d: {  	s6 =	simm.s32 $0x0;
	s2 =	smov.u32 @p2 s4;
	s3 =	spop (v2sf)  }
0x19e: {  	s0 =	smov.u32 @p2 s5;
	p1 =	sne.s32 s2, $0xFFFFFFFF;
	s4 =	smov.u32 s3  }
.Ltmp24:
0x19f: {  	p2 =	seq.s32 s3, $0xFFFFFFFF;
	s4 =	smov.u32 @p1 s2;
	(pc) =	sbr.rel .LBB3_26-.Ltmp24, $4  }
0x1a0: {  	s10 =	simm.s32 $0xF188;
	s4 =	smov.u32 @p2 s2;
	s7 =	spop (v2sf)  }
0x1a1: {  	s11 =	simm.s32 $0x0;
	p1 =	sne.s32 s4, $0xFFFFFFFF;
	s8 =	smov.u32 s7  }
0x1a2: {  	s3 =	smov.u32 @p2 s0;
	p2 =	seq.s32 s7, $0xFFFFFFFF;
	s8 =	smov.u32 @p1 s4  }
0x1a3: {  	[sflag:s9] =	ssyncpa.u1 $0x0;
	s7 =	smov.u32 @p2 s3;
	s8 =	smov.u32 @p2 s4  }
.LBB3_32:
0x1a4: {  	p1 =	sgt.u32 s12, $0x277F0  }
0x1a5: {  	p2 =	seq.s32 @!p1 s12, s8  }
0x1a6: {  	p1 =	por p1, p2  }
0x1a7: {  	p2 =	sne.s32 @!p1 s12, s7  }
0x1a8: {  	p1 =	por p1, !p2  }
0x1a9: {  	s0 =	sshll.u32 @p1 s11, $0x9  }
0x1aa: {  	s0 =	sand.u32 @!p1 $0x3FFF8, s12  }
0x1ab: {  	s2 =	sand.u32 @!p1 $0x7, s12;
	s0 =	sadd.s32 @!p1 s1, s0  }
0x1ac: {  	[tilespmem:s10], [sflag:$0x6] =	stream.linear.gather @!p1 [hbm4b:s0+s2], $0x80, $0x38;
	[tilespmem:$0x1F6F8] =	vst v63  }
0x1ad: {  	_ =	swait.ge @!p1 [sflag:s9], $0x80  }
0x1ae: {  	[sflag:s9] =	ssyncset.done @!p1 $0x0  }
0x1af: {  	[sflag:s9] =	ssyncadd.s32 @!p1 $0xFFFFFF80  }
0x1b0: {  	v1 =	vld @!p1 [tilespmem:$0xF188];
	_ =	sdelay $0x2  }
0x1b1: {  	s0 =	sshll.u32 @!p1 s11, $0x9  }
0x1b2: {  	s2 =	sshrl.u32 @!p1 s0, $0x2  }
0x1b3: {  	[tilespmem:s2+$0xF238] =	vst.add.f32.msk @!p1 $0xffff, v1  }
0x1b4: {  	v1 =	vld @!p1 [tilespmem:$0xF198];
	_ =	sdelay $0x4  }
0x1b5: {  	[tilespmem:s2+$0xF248] =	vst.add.f32.msk @!p1 $0xffff, v1  }
0x1b6: {  	v1 =	vld @!p1 [tilespmem:$0xF1A8];
	_ =	sdelay $0x4  }
0x1b7: {  	[tilespmem:s2+$0xF258] =	vst.add.f32.msk @!p1 $0xffff, v1  }
0x1b8: {  	v1 =	vld @!p1 [tilespmem:$0xF1B8];
	_ =	sdelay $0x4  }
0x1b9: {  	[tilespmem:s2+$0xF268] =	vst.add.f32.msk @!p1 $0xffff, v1  }
0x1ba: {  	v1 =	vld @!p1 [tilespmem:$0xF1C8];
	_ =	sdelay $0x4  }
0x1bb: {  	[tilespmem:s2+$0xF278] =	vst.add.f32.msk @!p1 $0xffff, v1  }
0x1bc: {  	v1 =	vld @!p1 [tilespmem:$0xF1D8];
	_ =	sdelay $0x4  }
0x1bd: {  	[tilespmem:s2+$0xF288] =	vst.add.f32.msk @!p1 $0xffff, v1  }
0x1be: {  	v1 =	vld @!p1 [tilespmem:$0xF1E8];
	_ =	sdelay $0x4  }
0x1bf: {  	[tilespmem:s2+$0xF298] =	vst.add.f32.msk @!p1 $0xffff, v1  }
0x1c0: {  	v1 =	vld @!p1 [tilespmem:$0xF1F8];
	_ =	sdelay $0x4  }
0x1c1: {  	[tilespmem:s2+$0xF2A8] =	vst.add.f32.msk @!p1 $0xffff, v1  }
0x1c2: {  	s0 =	sshrl.u32 s0, $0x2;
	[tilespmem:s6+$0xF218] =	vst.msk $0x1, v0  }
0x1c3: {  	v0 =	vld [tilespmem:s0+$0xF238];
	_ =	sdelay $0x2  }
0x1c4: {  	s31 =	sshll.u32 s6, $0x9  }
0x1c5: {  	s2 =	sshra.s32 s31, $0x2  }
0x1c6: {  	[tilespmem:s2+$0xF238] =	vst v0  }
0x1c7: {  	v0 =	vld [tilespmem:s0+$0xF248];
	_ =	sdelay $0x4  }
0x1c8: {  	[tilespmem:s2+$0xF248] =	vst v0  }
0x1c9: {  	v0 =	vld [tilespmem:s0+$0xF258];
	_ =	sdelay $0x4  }
0x1ca: {  	[tilespmem:s2+$0xF258] =	vst v0  }
0x1cb: {  	v0 =	vld [tilespmem:s0+$0xF268];
	_ =	sdelay $0x4  }
0x1cc: {  	[tilespmem:s2+$0xF268] =	vst v0  }
0x1cd: {  	v0 =	vld [tilespmem:s0+$0xF278];
	_ =	sdelay $0x4  }
0x1ce: {  	[tilespmem:s2+$0xF278] =	vst v0  }
0x1cf: {  	v0 =	vld [tilespmem:s0+$0xF288];
	_ =	sdelay $0x4  }
0x1d0: {  	[tilespmem:s2+$0xF288] =	vst v0  }
0x1d1: {  	v0 =	vld [tilespmem:s0+$0xF298];
	_ =	sdelay $0x4  }
0x1d2: {  	[tilespmem:s2+$0xF298] =	vst v0  }
0x1d3: {  	v0 =	vld [tilespmem:s0+$0xF2A8];
	_ =	sdelay $0x4  }
0x1d4: {  	s6 =	sadd.s32 $0x1, s6;
	[tilespmem:s2+$0xF2A8] =	vst v0  }
.LBB3_33:
0x1d5: {  	s11 =	sadd.s32 $0x1, s11  }
0x1d6: {  	p1 =	sne.s32 s11, $0x20  }
.Ltmp25:
0x1d7: {  	_ = 	snop;
	(pc) =	sbr.rel @!p1 .LBB3_34-.Ltmp25, $1  }
0x1d8: {  	_ =	sdelay $0x3  }
.LBB3_26:
0x1d9: {  	v0 =	vld.msk [tilespmem:s11+$0xF218], $0x1;
	_ =	sdelay $0x4  }
0x1da: {  	(v2sf) =	vpush v0, $0x0;
	_ =	sdelay $0xe  }
0x1db: {  	s12 =	spop (v2sf)  }
0x1dc: {  	p1 =	seq.s32 s12, $0xFFFFFFFF  }
.Ltmp26:
0x1dd: {  	_ = 	snop;
	(pc) =	sbr.rel @p1 .LBB3_33-.Ltmp26, $1  }
0x1de: {  	_ =	sdelay $0x3  }
0x1df: {  	p1 =	slt.s32 s6, $0x1  }
.Ltmp27:
0x1e0: {  	_ = 	snop;
	(pc) =	sbr.rel @p1 .LBB3_32-.Ltmp27, $1  }
0x1e1: {  	_ =	sdelay $0x3  }
0x1e2: {  	s13 =	simm.s32 $0xF218;
	p1 =	por $0x0, $0x0  }
0x1e3: {  	v1 =	vld.msk @!p1 [tilespmem:s13+$0x0], $0x1;
	_ =	sdelay $0x4  }
0x1e4: {  	(v2sf) =	vpush @!p1 v1, $0x0;
	_ =	sdelay $0xd  }
0x1e5: {  	p3 =	sne.s32 s6, $0x1  }
.Ltmp28:
0x1e6: {  	s0 =	spop @!p1 (v2sf);
	(pc) =	sbr.rel @!p3 .LBB3_30-.Ltmp28, $4  }
0x1e7: {  	p2 =	seq.s32 @!p1 s12, s0  }
0x1e8: {  	s14 =	simm.s32 $0x0;
	p2 =	por !p2, p1  }
0x1e9: {  	s2 =	simm.s32 $0xFFFFFFFF;
	s14 =	simm.s32 @p2 $0xFFFFFFFF  }
0x1ea: {  	s0 =	simm.s32 $0x1;
	s14 =	smov.u32 @p1 s2  }
.LBB3_29:
0x1eb: {  	s2 =	smov.u32 s14;
	p1 =	sne.s32 s14, $0xFFFFFFFF  }
0x1ec: {  	s13 =	sadd.s32 $0x1, s13;
	s14 =	smov.u32 s0;
	s0 =	sadd.s32 $0x1, s0  }
0x1ed: {  	p2 =	sne.s32 s6, s0;
	v1 =	vld.msk @!p1 [tilespmem:s13+$0x0], $0x1;
	_ =	sdelay $0x4  }
0x1ee: {  	(v2sf) =	vpush @!p1 v1, $0x0;
	_ =	sdelay $0xe  }
.Ltmp29:
0x1ef: {  	s3 =	spop @!p1 (v2sf);
	(pc) =	sbr.rel @p2 .LBB3_29-.Ltmp29, $4  }
0x1f0: {  	p3 =	seq.s32 @!p1 s12, s3  }
0x1f1: {  	p3 =	por !p3, p1  }
0x1f2: {  	s14 =	simm.s32 @p3 $0xFFFFFFFF  }
0x1f3: {  	s14 =	smov.u32 @p1 s2  }
.LBB3_30:
0x1f4: {  	p1 =	seq.s32 s14, $0xFFFFFFFF  }
.Ltmp30:
0x1f5: {  	_ = 	snop;
	(pc) =	sbr.rel @p1 .LBB3_32-.Ltmp30, $1  }
0x1f6: {  	_ =	sdelay $0x3  }
0x1f7: {  	s0 =	sshll.u32 s11, $0x7  }
0x1f8: {  	s0 =	sand.u32 $0x3FFFFF80, s0  }
0x1f9: {  	v0 =	vld [tilespmem:s0+$0xF238];
	_ =	sdelay $0x2  }
0x1fa: {  	s2 =	sshll.u32 s14, $0x9  }
0x1fb: {  	s2 =	sshra.s32 s2, $0x2  }
0x1fc: {  	[tilespmem:s2+$0xF238] =	vst.add.f32.msk $0xffff, v0  }
0x1fd: {  	v0 =	vld [tilespmem:s0+$0xF248];
	_ =	sdelay $0x4  }
0x1fe: {  	[tilespmem:s2+$0xF248] =	vst.add.f32.msk $0xffff, v0  }
0x1ff: {  	v0 =	vld [tilespmem:s0+$0xF258];
	_ =	sdelay $0x4  }
0x200: {  	[tilespmem:s2+$0xF258] =	vst.add.f32.msk $0xffff, v0  }
0x201: {  	v0 =	vld [tilespmem:s0+$0xF268];
	_ =	sdelay $0x4  }
0x202: {  	[tilespmem:s2+$0xF268] =	vst.add.f32.msk $0xffff, v0  }
0x203: {  	v0 =	vld [tilespmem:s0+$0xF278];
	_ =	sdelay $0x4  }
0x204: {  	[tilespmem:s2+$0xF278] =	vst.add.f32.msk $0xffff, v0  }
0x205: {  	v0 =	vld [tilespmem:s0+$0xF288];
	_ =	sdelay $0x4  }
0x206: {  	[tilespmem:s2+$0xF288] =	vst.add.f32.msk $0xffff, v0  }
0x207: {  	v0 =	vld [tilespmem:s0+$0xF298];
	_ =	sdelay $0x4  }
0x208: {  	[tilespmem:s2+$0xF298] =	vst.add.f32.msk $0xffff, v0  }
0x209: {  	v0 =	vld [tilespmem:s0+$0xF2A8]  }
.Ltmp31:
0x20a: {  	_ = 	snop;
	(pc) =	sbr.rel .LBB3_33-.Ltmp31, $2  }
0x20b: {  	_ =	sdelay $0x2  }
0x20c: {  	[tilespmem:s2+$0xF2A8] =	vst.add.f32.msk $0xffff, v0  }
.LBB3_34:
0x20d: {  	s0 =	simm.s32 $0x6;
	p1 =	seq.s32 s6, $0x0  }
0x20e: {  	[sflag:s0] =	ssyncpa.u1 $0x1;
	v0 =	vimm.s32 @p1 $0xFFFFFFFF  }
0x20f: {  	s9 =	sadd.s32 $0xFFFFFFFF, s6;
	[tilespmem:$0x10238] =	vst @p1 v0  }
0x210: {  	v0 =	vld.msk @!p1 [tilespmem:s9+$0xF218], $0x1;
	_ =	sdelay $0x1  }
0x211: {  	v1 =	vld.msk @!p1 [tilespmem:$0xF218], $0x1;
	_ =	sdelay $0x2  }
0x212: {  	p2 =	seq.s32 @!p1 s9, $0x0;
	v0 =	vbroadcast @!p1 v0, $0x0  }
0x213: {  	vm0 =	vmmov @!p1 $0x1;
	p2 =	por !p2, p1  }
0x214: {  	v1 =	vnsel @!p1 vm0, $0xFFFFFFFF, v1;
	vm0 =	vcmask @!p1 $0x308;
	v0 =	vpsel !p2, $0xFFFFFFFF, v0  }
0x215: {  	p2 =	sne.s32 @!p1 s8, s7;
	v0 =	vsel @!p1 vm0, v1, v0  }
0x216: {  	s0 =	simm.s32 @!p1 $0xF238;
	s2 =	simm.s32 @!p1 $0x0;
	p3 =	por !p2, p1;
	[tilespmem:$0x10238] =	vst @!p1 v0  }
0x217: {  	[spmem:s2] =	stream.linear.scatter @!p1 [tilespmem:s0], [sflag:$0x1], $0x80, $0x38;
	[tilespmem:$0x1F6F8] =	vst v63  }
0x218: {  	s0 =	sshll.u32 @!p3 s9, $0x9  }
0x219: {  	s0 =	sshra.s32 @!p3 s0, $0x2  }
0x21a: {  	s2 =	simm.s32 @!p3 $0x80;
	s0 =	sadd.s32 @!p3 $0xF238, s0  }
0x21b: {  	[spmem:s2] =	stream.linear.scatter @!p3 [tilespmem:s0], [sflag:$0x1], $0x80, $0x38;
	[tilespmem:$0x1F6F8] =	vst v63  }
0x21c: {  	s0 =	simm.s32 @!p3 $0x1  }
0x21d: {  	_ =	swait.ge @!p3 [sflag:s0], $0x100  }
0x21e: {  	p1 =	por p2, p1;
	[sflag:s0] =	ssyncset.done @!p3 $0x0  }
0x21f: {  	[sflag:s0] =	ssyncadd.s32 @!p3 $0xFFFFFF00;
	s0 =	simm.s32 @!p1 $0x1  }
0x220: {  	_ =	swait.ge @!p1 [sflag:s0], $0x80  }
0x221: {  	s29 =	simm.s32 $0x10238;
	[sflag:s0] =	ssyncset.done @!p1 $0x0  }
0x222: {  	s30 =	simm.s32 $0x1000;
	s31 =	simm.s32 $0x1;
	[sflag:s0] =	ssyncadd.s32 @!p1 $0xFFFFFF80  }
0x223: {  	[spmem:s30] =	stream.linear.scatter [tilespmem:s29], [sflag:$0x1], $0x10, $0x38;
	[tilespmem:$0x1F6F8] =	vst v63  }
0x224: {  	_ =	swait.ge [sflag:s31], $0x10  }
0x225: {  	[sflag:s31] =	ssyncset.done $0x0  }
0x226: {  	p1 =	seq.s32 s15, $0x0;
	s8 =	rddreg [dreg:$0x1];
	[sflag:s31] =	ssyncadd.s32 $0xFFFFFFF0  }
0x227: {  	s2 =	sshll.u32 @p1 s8, $0xE;
	s7 =	rddreg [dreg:$0x2]  }
0x228: {  	s0 =	sadd.s32 @p1 $0x15C3C, s2;
	s2 =	sshll.u32 @p1 s7, $0x11  }
0x229: {  	_ =	sfence.stream.spmem;
	s0 =	sor.u32 @p1 s2, s0  }
0x22a: {  	[sflag:s0] =	ssyncadd.remote.s32 @p1 $0x1;
	s0 =	simm.s32 @p1 $0x4  }
0x22b: {  	s3 =	simm.s32 @!p1 $0x3C;
	s2 =	sand.u32 $0xFFFFFFFE, s8;
	_ =	swait.ge @p1 [sflag:s0], $0x22  }
0x22c: {  	s4 =	simm.s32 @!p1 $0x0;
	s2 =	sadd.s32 @!p1 $0x4, s2;
	[sflag:s0] =	ssyncset.done @p1 $0x0  }
0x22d: {  	s5 =	simm.s32 @!p1 $0x100;
	[sflag:s0] =	ssyncadd.s32 @p1 $0xFFFFFFDE;
	s0 =	sshll.u32 @!p1 s2, $0x1A  }
0x22e: {  	s2 =	sshll.u32 @!p1 s2, $0xD;
	s0 =	sor.u32 @!p1 s0, s7;
	_ =	swait.eq @!p1 [sflag:s3], $0x1  }
0x22f: {  	s2 =	sor.u32 @!p1 $0x1C04, s2;
	s3 =	simm.s32 @!p1 $0x1C03;
	s0 =	sor.u32 @!p1 $0x80004000, s0  }
0x230: {  	[spmem:s5], [sflag:s2] =	dma.general @!p1 [spmem:s4], [sflag:s3], length:$0x20, [dreg:$0x0], stride_count:$0x0, ici_dest:s0, dma_misc:DstOpCode:WRITE  }
0x231: {  	p2 =	slt.s32 s9, $0x2;
	s4 =	simm.s32 @!p1 $0x200;
	s5 =	simm.s32 @!p1 $0x202  }
0x232: {  	[spmem:s5], [sflag:s2] =	dma.general @!p1 [spmem:s4], [sflag:s3], length:$0x2, [dreg:$0x0], stride_count:$0x0, ici_dest:s0, dma_misc:DstOpCode:WRITE  }
.Ltmp32:
0x233: {  	s0 =	simm.s32 @!p1 $0x3;
	(pc) =	sbr.rel @p2 .LBB3_38-.Ltmp32, $4  }
0x234: {  	s2 =	sshll.u32 @!p1 s8, $0xE;
	_ =	swait.ge @!p1 [sflag:s0], $0x22  }
0x235: {  	s3 =	sshll.u32 @!p1 s7, $0x11;
	s2 =	sadd.s32 @!p1 $0x11C3C, s2;
	[sflag:s0] =	ssyncset.done @!p1 $0x0  }
0x236: {  	[sflag:s0] =	ssyncadd.s32 @!p1 $0xFFFFFFDE;
	s0 =	sor.u32 @!p1 s3, s2  }
0x237: {  	[sflag:s0] =	ssyncadd.remote.s32 @!p1 $0xFFFFFFFF;
	s0 =	simm.s32 $0x0  }
0x238: {  	s0 =	simm.s32 $0xF219  }
0x239: {  	v0 =	vld.msk [tilespmem:s0+$0x0], $0x1;
	_ =	sdelay $0x4  }
0x23a: {  	(v2sf) =	vpush v0, $0x0;
	_ =	sdelay $0xb  }
0x23b: {  	s31 =	sadd.s32 $0xFFFFFFFE, s6  }
0x23c: {  	s0 =	sadd.s32 $0xFFFFFFFF, s31  }
0x23d: {  	p2 =	sne.s32 s0, $0x0  }
.Ltmp33:
0x23e: {  	s2 =	spop (v2sf);
	(pc) =	sbr.rel @!p2 .LBB3_37-.Ltmp33, $4  }
0x23f: {  	s4 =	simm.s32 $0xF2B8;
	s7 =	simm.s32 $0x0;
	p1 =	sgt.u32 s2, $0x277F0  }
0x240: {  	s5 =	simm.s32 $0x0;
	s6 =	simm.s32 $0xF21A;
	s3 =	sand.u32 @!p1 $0x3FFF8, s2  }
0x241: {  	s2 =	sand.u32 @!p1 $0x7, s2;
	s7 =	simm.s32 @!p1 $0x200;
	s3 =	sadd.s32 @!p1 s1, s3  }
0x242: {  	[hbm4b:s3+s2] =	stream.linear.scatter @!p1 [tilespmem:s4], [sflag:$0x5], $0x80, $0x38;
	[tilespmem:$0x1F6F8] =	vst v63  }
.LBB3_36:
0x243: {  	v0 =	vld.msk [tilespmem:s6+$0x0], $0x1;
	s0 =	sadd.s32 $0xFFFFFFFF, s0;
	s5 =	sadd.s32 s5, s7  }
0x244: {  	p1 =	sne.s32 s0, $0x0;
	_ =	sdelay $0x3  }
0x245: {  	(v2sf) =	vpush v0, $0x0;
	_ =	sdelay $0xe  }
.Ltmp34:
0x246: {  	s2 =	spop (v2sf);
	(pc) =	sbr.rel @p1 .LBB3_36-.Ltmp34, $4  }
0x247: {  	s7 =	simm.s32 $0x0;
	p2 =	sgt.u32 s2, $0x277F0  }
0x248: {  	s4 =	sadd.s32 $0x80, s4;
	s7 =	simm.s32 @!p2 $0x200;
	s3 =	sand.u32 @!p2 $0x3FFF8, s2  }
0x249: {  	s6 =	sadd.s32 $0x1, s6;
	s2 =	sand.u32 @!p2 $0x7, s2;
	s3 =	sadd.s32 @!p2 s1, s3  }
0x24a: {  	[hbm4b:s3+s2] =	stream.linear.scatter @!p2 [tilespmem:s4], [sflag:$0x5], $0x80, $0x38;
	[tilespmem:$0x1F6F8] =	vst v63  }
.LBB3_37:
0x24b: {  	s0 =	sadd.s32 s5, s7  }
0x24c: {  	s0 =	sshrl.u32 s0, $0x2  }
.LBB3_38:
0x24d: {  	s2 =	simm.s32 $0x5  }
0x24e: {  	_ =	swait.ge [sflag:s2], s0  }
0x24f: {  	s31 =	ssub.s32 $0x0, s0;
	[sflag:s2] =	ssyncset.done $0x0  }
0x250: {  	[sflag:s2] =	ssyncadd.s32 s31  }
0x251: {  	[sflag:s2] =	ssyncpa.u1 $0x1  }
.LBB3_39:
0x252: {  	s0 =	sor.u32 s15, s16  }
0x253: {  	p1 =	sne.s32 s0, $0x0  }
.Ltmp35:
0x254: {  	_ = 	snop;
	(pc) =	sbr.rel @p1 .LBB3_54-.Ltmp35, $3  }
0x255: {  	_ =	sdelay $0x1  }
0x256: {  	[bflag:$0x0] =	sbarrier.arrive $0xFFFF  }
0x257: {  	_ =	sfence  }
0x258: {  	s0 =	simm.s32 $0x7  }
0x259: {  	s2 =	simm.s32 $0x1000;
	s3 =	simm.s32 $0xF218;
	[sflag:s0] =	ssyncpa.u1 $0x0  }
0x25a: {  	[tilespmem:s3], [sflag:$0x7] =	stream.linear.gather [spmem:s2], $0x20, $0x38;
	[tilespmem:$0x1F6F8] =	vst v63  }
0x25b: {  	s30 =	simm.s32 $0xF238;
	s2 =	simm.s32 $0x0  }
0x25c: {  	[tilespmem:s30], [sflag:$0x7] =	stream.linear.gather [spmem:s2], $0x1000, $0x38;
	[tilespmem:$0x1F6F8] =	vst v63  }
.Ltmp36:
0x25d: {  	_ = 	snop;
	(pc) =	sbr.rel .LBB3_41-.Ltmp36, $4  }
0x25e: {  	_ =	swait.ge [sflag:s0], $0x1020  }
0x25f: {  	[sflag:s0] =	ssyncset.done $0x0  }
0x260: {  	s31 =	simm.s32 $0x8;
	[sflag:s0] =	ssyncadd.s32 $0xFFFFEFE0  }
0x261: {  	s3 =	simm.s32 $0x0;
	[sflag:s31] =	ssyncpa.u1 $0x0  }
.LBB3_47:
0x262: {  	p1 =	slt.u32 s4, $0x277F1  }
0x263: {  	s0 =	sand.u32 @p1 $0x3FFF8, s4  }
0x264: {  	s4 =	sand.u32 @p1 $0x7, s4;
	s5 =	simm.s32 @p1 $0xF188;
	s0 =	sadd.s32 @p1 s1, s0  }
0x265: {  	[tilespmem:s5], [sflag:$0x8] =	stream.linear.gather @p1 [hbm4b:s0+s4], $0x80, $0x38;
	[tilespmem:$0x1F6F8] =	vst v63  }
0x266: {  	s0 =	simm.s32 @p1 $0x8  }
0x267: {  	_ =	swait.ge @p1 [sflag:s0], $0x80  }
0x268: {  	[sflag:s0] =	ssyncset.done @p1 $0x0  }
0x269: {  	[sflag:s0] =	ssyncadd.s32 @p1 $0xFFFFFF80  }
0x26a: {  	v1 =	vld @p1 [tilespmem:$0xF188];
	_ =	sdelay $0x2  }
0x26b: {  	s0 =	sshll.u32 @p1 s3, $0x9  }
0x26c: {  	s4 =	sshrl.u32 @p1 s0, $0x2  }
0x26d: {  	[tilespmem:s4+$0xF238] =	vst.add.f32.msk @p1 $0xffff, v1  }
0x26e: {  	v1 =	vld @p1 [tilespmem:$0xF198];
	_ =	sdelay $0x4  }
0x26f: {  	[tilespmem:s4+$0xF248] =	vst.add.f32.msk @p1 $0xffff, v1  }
0x270: {  	v1 =	vld @p1 [tilespmem:$0xF1A8];
	_ =	sdelay $0x4  }
0x271: {  	[tilespmem:s4+$0xF258] =	vst.add.f32.msk @p1 $0xffff, v1  }
0x272: {  	v1 =	vld @p1 [tilespmem:$0xF1B8];
	_ =	sdelay $0x4  }
0x273: {  	[tilespmem:s4+$0xF268] =	vst.add.f32.msk @p1 $0xffff, v1  }
0x274: {  	v1 =	vld @p1 [tilespmem:$0xF1C8];
	_ =	sdelay $0x4  }
0x275: {  	[tilespmem:s4+$0xF278] =	vst.add.f32.msk @p1 $0xffff, v1  }
0x276: {  	v1 =	vld @p1 [tilespmem:$0xF1D8];
	_ =	sdelay $0x4  }
0x277: {  	[tilespmem:s4+$0xF288] =	vst.add.f32.msk @p1 $0xffff, v1  }
0x278: {  	v1 =	vld @p1 [tilespmem:$0xF1E8];
	_ =	sdelay $0x4  }
0x279: {  	[tilespmem:s4+$0xF298] =	vst.add.f32.msk @p1 $0xffff, v1  }
0x27a: {  	v1 =	vld @p1 [tilespmem:$0xF1F8];
	_ =	sdelay $0x3  }
0x27b: {  	s5 =	sshll.u32 @!p1 s3, $0x9  }
0x27c: {  	s5 =	smov.u32 @p1 s0;
	[tilespmem:s4+$0xF2A8] =	vst.add.f32.msk @p1 $0xffff, v1  }
0x27d: {  	s0 =	sshrl.u32 s5, $0x2;
	[tilespmem:s2+$0xF218] =	vst.msk $0x1, v0  }
0x27e: {  	v0 =	vld [tilespmem:s0+$0xF238];
	_ =	sdelay $0x2  }
0x27f: {  	s31 =	sshll.u32 s2, $0x9  }
0x280: {  	s4 =	sshra.s32 s31, $0x2  }
0x281: {  	[tilespmem:s4+$0xF238] =	vst v0  }
0x282: {  	v0 =	vld [tilespmem:s0+$0xF248];
	_ =	sdelay $0x4  }
0x283: {  	[tilespmem:s4+$0xF248] =	vst v0  }
0x284: {  	v0 =	vld [tilespmem:s0+$0xF258];
	_ =	sdelay $0x4  }
0x285: {  	[tilespmem:s4+$0xF258] =	vst v0  }
0x286: {  	v0 =	vld [tilespmem:s0+$0xF268];
	_ =	sdelay $0x4  }
0x287: {  	[tilespmem:s4+$0xF268] =	vst v0  }
0x288: {  	v0 =	vld [tilespmem:s0+$0xF278];
	_ =	sdelay $0x4  }
0x289: {  	[tilespmem:s4+$0xF278] =	vst v0  }
0x28a: {  	v0 =	vld [tilespmem:s0+$0xF288];
	_ =	sdelay $0x4  }
0x28b: {  	[tilespmem:s4+$0xF288] =	vst v0  }
0x28c: {  	v0 =	vld [tilespmem:s0+$0xF298];
	_ =	sdelay $0x4  }
0x28d: {  	[tilespmem:s4+$0xF298] =	vst v0  }
0x28e: {  	v0 =	vld [tilespmem:s0+$0xF2A8];
	_ =	sdelay $0x4  }
0x28f: {  	s2 =	sadd.s32 $0x1, s2;
	[tilespmem:s4+$0xF2A8] =	vst v0  }
.LBB3_48:
0x290: {  	s3 =	sadd.s32 $0x1, s3  }
0x291: {  	p1 =	sne.s32 s3, $0x20  }
.Ltmp37:
0x292: {  	_ = 	snop;
	(pc) =	sbr.rel @!p1 .LBB3_49-.Ltmp37, $1  }
0x293: {  	_ =	sdelay $0x3  }
.LBB3_41:
0x294: {  	v0 =	vld.msk [tilespmem:s3+$0xF218], $0x1;
	_ =	sdelay $0x4  }
0x295: {  	(v2sf) =	vpush v0, $0x0;
	_ =	sdelay $0xe  }
0x296: {  	s4 =	spop (v2sf)  }
0x297: {  	p1 =	seq.s32 s4, $0xFFFFFFFF  }
.Ltmp38:
0x298: {  	_ = 	snop;
	(pc) =	sbr.rel @p1 .LBB3_48-.Ltmp38, $1  }
0x299: {  	_ =	sdelay $0x3  }
0x29a: {  	p1 =	slt.s32 s2, $0x1  }
.Ltmp39:
0x29b: {  	_ = 	snop;
	(pc) =	sbr.rel @p1 .LBB3_47-.Ltmp39, $1  }
0x29c: {  	_ =	sdelay $0x3  }
0x29d: {  	s5 =	simm.s32 $0xF218;
	p1 =	por $0x0, $0x0  }
0x29e: {  	v1 =	vld.msk @!p1 [tilespmem:s5+$0x0], $0x1;
	_ =	sdelay $0x4  }
0x29f: {  	(v2sf) =	vpush @!p1 v1, $0x0;
	_ =	sdelay $0xd  }
0x2a0: {  	p3 =	sne.s32 s2, $0x1  }
.Ltmp40:
0x2a1: {  	s0 =	spop @!p1 (v2sf);
	(pc) =	sbr.rel @!p3 .LBB3_45-.Ltmp40, $4  }
0x2a2: {  	p2 =	seq.s32 @!p1 s4, s0  }
0x2a3: {  	s6 =	simm.s32 $0x0;
	p2 =	por !p2, p1  }
0x2a4: {  	s7 =	simm.s32 $0xFFFFFFFF;
	s6 =	simm.s32 @p2 $0xFFFFFFFF  }
0x2a5: {  	s0 =	simm.s32 $0x1;
	s6 =	smov.u32 @p1 s7  }
.LBB3_44:
0x2a6: {  	s7 =	smov.u32 s6;
	p1 =	sne.s32 s6, $0xFFFFFFFF  }
0x2a7: {  	s5 =	sadd.s32 $0x1, s5;
	s6 =	smov.u32 s0;
	s0 =	sadd.s32 $0x1, s0  }
0x2a8: {  	p2 =	sne.s32 s2, s0;
	v1 =	vld.msk @!p1 [tilespmem:s5+$0x0], $0x1;
	_ =	sdelay $0x4  }
0x2a9: {  	(v2sf) =	vpush @!p1 v1, $0x0;
	_ =	sdelay $0xe  }
.Ltmp41:
0x2aa: {  	s8 =	spop @!p1 (v2sf);
	(pc) =	sbr.rel @p2 .LBB3_44-.Ltmp41, $4  }
0x2ab: {  	p3 =	seq.s32 @!p1 s4, s8  }
0x2ac: {  	p3 =	por !p3, p1  }
0x2ad: {  	s6 =	simm.s32 @p3 $0xFFFFFFFF  }
0x2ae: {  	s6 =	smov.u32 @p1 s7  }
.LBB3_45:
0x2af: {  	p1 =	seq.s32 s6, $0xFFFFFFFF  }
.Ltmp42:
0x2b0: {  	_ = 	snop;
	(pc) =	sbr.rel @p1 .LBB3_47-.Ltmp42, $1  }
0x2b1: {  	_ =	sdelay $0x3  }
0x2b2: {  	s0 =	sshll.u32 s3, $0x7  }
0x2b3: {  	s0 =	sand.u32 $0x3FFFFF80, s0  }
0x2b4: {  	v0 =	vld [tilespmem:s0+$0xF238];
	_ =	sdelay $0x2  }
0x2b5: {  	s4 =	sshll.u32 s6, $0x9  }
0x2b6: {  	s4 =	sshra.s32 s4, $0x2  }
0x2b7: {  	[tilespmem:s4+$0xF238] =	vst.add.f32.msk $0xffff, v0  }
0x2b8: {  	v0 =	vld [tilespmem:s0+$0xF248];
	_ =	sdelay $0x4  }
0x2b9: {  	[tilespmem:s4+$0xF248] =	vst.add.f32.msk $0xffff, v0  }
0x2ba: {  	v0 =	vld [tilespmem:s0+$0xF258];
	_ =	sdelay $0x4  }
0x2bb: {  	[tilespmem:s4+$0xF258] =	vst.add.f32.msk $0xffff, v0  }
0x2bc: {  	v0 =	vld [tilespmem:s0+$0xF268];
	_ =	sdelay $0x4  }
0x2bd: {  	[tilespmem:s4+$0xF268] =	vst.add.f32.msk $0xffff, v0  }
0x2be: {  	v0 =	vld [tilespmem:s0+$0xF278];
	_ =	sdelay $0x4  }
0x2bf: {  	[tilespmem:s4+$0xF278] =	vst.add.f32.msk $0xffff, v0  }
0x2c0: {  	v0 =	vld [tilespmem:s0+$0xF288];
	_ =	sdelay $0x4  }
0x2c1: {  	[tilespmem:s4+$0xF288] =	vst.add.f32.msk $0xffff, v0  }
0x2c2: {  	v0 =	vld [tilespmem:s0+$0xF298];
	_ =	sdelay $0x4  }
0x2c3: {  	[tilespmem:s4+$0xF298] =	vst.add.f32.msk $0xffff, v0  }
0x2c4: {  	v0 =	vld [tilespmem:s0+$0xF2A8]  }
.Ltmp43:
0x2c5: {  	_ = 	snop;
	(pc) =	sbr.rel .LBB3_48-.Ltmp43, $2  }
0x2c6: {  	_ =	sdelay $0x2  }
0x2c7: {  	[tilespmem:s4+$0xF2A8] =	vst.add.f32.msk $0xffff, v0  }
.LBB3_49:
0x2c8: {  	p1 =	slt.s32 s2, $0x1  }
.Ltmp44:
0x2c9: {  	_ = 	snop;
	(pc) =	sbr.rel @p1 .LBB3_53-.Ltmp44, $3  }
0x2ca: {  	_ =	sdelay $0x1  }
0x2cb: {  	s0 =	simm.s32 $0x8  }
0x2cc: {  	s3 =	simm.s32 $0x0;
	[sflag:s0] =	ssyncpa.u1 $0x1  }
0x2cd: {  	s0 =	simm.s32 $0xF218  }
0x2ce: {  	v0 =	vld.msk [tilespmem:s0+$0x0], $0x1;
	_ =	sdelay $0x4  }
0x2cf: {  	(v2sf) =	vpush v0, $0x0;
	_ =	sdelay $0xe  }
0x2d0: {  	s0 =	sadd.s32 $0xFFFFFFFF, s2;
	s5 =	spop (v2sf)  }
0x2d1: {  	p2 =	sne.s32 s0, $0x0;
	p1 =	sgt.u32 s5, $0x277F0  }
.Ltmp45:
0x2d2: {  	s6 =	sand.u32 @!p1 $0x3FFF8, s5;
	(pc) =	sbr.rel @!p2 .LBB3_52-.Ltmp45, $4  }
0x2d3: {  	s4 =	simm.s32 $0xF238;
	s5 =	sand.u32 @!p1 $0x7, s5;
	s2 =	sadd.s32 @!p1 s1, s6  }
0x2d4: {  	[hbm4b:s2+s5] =	stream.linear.scatter @!p1 [tilespmem:s4], [sflag:$0x7], $0x80, $0x38;
	[tilespmem:$0x1F6F8] =	vst v63  }
0x2d5: {  	s5 =	simm.s32 $0x0  }
0x2d6: {  	s2 =	simm.s32 $0xF219;
	s5 =	simm.s32 @!p1 $0x200  }
.LBB3_51:
0x2d7: {  	v0 =	vld.msk [tilespmem:s2+$0x0], $0x1;
	s0 =	sadd.s32 $0xFFFFFFFF, s0;
	s3 =	sadd.s32 s3, s5  }
0x2d8: {  	p1 =	sne.s32 s0, $0x0;
	_ =	sdelay $0x3  }
0x2d9: {  	(v2sf) =	vpush v0, $0x0;
	_ =	sdelay $0xe  }
.Ltmp46:
0x2da: {  	s6 =	spop (v2sf);
	(pc) =	sbr.rel @p1 .LBB3_51-.Ltmp46, $4  }
0x2db: {  	s5 =	simm.s32 $0x0;
	p2 =	sgt.u32 s6, $0x277F0  }
0x2dc: {  	s4 =	sadd.s32 $0x80, s4;
	s5 =	simm.s32 @!p2 $0x200;
	s7 =	sand.u32 @!p2 $0x3FFF8, s6  }
0x2dd: {  	s2 =	sadd.s32 $0x1, s2;
	s6 =	sand.u32 @!p2 $0x7, s6;
	s7 =	sadd.s32 @!p2 s1, s7  }
0x2de: {  	[hbm4b:s7+s6] =	stream.linear.scatter @!p2 [tilespmem:s4], [sflag:$0x7], $0x80, $0x38;
	[tilespmem:$0x1F6F8] =	vst v63  }
.LBB3_52:
0x2df: {  	s0 =	sadd.s32 s3, s5  }
0x2e0: {  	s3 =	sshrl.u32 s0, $0x2  }
.LBB3_53:
0x2e1: {  	s0 =	simm.s32 $0x7  }
0x2e2: {  	_ =	swait.ge [sflag:s0], s3  }
0x2e3: {  	s1 =	ssub.s32 $0x0, s3;
	[sflag:s0] =	ssyncset.done $0x0  }
0x2e4: {  	[sflag:s0] =	ssyncadd.s32 s1  }
0x2e5: {  	[sflag:s0] =	ssyncpa.u1 $0x1  }
.LBB3_54:
0x2e6: {  	_ =	sfence;
	s0 =	simm.s32 $0x1  }
0x2e7: {  	[sflag:s0] =	ssyncpa.u1 $0x1  }
0x2e8: {  	_ =	strace $0x9000004D  }
0x2e9: {  	[bflag:$0x2] =	sbarrier.arrive $0xFFFF  }
0x2ea: {  	s0 =	rddreg [dreg:$0x3]  }
0x2eb: {  	s0 =	sadd.s32 @!p0 $0x100000, s0  }
0x2ec: {  	[sflag:s0] =	ssyncadd.tile.s32 @!p0 $0x1;
	_ =	shalt  }
.Lfunc_end3:
_tile_overlayer_lowered:
.L_overlay_start_3:
0x2ed: {  	(tag) =	ssettag $0x3  }
0x2ee: {  	s0 =	rddreg [dreg:$0x0];
	s2 =	stileid.u32  }
0x2ef: {  	s1 =	rddreg [dreg:$0x1];
	p0 =	sne.s32 s2, $0x0  }
0x2f0: {  	s3 =	rddreg [dreg:$0x2];
	[bflag:$0x3] =	sbarrier.arrive $0xFFFF;
	s2 =	simm.s32 @!p0 $0x1C01  }
0x2f1: {  	[timem:s3], [sflag:s2] =	dma.local @!p0 [hbm:s0], s1  }
0x2f2: {  	s0 =	simm.s32 @!p0 $0x1  }
0x2f3: {  	_ =	swait.ge @!p0 [sflag:s0], s1  }
0x2f4: {  	s1 =	ssub.s32 @!p0 $0x0, s1;
	[sflag:s0] =	ssyncset.done @!p0 $0x0  }
0x2f5: {  	[sflag:s0] =	ssyncadd.s32 @!p0 s1  }
0x2f6: {  	[bflag:$0x3] =	sbarrier.arrive $0xFFFF  }
0x2f7: {  	_ =	shalt  }

</sc_bundles>
